<compile_context>
chip_gen: v7x
topology: tpu7x:2x2x1
jax: 0.10.2.dev20260603
libtpu: 0.0.44.dev20260713+nightly
codegen_flags: <defaults>
</compile_context>

<pallas_src>
import functools

import jax
import jax.numpy as jnp
from jax import lax
from jax.experimental import pallas as pl
from jax.experimental.pallas import tpu as pltpu
from jax.experimental.pallas import tpu_sc as plsc

B = 1024
C = 256
K = 256
CT = 96
CS = C - CT
NW = 32
NG = 8
BPW = B // NG
NB = 3
NF = 2
WB = NB * 16
WF = NF * 16
NQ = NW // NG
CPW = CS // NQ
KU = 16
TCU = 8

_HIMASK = -65536


def _widen(word):
    lo = lax.bitcast_convert_type(lax.shift_left(word, 16), jnp.float32)
    hi = lax.bitcast_convert_type(
        lax.bitwise_and(word, jnp.int32(_HIMASK)), jnp.float32)
    return lo, hi


def _sc_body(p1_hbm, p2_hbm, m12_hbm, out_hbm,
             p1_v, p2_v, m12_v, acc_v, dma_sem):
    cid = lax.axis_index("c")
    sid = lax.axis_index("s")
    wid = sid * 2 + cid
    g = lax.rem(wid, NG)
    q = lax.div(wid, NG)
    b0 = g * BPW
    c0 = q * CPW

    cp1 = pltpu.async_copy(p1_hbm.at[g], p1_v, dma_sem)
    cp2 = pltpu.async_copy(p2_hbm.at[g], p2_v, dma_sem)
    cp3 = pltpu.async_copy(m12_hbm.at[pl.ds(c0, CPW), :], m12_v, dma_sem)
    cp1.wait()
    cp2.wait()
    cp3.wait()

    def c_body(ci, carry):
        def k_body(kk, accs):
            accs = list(accs)
            kbase = kk * KU
            iv = m12_v[ci, pl.ds(kbase, KU)]
            for u in range(KU):
                i12 = iv[u]
                i1 = lax.bitwise_and(i12, jnp.int32(0xFFFF))
                i2 = lax.shift_right_logical(i12, 16)
                for h in range(NB):
                    a_lo, a_hi = _widen(p1_v[i1, pl.ds(h * 16, 16)])
                    b_lo, b_hi = _widen(p2_v[i2, pl.ds(h * 16, 16)])
                    accs[2 * h] = accs[2 * h] + a_lo * b_lo
                    accs[2 * h + 1] = accs[2 * h + 1] + a_hi * b_hi
                for j in range(NF):
                    fa = lax.bitcast_convert_type(
                        p1_v[i1, pl.ds(WB + j * 16, 16)], jnp.float32)
                    fb = lax.bitcast_convert_type(
                        p2_v[i2, pl.ds(WB + j * 16, 16)], jnp.float32)
                    accs[2 * NB + j] = accs[2 * NB + j] + fa * fb
            return tuple(accs)

        z = jnp.zeros((16,), jnp.float32)
        accs = lax.fori_loop(0, K // KU, k_body, (z,) * (2 * NB + NF))
        for h in range(NB):
            acc_v[ci, pl.ds(h * 32, 16)] = accs[2 * h]
            acc_v[ci, pl.ds(h * 32 + 16, 16)] = accs[2 * h + 1]
        for j in range(NF):
            acc_v[ci, pl.ds(NB * 32 + j * 16, 16)] = accs[2 * NB + j]
        return carry

    lax.fori_loop(0, CPW, c_body, 0)
    pltpu.sync_copy(acc_v, out_hbm.at[pl.ds(c0, CPW), pl.ds(b0, BPW)])


_sc_call = functools.partial(
    pl.kernel,
    mesh=plsc.VectorSubcoreMesh(core_axis_name="c", subcore_axis_name="s"),
    out_type=jax.ShapeDtypeStruct((CS, B), jnp.float32),
    scratch_types=[
        pltpu.VMEM((C, WB + WF), jnp.int32),
        pltpu.VMEM((C, WB + WF), jnp.int32),
        pltpu.VMEM((CPW, K), jnp.int32),
        pltpu.VMEM((CPW, BPW), jnp.float32),
        pltpu.SemaphoreType.DMA,
    ],
)(_sc_body)


def _tc_body(m1_ref, m2_ref, p1_ref, p2_ref, out_ref):
    def k_body(kk, acc):
        kbase = kk * TCU
        for u in range(TCU):
            i1 = m1_ref[0, 0, kbase + u]
            i2 = m2_ref[0, 0, kbase + u]
            acc = acc + p1_ref[i1] * p2_ref[i2]
        return acc

    acc = lax.fori_loop(0, K // TCU, k_body,
                        jnp.zeros((8, 128), jnp.float32))
    out_ref[0] = acc


_tc_call = pl.pallas_call(
    _tc_body,
    grid=(CT,),
    in_specs=[
        pl.BlockSpec((1, 1, K), lambda c: (c, 0, 0),
                     memory_space=pltpu.SMEM),
        pl.BlockSpec((1, 1, K), lambda c: (c, 0, 0),
                     memory_space=pltpu.SMEM),
        pl.BlockSpec((C, 8, 128), lambda c: (0, 0, 0)),
        pl.BlockSpec((C, 8, 128), lambda c: (0, 0, 0)),
    ],
    out_specs=pl.BlockSpec((1, 8, 128), lambda c: (c, 0, 0)),
    out_shape=jax.ShapeDtypeStruct((CT, 8, 128), jnp.float32),
    compiler_params=pltpu.CompilerParams(
        dimension_semantics=("arbitrary",),
    ),
)


def _sc_tables(pt):
    packed = lax.bitcast_convert_type(
        pt.astype(jnp.bfloat16).reshape(C, B // 2, 2), jnp.int32)
    pb = packed.reshape(C, NG, BPW // 2)[:, :, :WB]
    pf = lax.bitcast_convert_type(
        pt.reshape(C, NG, BPW)[:, :, NB * 32:], jnp.int32)
    return jnp.concatenate([pb, pf], axis=2).transpose(1, 0, 2)


def kernel(pred1, pred2, mapping1, mapping2):
    m1 = mapping1.astype(jnp.int32)
    m2 = mapping2.astype(jnp.int32)
    p1t = pred1.T
    p2t = pred2.T

    p1s = _sc_tables(p1t)
    p2s = _sc_tables(p2t)
    m12 = jnp.bitwise_or(m1[CT:], jnp.left_shift(m2[CT:], 16))
    sc_out = _sc_call(p1s, p2s, m12)
    blk = sc_out.reshape(CS, NG, BPW)
    ev = (blk[:, :, :NB * 32].reshape(CS, NG, NB, 2, 16)
          .transpose(0, 1, 2, 4, 3).reshape(CS, NG, NB * 32))
    sc_fixed = jnp.concatenate([ev, blk[:, :, NB * 32:]],
                               axis=2).reshape(CS, B)

    p1r = p1t.reshape(C, 8, 128)
    p2r = p2t.reshape(C, 8, 128)
    tc_out = _tc_call(m1[:CT].reshape(CT, 1, K),
                      m2[:CT].reshape(CT, 1, K),
                      p1r, p2r).reshape(CT, B)

    out_t = jnp.concatenate([tc_out, sc_fixed], axis=0)
    return out_t.T

# --- scband reference (transcript-rebuilt; emitter-appended) ---
"""Pipeline reference for scband-multi-layer-24635932410331 (READ-ONLY COPY).

The authoritative reference and input builder live on the scoring server;
editing this copy changes nothing except your own understanding.
"""

import jax, jax.numpy as jnp
import numpy as np


def setup_inputs(seed: int = 0) -> dict:
    key = jax.random.key(seed)
    k1, k2, k3, k4 = jax.random.split(key, 4)
    B, C, K = 1024, 256, 256
    pred1 = jax.random.uniform(k1, (B, C), dtype=jnp.float32)
    pred2 = jax.random.uniform(k2, (B, C), dtype=jnp.float32)
    # mapping1/mapping2 stand in for the (a, b) factor-pair indices loaded
    # from utils/mult_mapping.npy: for each of the C classes there are K
    # index pairs into pred1 / pred2.
    mapping1 = jax.random.randint(k3, (C, K), 0, C, dtype=jnp.int64)
    mapping2 = jax.random.randint(k4, (C, K), 0, C, dtype=jnp.int64)
    return {"pred1": pred1, "pred2": pred2, "mapping1": mapping1, "mapping2": mapping2}


def reference(pred1, pred2, mapping1, mapping2):
    # p1 = pred1[:, mapping1] -> [B, classes, K] gather along the class axis
    p1 = jnp.take(pred1, mapping1, axis=1)
    # p2 = pred2[:, mapping2] -> [B, classes, K]
    p2 = jnp.take(pred2, mapping2, axis=1)
    # res = sum over pair axis -> [B, classes]
    res = jnp.sum(p1 * p2, axis=2)
    return res

if __name__ == "__main__":
    import jax
    _d = setup_inputs()
    print(jax.jit(kernel)(*tuple(_d.values())))

</pallas_src>

<mosaic_0001>
#map = affine_map<(d0, d1) -> (0, 0, 0)>
#map1 = affine_map<(d0, d1) -> (0, 0)>
module attributes {stable_mosaic.version = 14 : i64} {
  func.func @_sc_body(%arg0: i32, %arg1: i32, %arg2: memref<8x256x80xi32, #tpu.memory_space<hbm>>, %arg3: memref<8x256x80xi32, #tpu.memory_space<hbm>>, %arg4: memref<160x256xi32, #tpu.memory_space<hbm>>, %arg5: memref<160x1024xf32, #tpu.memory_space<hbm>>, %arg6: memref<256x80xi32, #tpu.memory_space<vmem>>, %arg7: memref<256x80xi32, #tpu.memory_space<vmem>>, %arg8: memref<40x256xi32, #tpu.memory_space<vmem>>, %arg9: memref<40x128xf32, #tpu.memory_space<vmem>>, %arg10: memref<!tpu.dma_semaphore, #tpu.memory_space<semaphore_mem>>) attributes {dimension_semantics = [#tpu.dimension_semantics<core_parallel>, #tpu.dimension_semantics<subcore_parallel>], iteration_bounds = array<i64: 2, 16>, scalar_prefetch = 0 : i64, scratch_operands = 5 : i64, tpu.core_type = #tpu.core_type<sc_vector_subcore>, window_params = [{transform_indices = #map}, {transform_indices = #map}, {transform_indices = #map1}, {transform_indices = #map1}]} {
    %mul3A = arith.constant 2 : i32
    %mul3A_0 = arith.muli %arg1, %mul3A : i32
    %add3A = arith.addi %mul3A_0, %arg0 : i32
    %rem3A = arith.constant 8 : i32
    %rem3A_1 = arith.remsi %add3A, %rem3A : i32
    %div3A = arith.constant 8 : i32
    %div3A_2 = arith.divsi %add3A, %div3A : i32
    %mul3A_3 = arith.constant 128 : i32
    %mul3A_4 = arith.muli %rem3A_1, %mul3A_3 : i32
    %mul3A_5 = arith.constant 40 : i32
    %mul3A_6 = arith.muli %div3A_2, %mul3A_5 : i32
    %dma_start3A = arith.constant 0 : i32
    %dma_start3A_7 = arith.constant 0 : i32
    %dma_start3A_8 = tpu.memref_slice %arg2[%rem3A_1, %dma_start3A, %dma_start3A_7] : memref<8x256x80xi32, #tpu.memory_space<hbm>> -> memref<1x256x80xi32, #tpu.memory_space<hbm>>
    %dma_start3A_9 = tpu.memref_squeeze %dma_start3A_8 : memref<1x256x80xi32, #tpu.memory_space<hbm>> -> memref<256x80xi32, #tpu.memory_space<hbm>>
    %dma_start3A_10 = arith.constant 0 : i32
    %dma_start3A_11 = arith.constant 0 : i32
    %dma_start3A_12 = tpu.memref_slice %arg2[%rem3A_1, %dma_start3A_10, %dma_start3A_11] : memref<8x256x80xi32, #tpu.memory_space<hbm>> -> memref<1x256x80xi32, #tpu.memory_space<hbm>>
    %dma_start3A_13 = tpu.memref_squeeze %dma_start3A_12 : memref<1x256x80xi32, #tpu.memory_space<hbm>> -> memref<256x80xi32, #tpu.memory_space<hbm>>
    tpu.enqueue_dma source(%dma_start3A_13 : memref<256x80xi32, #tpu.memory_space<hbm>>) target(%arg6 : memref<256x80xi32, #tpu.memory_space<vmem>>) target_semaphore(%arg10 : memref<!tpu.dma_semaphore, #tpu.memory_space<semaphore_mem>>)
    %dma_start3A_14 = arith.constant 0 : i32
    %dma_start3A_15 = arith.constant 0 : i32
    %dma_start3A_16 = tpu.memref_slice %arg3[%rem3A_1, %dma_start3A_14, %dma_start3A_15] : memref<8x256x80xi32, #tpu.memory_space<hbm>> -> memref<1x256x80xi32, #tpu.memory_space<hbm>>
    %dma_start3A_17 = tpu.memref_squeeze %dma_start3A_16 : memref<1x256x80xi32, #tpu.memory_space<hbm>> -> memref<256x80xi32, #tpu.memory_space<hbm>>
    %dma_start3A_18 = arith.constant 0 : i32
    %dma_start3A_19 = arith.constant 0 : i32
    %dma_start3A_20 = tpu.memref_slice %arg3[%rem3A_1, %dma_start3A_18, %dma_start3A_19] : memref<8x256x80xi32, #tpu.memory_space<hbm>> -> memref<1x256x80xi32, #tpu.memory_space<hbm>>
    %dma_start3A_21 = tpu.memref_squeeze %dma_start3A_20 : memref<1x256x80xi32, #tpu.memory_space<hbm>> -> memref<256x80xi32, #tpu.memory_space<hbm>>
    tpu.enqueue_dma source(%dma_start3A_21 : memref<256x80xi32, #tpu.memory_space<hbm>>) target(%arg7 : memref<256x80xi32, #tpu.memory_space<vmem>>) target_semaphore(%arg10 : memref<!tpu.dma_semaphore, #tpu.memory_space<semaphore_mem>>)
    %dma_start3A_22 = arith.constant 0 : i32
    %dma_start3A_23 = tpu.memref_slice %arg4[%mul3A_6, %dma_start3A_22] : memref<160x256xi32, #tpu.memory_space<hbm>> -> memref<40x256xi32, #tpu.memory_space<hbm>>
    %dma_start3A_24 = arith.constant 0 : i32
    %dma_start3A_25 = tpu.memref_slice %arg4[%mul3A_6, %dma_start3A_24] : memref<160x256xi32, #tpu.memory_space<hbm>> -> memref<40x256xi32, #tpu.memory_space<hbm>>
    tpu.enqueue_dma source(%dma_start3A_25 : memref<40x256xi32, #tpu.memory_space<hbm>>) target(%arg8 : memref<40x256xi32, #tpu.memory_space<vmem>>) target_semaphore(%arg10 : memref<!tpu.dma_semaphore, #tpu.memory_space<semaphore_mem>>)
    %dma_wait3A = arith.constant 0 : i32
    %dma_wait3A_26 = arith.constant 0 : i32
    %dma_wait3A_27 = tpu.memref_slice %arg2[%rem3A_1, %dma_wait3A, %dma_wait3A_26] : memref<8x256x80xi32, #tpu.memory_space<hbm>> -> memref<1x256x80xi32, #tpu.memory_space<hbm>>
    %dma_wait3A_28 = tpu.memref_squeeze %dma_wait3A_27 : memref<1x256x80xi32, #tpu.memory_space<hbm>> -> memref<256x80xi32, #tpu.memory_space<hbm>>
    %dma_wait3A_29 = arith.constant 0 : i32
    %dma_wait3A_30 = arith.constant 0 : i32
    %dma_wait3A_31 = tpu.memref_slice %arg2[%rem3A_1, %dma_wait3A_29, %dma_wait3A_30] : memref<8x256x80xi32, #tpu.memory_space<hbm>> -> memref<1x256x80xi32, #tpu.memory_space<hbm>>
    %dma_wait3A_32 = tpu.memref_squeeze %dma_wait3A_31 : memref<1x256x80xi32, #tpu.memory_space<hbm>> -> memref<256x80xi32, #tpu.memory_space<hbm>>
    tpu.wait_dma2 semaphore(%arg10 : memref<!tpu.dma_semaphore, #tpu.memory_space<semaphore_mem>>) src(%dma_wait3A_32 : memref<256x80xi32, #tpu.memory_space<hbm>>) dst(%arg6 : memref<256x80xi32, #tpu.memory_space<vmem>>)
    %dma_wait3A_33 = arith.constant 0 : i32
    %dma_wait3A_34 = arith.constant 0 : i32
    %dma_wait3A_35 = tpu.memref_slice %arg3[%rem3A_1, %dma_wait3A_33, %dma_wait3A_34] : memref<8x256x80xi32, #tpu.memory_space<hbm>> -> memref<1x256x80xi32, #tpu.memory_space<hbm>>
    %dma_wait3A_36 = tpu.memref_squeeze %dma_wait3A_35 : memref<1x256x80xi32, #tpu.memory_space<hbm>> -> memref<256x80xi32, #tpu.memory_space<hbm>>
    %dma_wait3A_37 = arith.constant 0 : i32
    %dma_wait3A_38 = arith.constant 0 : i32
    %dma_wait3A_39 = tpu.memref_slice %arg3[%rem3A_1, %dma_wait3A_37, %dma_wait3A_38] : memref<8x256x80xi32, #tpu.memory_space<hbm>> -> memref<1x256x80xi32, #tpu.memory_space<hbm>>
    %dma_wait3A_40 = tpu.memref_squeeze %dma_wait3A_39 : memref<1x256x80xi32, #tpu.memory_space<hbm>> -> memref<256x80xi32, #tpu.memory_space<hbm>>
    tpu.wait_dma2 semaphore(%arg10 : memref<!tpu.dma_semaphore, #tpu.memory_space<semaphore_mem>>) src(%dma_wait3A_40 : memref<256x80xi32, #tpu.memory_space<hbm>>) dst(%arg7 : memref<256x80xi32, #tpu.memory_space<vmem>>)
    %dma_wait3A_41 = arith.constant 0 : i32
    %dma_wait3A_42 = tpu.memref_slice %arg4[%mul3A_6, %dma_wait3A_41] : memref<160x256xi32, #tpu.memory_space<hbm>> -> memref<40x256xi32, #tpu.memory_space<hbm>>
    %dma_wait3A_43 = arith.constant 0 : i32
    %dma_wait3A_44 = tpu.memref_slice %arg4[%mul3A_6, %dma_wait3A_43] : memref<160x256xi32, #tpu.memory_space<hbm>> -> memref<40x256xi32, #tpu.memory_space<hbm>>
    tpu.wait_dma2 semaphore(%arg10 : memref<!tpu.dma_semaphore, #tpu.memory_space<semaphore_mem>>) src(%dma_wait3A_44 : memref<40x256xi32, #tpu.memory_space<hbm>>) dst(%arg8 : memref<40x256xi32, #tpu.memory_space<vmem>>)
    %scan3A = arith.constant 0 : i32
    %scan3A_45 = arith.constant 0 : i32
    %scan3A_46 = arith.constant 40 : i32
    %scan3A_47 = arith.addi %scan3A_45, %scan3A_46 : i32
    %scan3A_48 = arith.constant 1 : i32
    scf.for %scan3A_50 = %scan3A_45 to %scan3A_47 step %scan3A_48  : i32 {
      %broadcast_in_dim3A = arith.constant 0.000000e+00 : f32
      %broadcast_in_dim3A_51 = vector.broadcast %broadcast_in_dim3A : f32 to vector<16xf32>
      %scan3A_52 = arith.constant 0 : i32
      %scan3A_53 = arith.constant 16 : i32
      %scan3A_54 = arith.addi %scan3A_52, %scan3A_53 : i32
      %scan3A_55 = arith.constant 1 : i32
      %scan3A_56:8 = scf.for %scan3A_97 = %scan3A_52 to %scan3A_54 step %scan3A_55 iter_args(%scan3A_98 = %broadcast_in_dim3A_51, %scan3A_99 = %broadcast_in_dim3A_51, %scan3A_100 = %broadcast_in_dim3A_51, %scan3A_101 = %broadcast_in_dim3A_51, %scan3A_102 = %broadcast_in_dim3A_51, %scan3A_103 = %broadcast_in_dim3A_51, %scan3A_104 = %broadcast_in_dim3A_51, %scan3A_105 = %broadcast_in_dim3A_51) -> (vector<16xf32>, vector<16xf32>, vector<16xf32>, vector<16xf32>, vector<16xf32>, vector<16xf32>, vector<16xf32>, vector<16xf32>)  : i32 {
        %mul3A_106 = arith.constant 16 : i32
        %mul3A_107 = arith.muli %scan3A_97, %mul3A_106 : i32
        %get3A = arith.index_cast %scan3A_50 : i32 to index
        %get3A_108 = arith.index_cast %mul3A_107 : i32 to index
        %get3A_109 = tpu.vector_load %arg8[%get3A, %get3A_108] {strides = array<i32>} : memref<40x256xi32, #tpu.memory_space<vmem>>, vector<1x16xi32>,
        %get3A_110 = vector.shape_cast %get3A_109 : vector<1x16xi32> to vector<16xi32>
        %slice3A = vector.extract_strided_slice %get3A_110 {offsets = [0], sizes = [1], strides = [1]} : vector<16xi32> to vector<1xi32>
        %squeeze3A = vector.extract %slice3A[0] : i32 from vector<1xi32>
        %and3A = arith.constant 65535 : i32
        %and3A_111 = arith.andi %squeeze3A, %and3A : i32
        %shift_right_logical3A = arith.constant 16 : i32
        %shift_right_logical3A_112 = arith.shrui %squeeze3A, %shift_right_logical3A : i32
        %get3A_113 = arith.index_cast %and3A_111 : i32 to index
        %get3A_114 = arith.constant 0 : index
        %get3A_115 = tpu.vector_load %arg6[%get3A_113, %get3A_114] {strides = array<i32>} : memref<256x80xi32, #tpu.memory_space<vmem>>, vector<1x16xi32>,
        %get3A_116 = vector.shape_cast %get3A_115 : vector<1x16xi32> to vector<16xi32>
        %shift_left3A = arith.constant 16 : i32
        %shift_left3A_117 = vector.broadcast %shift_left3A : i32 to vector<16xi32>
        %shift_left3A_118 = arith.shli %get3A_116, %shift_left3A_117 : vector<16xi32>
        %bitcast_convert_type3A = tpu.bitcast %shift_left3A_118 : vector<16xi32> -> vector<16xf32>
        %and3A_119 = arith.constant -65536 : i32
        %and3A_120 = vector.broadcast %and3A_119 : i32 to vector<16xi32>
        %and3A_121 = arith.andi %get3A_116, %and3A_120 : vector<16xi32>
        %bitcast_convert_type3A_122 = tpu.bitcast %and3A_121 : vector<16xi32> -> vector<16xf32>
        %get3A_123 = arith.index_cast %shift_right_logical3A_112 : i32 to index
        %get3A_124 = arith.constant 0 : index
        %get3A_125 = tpu.vector_load %arg7[%get3A_123, %get3A_124] {strides = array<i32>} : memref<256x80xi32, #tpu.memory_space<vmem>>, vector<1x16xi32>,
        %get3A_126 = vector.shape_cast %get3A_125 : vector<1x16xi32> to vector<16xi32>
        %shift_left3A_127 = arith.constant 16 : i32
        %shift_left3A_128 = vector.broadcast %shift_left3A_127 : i32 to vector<16xi32>
        %shift_left3A_129 = arith.shli %get3A_126, %shift_left3A_128 : vector<16xi32>
        %bitcast_convert_type3A_130 = tpu.bitcast %shift_left3A_129 : vector<16xi32> -> vector<16xf32>
        %and3A_131 = arith.constant -65536 : i32
        %and3A_132 = vector.broadcast %and3A_131 : i32 to vector<16xi32>
        %and3A_133 = arith.andi %get3A_126, %and3A_132 : vector<16xi32>
        %bitcast_convert_type3A_134 = tpu.bitcast %and3A_133 : vector<16xi32> -> vector<16xf32>
        %mul3A_135 = arith.mulf %bitcast_convert_type3A, %bitcast_convert_type3A_130 : vector<16xf32>
        %add3A_136 = arith.addf %scan3A_98, %mul3A_135 : vector<16xf32>
        %mul3A_137 = arith.mulf %bitcast_convert_type3A_122, %bitcast_convert_type3A_134 : vector<16xf32>
        %add3A_138 = arith.addf %scan3A_99, %mul3A_137 : vector<16xf32>
        %get3A_139 = arith.index_cast %and3A_111 : i32 to index
        %get3A_140 = arith.constant 16 : index
        %get3A_141 = tpu.vector_load %arg6[%get3A_139, %get3A_140] {strides = array<i32>} : memref<256x80xi32, #tpu.memory_space<vmem>>, vector<1x16xi32>,
        %get3A_142 = vector.shape_cast %get3A_141 : vector<1x16xi32> to vector<16xi32>
        %shift_left3A_143 = arith.constant 16 : i32
        %shift_left3A_144 = vector.broadcast %shift_left3A_143 : i32 to vector<16xi32>
        %shift_left3A_145 = arith.shli %get3A_142, %shift_left3A_144 : vector<16xi32>
        %bitcast_convert_type3A_146 = tpu.bitcast %shift_left3A_145 : vector<16xi32> -> vector<16xf32>
        %and3A_147 = arith.constant -65536 : i32
        %and3A_148 = vector.broadcast %and3A_147 : i32 to vector<16xi32>
        %and3A_149 = arith.andi %get3A_142, %and3A_148 : vector<16xi32>
        %bitcast_convert_type3A_150 = tpu.bitcast %and3A_149 : vector<16xi32> -> vector<16xf32>
        %get3A_151 = arith.index_cast %shift_right_logical3A_112 : i32 to index
        %get3A_152 = arith.constant 16 : index
        %get3A_153 = tpu.vector_load %arg7[%get3A_151, %get3A_152] {strides = array<i32>} : memref<256x80xi32, #tpu.memory_space<vmem>>, vector<1x16xi32>,
        %get3A_154 = vector.shape_cast %get3A_153 : vector<1x16xi32> to vector<16xi32>
        %shift_left3A_155 = arith.constant 16 : i32
        %shift_left3A_156 = vector.broadcast %shift_left3A_155 : i32 to vector<16xi32>
        %shift_left3A_157 = arith.shli %get3A_154, %shift_left3A_156 : vector<16xi32>
        %bitcast_convert_type3A_158 = tpu.bitcast %shift_left3A_157 : vector<16xi32> -> vector<16xf32>
        %and3A_159 = arith.constant -65536 : i32
        %and3A_160 = vector.broadcast %and3A_159 : i32 to vector<16xi32>
        %and3A_161 = arith.andi %get3A_154, %and3A_160 : vector<16xi32>
        %bitcast_convert_type3A_162 = tpu.bitcast %and3A_161 : vector<16xi32> -> vector<16xf32>
        %mul3A_163 = arith.mulf %bitcast_convert_type3A_146, %bitcast_convert_type3A_158 : vector<16xf32>
        %add3A_164 = arith.addf %scan3A_100, %mul3A_163 : vector<16xf32>
        %mul3A_165 = arith.mulf %bitcast_convert_type3A_150, %bitcast_convert_type3A_162 : vector<16xf32>
        %add3A_166 = arith.addf %scan3A_101, %mul3A_165 : vector<16xf32>
        %get3A_167 = arith.index_cast %and3A_111 : i32 to index
        %get3A_168 = arith.constant 32 : index
        %get3A_169 = tpu.vector_load %arg6[%get3A_167, %get3A_168] {strides = array<i32>} : memref<256x80xi32, #tpu.memory_space<vmem>>, vector<1x16xi32>,
        %get3A_170 = vector.shape_cast %get3A_169 : vector<1x16xi32> to vector<16xi32>
        %shift_left3A_171 = arith.constant 16 : i32
        %shift_left3A_172 = vector.broadcast %shift_left3A_171 : i32 to vector<16xi32>
        %shift_left3A_173 = arith.shli %get3A_170, %shift_left3A_172 : vector<16xi32>
        %bitcast_convert_type3A_174 = tpu.bitcast %shift_left3A_173 : vector<16xi32> -> vector<16xf32>
        %and3A_175 = arith.constant -65536 : i32
        %and3A_176 = vector.broadcast %and3A_175 : i32 to vector<16xi32>
        %and3A_177 = arith.andi %get3A_170, %and3A_176 : vector<16xi32>
        %bitcast_convert_type3A_178 = tpu.bitcast %and3A_177 : vector<16xi32> -> vector<16xf32>
        %get3A_179 = arith.index_cast %shift_right_logical3A_112 : i32 to index
        %get3A_180 = arith.constant 32 : index
        %get3A_181 = tpu.vector_load %arg7[%get3A_179, %get3A_180] {strides = array<i32>} : memref<256x80xi32, #tpu.memory_space<vmem>>, vector<1x16xi32>,
        %get3A_182 = vector.shape_cast %get3A_181 : vector<1x16xi32> to vector<16xi32>
        %shift_left3A_183 = arith.constant 16 : i32
        %shift_left3A_184 = vector.broadcast %shift_left3A_183 : i32 to vector<16xi32>
        %shift_left3A_185 = arith.shli %get3A_182, %shift_left3A_184 : vector<16xi32>
        %bitcast_convert_type3A_186 = tpu.bitcast %shift_left3A_185 : vector<16xi32> -> vector<16xf32>
        %and3A_187 = arith.constant -65536 : i32
        %and3A_188 = vector.broadcast %and3A_187 : i32 to vector<16xi32>
        %and3A_189 = arith.andi %get3A_182, %and3A_188 : vector<16xi32>
        %bitcast_convert_type3A_190 = tpu.bitcast %and3A_189 : vector<16xi32> -> vector<16xf32>
        %mul3A_191 = arith.mulf %bitcast_convert_type3A_174, %bitcast_convert_type3A_186 : vector<16xf32>
        %add3A_192 = arith.addf %scan3A_102, %mul3A_191 : vector<16xf32>
        %mul3A_193 = arith.mulf %bitcast_convert_type3A_178, %bitcast_convert_type3A_190 : vector<16xf32>
        %add3A_194 = arith.addf %scan3A_103, %mul3A_193 : vector<16xf32>
        %get3A_195 = arith.index_cast %and3A_111 : i32 to index
        %get3A_196 = arith.constant 48 : index
        %get3A_197 = tpu.vector_load %arg6[%get3A_195, %get3A_196] {strides = array<i32>} : memref<256x80xi32, #tpu.memory_space<vmem>>, vector<1x16xi32>,
        %get3A_198 = vector.shape_cast %get3A_197 : vector<1x16xi32> to vector<16xi32>
        %bitcast_convert_type3A_199 = tpu.bitcast %get3A_198 : vector<16xi32> -> vector<16xf32>
        %get3A_200 = arith.index_cast %shift_right_logical3A_112 : i32 to index
        %get3A_201 = arith.constant 48 : index
        %get3A_202 = tpu.vector_load %arg7[%get3A_200, %get3A_201] {strides = array<i32>} : memref<256x80xi32, #tpu.memory_space<vmem>>, vector<1x16xi32>,
        %get3A_203 = vector.shape_cast %get3A_202 : vector<1x16xi32> to vector<16xi32>
        %bitcast_convert_type3A_204 = tpu.bitcast %get3A_203 : vector<16xi32> -> vector<16xf32>
        %mul3A_205 = arith.mulf %bitcast_convert_type3A_199, %bitcast_convert_type3A_204 : vector<16xf32>
        %add3A_206 = arith.addf %scan3A_104, %mul3A_205 : vector<16xf32>
        %get3A_207 = arith.index_cast %and3A_111 : i32 to index
        %get3A_208 = arith.constant 64 : index
        %get3A_209 = tpu.vector_load %arg6[%get3A_207, %get3A_208] {strides = array<i32>} : memref<256x80xi32, #tpu.memory_space<vmem>>, vector<1x16xi32>,
        %get3A_210 = vector.shape_cast %get3A_209 : vector<1x16xi32> to vector<16xi32>
        %bitcast_convert_type3A_211 = tpu.bitcast %get3A_210 : vector<16xi32> -> vector<16xf32>
        %get3A_212 = arith.index_cast %shift_right_logical3A_112 : i32 to index
        %get3A_213 = arith.constant 64 : index
        %get3A_214 = tpu.vector_load %arg7[%get3A_212, %get3A_213] {strides = array<i32>} : memref<256x80xi32, #tpu.memory_space<vmem>>, vector<1x16xi32>,
        %get3A_215 = vector.shape_cast %get3A_214 : vector<1x16xi32> to vector<16xi32>
        %bitcast_convert_type3A_216 = tpu.bitcast %get3A_215 : vector<16xi32> -> vector<16xf32>
        %mul3A_217 = arith.mulf %bitcast_convert_type3A_211, %bitcast_convert_type3A_216 : vector<16xf32>
        %add3A_218 = arith.addf %scan3A_105, %mul3A_217 : vector<16xf32>
        %slice3A_219 = vector.extract_strided_slice %get3A_110 {offsets = [1], sizes = [1], strides = [1]} : vector<16xi32> to vector<1xi32>
        %squeeze3A_220 = vector.extract %slice3A_219[0] : i32 from vector<1xi32>
        %and3A_221 = arith.constant 65535 : i32
        %and3A_222 = arith.andi %squeeze3A_220, %and3A_221 : i32
        %shift_right_logical3A_223 = arith.constant 16 : i32
        %shift_right_logical3A_224 = arith.shrui %squeeze3A_220, %shift_right_logical3A_223 : i32
        %get3A_225 = arith.index_cast %and3A_222 : i32 to index
        %get3A_226 = arith.constant 0 : index
        %get3A_227 = tpu.vector_load %arg6[%get3A_225, %get3A_226] {strides = array<i32>} : memref<256x80xi32, #tpu.memory_space<vmem>>, vector<1x16xi32>,
        %get3A_228 = vector.shape_cast %get3A_227 : vector<1x16xi32> to vector<16xi32>
        %shift_left3A_229 = arith.constant 16 : i32
        %shift_left3A_230 = vector.broadcast %shift_left3A_229 : i32 to vector<16xi32>
        %shift_left3A_231 = arith.shli %get3A_228, %shift_left3A_230 : vector<16xi32>
        %bitcast_convert_type3A_232 = tpu.bitcast %shift_left3A_231 : vector<16xi32> -> vector<16xf32>
        %and3A_233 = arith.constant -65536 : i32
        %and3A_234 = vector.broadcast %and3A_233 : i32 to vector<16xi32>
        %and3A_235 = arith.andi %get3A_228, %and3A_234 : vector<16xi32>
        %bitcast_convert_type3A_236 = tpu.bitcast %and3A_235 : vector<16xi32> -> vector<16xf32>
        %get3A_237 = arith.index_cast %shift_right_logical3A_224 : i32 to index
        %get3A_238 = arith.constant 0 : index
        %get3A_239 = tpu.vector_load %arg7[%get3A_237, %get3A_238] {strides = array<i32>} : memref<256x80xi32, #tpu.memory_space<vmem>>, vector<1x16xi32>,
        %get3A_240 = vector.shape_cast %get3A_239 : vector<1x16xi32> to vector<16xi32>
        %shift_left3A_241 = arith.constant 16 : i32
        %shift_left3A_242 = vector.broadcast %shift_left3A_241 : i32 to vector<16xi32>
        %shift_left3A_243 = arith.shli %get3A_240, %shift_left3A_242 : vector<16xi32>
        %bitcast_convert_type3A_244 = tpu.bitcast %shift_left3A_243 : vector<16xi32> -> vector<16xf32>
        %and3A_245 = arith.constant -65536 : i32
        %and3A_246 = vector.broadcast %and3A_245 : i32 to vector<16xi32>
        %and3A_247 = arith.andi %get3A_240, %and3A_246 : vector<16xi32>
        %bitcast_convert_type3A_248 = tpu.bitcast %and3A_247 : vector<16xi32> -> vector<16xf32>
        %mul3A_249 = arith.mulf %bitcast_convert_type3A_232, %bitcast_convert_type3A_244 : vector<16xf32>
        %add3A_250 = arith.addf %add3A_136, %mul3A_249 : vector<16xf32>
        %mul3A_251 = arith.mulf %bitcast_convert_type3A_236, %bitcast_convert_type3A_248 : vector<16xf32>
        %add3A_252 = arith.addf %add3A_138, %mul3A_251 : vector<16xf32>
        %get3A_253 = arith.index_cast %and3A_222 : i32 to index
        %get3A_254 = arith.constant 16 : index
        %get3A_255 = tpu.vector_load %arg6[%get3A_253, %get3A_254] {strides = array<i32>} : memref<256x80xi32, #tpu.memory_space<vmem>>, vector<1x16xi32>,
        %get3A_256 = vector.shape_cast %get3A_255 : vector<1x16xi32> to vector<16xi32>
        %shift_left3A_257 = arith.constant 16 : i32
        %shift_left3A_258 = vector.broadcast %shift_left3A_257 : i32 to vector<16xi32>
        %shift_left3A_259 = arith.shli %get3A_256, %shift_left3A_258 : vector<16xi32>
        %bitcast_convert_type3A_260 = tpu.bitcast %shift_left3A_259 : vector<16xi32> -> vector<16xf32>
        %and3A_261 = arith.constant -65536 : i32
        %and3A_262 = vector.broadcast %and3A_261 : i32 to vector<16xi32>
        %and3A_263 = arith.andi %get3A_256, %and3A_262 : vector<16xi32>
        %bitcast_convert_type3A_264 = tpu.bitcast %and3A_263 : vector<16xi32> -> vector<16xf32>
        %get3A_265 = arith.index_cast %shift_right_logical3A_224 : i32 to index
        %get3A_266 = arith.constant 16 : index
        %get3A_267 = tpu.vector_load %arg7[%get3A_265, %get3A_266] {strides = array<i32>} : memref<256x80xi32, #tpu.memory_space<vmem>>, vector<1x16xi32>,
        %get3A_268 = vector.shape_cast %get3A_267 : vector<1x16xi32> to vector<16xi32>
        %shift_left3A_269 = arith.constant 16 : i32
        %shift_left3A_270 = vector.broadcast %shift_left3A_269 : i32 to vector<16xi32>
        %shift_left3A_271 = arith.shli %get3A_268, %shift_left3A_270 : vector<16xi32>
        %bitcast_convert_type3A_272 = tpu.bitcast %shift_left3A_271 : vector<16xi32> -> vector<16xf32>
        %and3A_273 = arith.constant -65536 : i32
        %and3A_274 = vector.broadcast %and3A_273 : i32 to vector<16xi32>
        %and3A_275 = arith.andi %get3A_268, %and3A_274 : vector<16xi32>
        %bitcast_convert_type3A_276 = tpu.bitcast %and3A_275 : vector<16xi32> -> vector<16xf32>
        %mul3A_277 = arith.mulf %bitcast_convert_type3A_260, %bitcast_convert_type3A_272 : vector<16xf32>
        %add3A_278 = arith.addf %add3A_164, %mul3A_277 : vector<16xf32>
        %mul3A_279 = arith.mulf %bitcast_convert_type3A_264, %bitcast_convert_type3A_276 : vector<16xf32>
        %add3A_280 = arith.addf %add3A_166, %mul3A_279 : vector<16xf32>
        %get3A_281 = arith.index_cast %and3A_222 : i32 to index
        %get3A_282 = arith.constant 32 : index
        %get3A_283 = tpu.vector_load %arg6[%get3A_281, %get3A_282] {strides = array<i32>} : memref<256x80xi32, #tpu.memory_space<vmem>>, vector<1x16xi32>,
        %get3A_284 = vector.shape_cast %get3A_283 : vector<1x16xi32> to vector<16xi32>
        %shift_left3A_285 = arith.constant 16 : i32
        %shift_left3A_286 = vector.broadcast %shift_left3A_285 : i32 to vector<16xi32>
        %shift_left3A_287 = arith.shli %get3A_284, %shift_left3A_286 : vector<16xi32>
        %bitcast_convert_type3A_288 = tpu.bitcast %shift_left3A_287 : vector<16xi32> -> vector<16xf32>
        %and3A_289 = arith.constant -65536 : i32
        %and3A_290 = vector.broadcast %and3A_289 : i32 to vector<16xi32>
        %and3A_291 = arith.andi %get3A_284, %and3A_290 : vector<16xi32>
        %bitcast_convert_type3A_292 = tpu.bitcast %and3A_291 : vector<16xi32> -> vector<16xf32>
        %get3A_293 = arith.index_cast %shift_right_logical3A_224 : i32 to index
        %get3A_294 = arith.constant 32 : index
        %get3A_295 = tpu.vector_load %arg7[%get3A_293, %get3A_294] {strides = array<i32>} : memref<256x80xi32, #tpu.memory_space<vmem>>, vector<1x16xi32>,
        %get3A_296 = vector.shape_cast %get3A_295 : vector<1x16xi32> to vector<16xi32>
        %shift_left3A_297 = arith.constant 16 : i32
        %shift_left3A_298 = vector.broadcast %shift_left3A_297 : i32 to vector<16xi32>
        %shift_left3A_299 = arith.shli %get3A_296, %shift_left3A_298 : vector<16xi32>
        %bitcast_convert_type3A_300 = tpu.bitcast %shift_left3A_299 : vector<16xi32> -> vector<16xf32>
        %and3A_301 = arith.constant -65536 : i32
        %and3A_302 = vector.broadcast %and3A_301 : i32 to vector<16xi32>
        %and3A_303 = arith.andi %get3A_296, %and3A_302 : vector<16xi32>
        %bitcast_convert_type3A_304 = tpu.bitcast %and3A_303 : vector<16xi32> -> vector<16xf32>
        %mul3A_305 = arith.mulf %bitcast_convert_type3A_288, %bitcast_convert_type3A_300 : vector<16xf32>
        %add3A_306 = arith.addf %add3A_192, %mul3A_305 : vector<16xf32>
        %mul3A_307 = arith.mulf %bitcast_convert_type3A_292, %bitcast_convert_type3A_304 : vector<16xf32>
        %add3A_308 = arith.addf %add3A_194, %mul3A_307 : vector<16xf32>
        %get3A_309 = arith.index_cast %and3A_222 : i32 to index
        %get3A_310 = arith.constant 48 : index
        %get3A_311 = tpu.vector_load %arg6[%get3A_309, %get3A_310] {strides = array<i32>} : memref<256x80xi32, #tpu.memory_space<vmem>>, vector<1x16xi32>,
        %get3A_312 = vector.shape_cast %get3A_311 : vector<1x16xi32> to vector<16xi32>
        %bitcast_convert_type3A_313 = tpu.bitcast %get3A_312 : vector<16xi32> -> vector<16xf32>
        %get3A_314 = arith.index_cast %shift_right_logical3A_224 : i32 to index
        %get3A_315 = arith.constant 48 : index
        %get3A_316 = tpu.vector_load %arg7[%get3A_314, %get3A_315] {strides = array<i32>} : memref<256x80xi32, #tpu.memory_space<vmem>>, vector<1x16xi32>,
        %get3A_317 = vector.shape_cast %get3A_316 : vector<1x16xi32> to vector<16xi32>
        %bitcast_convert_type3A_318 = tpu.bitcast %get3A_317 : vector<16xi32> -> vector<16xf32>
        %mul3A_319 = arith.mulf %bitcast_convert_type3A_313, %bitcast_convert_type3A_318 : vector<16xf32>
        %add3A_320 = arith.addf %add3A_206, %mul3A_319 : vector<16xf32>
        %get3A_321 = arith.index_cast %and3A_222 : i32 to index
        %get3A_322 = arith.constant 64 : index
        %get3A_323 = tpu.vector_load %arg6[%get3A_321, %get3A_322] {strides = array<i32>} : memref<256x80xi32, #tpu.memory_space<vmem>>, vector<1x16xi32>,
        %get3A_324 = vector.shape_cast %get3A_323 : vector<1x16xi32> to vector<16xi32>
        %bitcast_convert_type3A_325 = tpu.bitcast %get3A_324 : vector<16xi32> -> vector<16xf32>
        %get3A_326 = arith.index_cast %shift_right_logical3A_224 : i32 to index
        %get3A_327 = arith.constant 64 : index
        %get3A_328 = tpu.vector_load %arg7[%get3A_326, %get3A_327] {strides = array<i32>} : memref<256x80xi32, #tpu.memory_space<vmem>>, vector<1x16xi32>,
        %get3A_329 = vector.shape_cast %get3A_328 : vector<1x16xi32> to vector<16xi32>
        %bitcast_convert_type3A_330 = tpu.bitcast %get3A_329 : vector<16xi32> -> vector<16xf32>
        %mul3A_331 = arith.mulf %bitcast_convert_type3A_325, %bitcast_convert_type3A_330 : vector<16xf32>
        %add3A_332 = arith.addf %add3A_218, %mul3A_331 : vector<16xf32>
        %slice3A_333 = vector.extract_strided_slice %get3A_110 {offsets = [2], sizes = [1], strides = [1]} : vector<16xi32> to vector<1xi32>
        %squeeze3A_334 = vector.extract %slice3A_333[0] : i32 from vector<1xi32>
        %and3A_335 = arith.constant 65535 : i32
        %and3A_336 = arith.andi %squeeze3A_334, %and3A_335 : i32
        %shift_right_logical3A_337 = arith.constant 16 : i32
        %shift_right_logical3A_338 = arith.shrui %squeeze3A_334, %shift_right_logical3A_337 : i32
        %get3A_339 = arith.index_cast %and3A_336 : i32 to index
        %get3A_340 = arith.constant 0 : index
        %get3A_341 = tpu.vector_load %arg6[%get3A_339, %get3A_340] {strides = array<i32>} : memref<256x80xi32, #tpu.memory_space<vmem>>, vector<1x16xi32>,
        %get3A_342 = vector.shape_cast %get3A_341 : vector<1x16xi32> to vector<16xi32>
        %shift_left3A_343 = arith.constant 16 : i32
        %shift_left3A_344 = vector.broadcast %shift_left3A_343 : i32 to vector<16xi32>
        %shift_left3A_345 = arith.shli %get3A_342, %shift_left3A_344 : vector<16xi32>
        %bitcast_convert_type3A_346 = tpu.bitcast %shift_left3A_345 : vector<16xi32> -> vector<16xf32>
        %and3A_347 = arith.constant -65536 : i32
        %and3A_348 = vector.broadcast %and3A_347 : i32 to vector<16xi32>
        %and3A_349 = arith.andi %get3A_342, %and3A_348 : vector<16xi32>
        %bitcast_convert_type3A_350 = tpu.bitcast %and3A_349 : vector<16xi32> -> vector<16xf32>
        %get3A_351 = arith.index_cast %shift_right_logical3A_338 : i32 to index
        %get3A_352 = arith.constant 0 : index
        %get3A_353 = tpu.vector_load %arg7[%get3A_351, %get3A_352] {strides = array<i32>} : memref<256x80xi32, #tpu.memory_space<vmem>>, vector<1x16xi32>,
        %get3A_354 = vector.shape_cast %get3A_353 : vector<1x16xi32> to vector<16xi32>
        %shift_left3A_355 = arith.constant 16 : i32
        %shift_left3A_356 = vector.broadcast %shift_left3A_355 : i32 to vector<16xi32>
        %shift_left3A_357 = arith.shli %get3A_354, %shift_left3A_356 : vector<16xi32>
        %bitcast_convert_type3A_358 = tpu.bitcast %shift_left3A_357 : vector<16xi32> -> vector<16xf32>
        %and3A_359 = arith.constant -65536 : i32
        %and3A_360 = vector.broadcast %and3A_359 : i32 to vector<16xi32>
        %and3A_361 = arith.andi %get3A_354, %and3A_360 : vector<16xi32>
        %bitcast_convert_type3A_362 = tpu.bitcast %and3A_361 : vector<16xi32> -> vector<16xf32>
        %mul3A_363 = arith.mulf %bitcast_convert_type3A_346, %bitcast_convert_type3A_358 : vector<16xf32>
        %add3A_364 = arith.addf %add3A_250, %mul3A_363 : vector<16xf32>
        %mul3A_365 = arith.mulf %bitcast_convert_type3A_350, %bitcast_convert_type3A_362 : vector<16xf32>
        %add3A_366 = arith.addf %add3A_252, %mul3A_365 : vector<16xf32>
        %get3A_367 = arith.index_cast %and3A_336 : i32 to index
        %get3A_368 = arith.constant 16 : index
        %get3A_369 = tpu.vector_load %arg6[%get3A_367, %get3A_368] {strides = array<i32>} : memref<256x80xi32, #tpu.memory_space<vmem>>, vector<1x16xi32>,
        %get3A_370 = vector.shape_cast %get3A_369 : vector<1x16xi32> to vector<16xi32>
        %shift_left3A_371 = arith.constant 16 : i32
        %shift_left3A_372 = vector.broadcast %shift_left3A_371 : i32 to vector<16xi32>
        %shift_left3A_373 = arith.shli %get3A_370, %shift_left3A_372 : vector<16xi32>
        %bitcast_convert_type3A_374 = tpu.bitcast %shift_left3A_373 : vector<16xi32> -> vector<16xf32>
        %and3A_375 = arith.constant -65536 : i32
        %and3A_376 = vector.broadcast %and3A_375 : i32 to vector<16xi32>
        %and3A_377 = arith.andi %get3A_370, %and3A_376 : vector<16xi32>
        %bitcast_convert_type3A_378 = tpu.bitcast %and3A_377 : vector<16xi32> -> vector<16xf32>
        %get3A_379 = arith.index_cast %shift_right_logical3A_338 : i32 to index
        %get3A_380 = arith.constant 16 : index
        %get3A_381 = tpu.vector_load %arg7[%get3A_379, %get3A_380] {strides = array<i32>} : memref<256x80xi32, #tpu.memory_space<vmem>>, vector<1x16xi32>,
        %get3A_382 = vector.shape_cast %get3A_381 : vector<1x16xi32> to vector<16xi32>
        %shift_left3A_383 = arith.constant 16 : i32
        %shift_left3A_384 = vector.broadcast %shift_left3A_383 : i32 to vector<16xi32>
        %shift_left3A_385 = arith.shli %get3A_382, %shift_left3A_384 : vector<16xi32>
        %bitcast_convert_type3A_386 = tpu.bitcast %shift_left3A_385 : vector<16xi32> -> vector<16xf32>
        %and3A_387 = arith.constant -65536 : i32
        %and3A_388 = vector.broadcast %and3A_387 : i32 to vector<16xi32>
        %and3A_389 = arith.andi %get3A_382, %and3A_388 : vector<16xi32>
        %bitcast_convert_type3A_390 = tpu.bitcast %and3A_389 : vector<16xi32> -> vector<16xf32>
        %mul3A_391 = arith.mulf %bitcast_convert_type3A_374, %bitcast_convert_type3A_386 : vector<16xf32>
        %add3A_392 = arith.addf %add3A_278, %mul3A_391 : vector<16xf32>
        %mul3A_393 = arith.mulf %bitcast_convert_type3A_378, %bitcast_convert_type3A_390 : vector<16xf32>
        %add3A_394 = arith.addf %add3A_280, %mul3A_393 : vector<16xf32>
        %get3A_395 = arith.index_cast %and3A_336 : i32 to index
        %get3A_396 = arith.constant 32 : index
        %get3A_397 = tpu.vector_load %arg6[%get3A_395, %get3A_396] {strides = array<i32>} : memref<256x80xi32, #tpu.memory_space<vmem>>, vector<1x16xi32>,
        %get3A_398 = vector.shape_cast %get3A_397 : vector<1x16xi32> to vector<16xi32>
        %shift_left3A_399 = arith.constant 16 : i32
        %shift_left3A_400 = vector.broadcast %shift_left3A_399 : i32 to vector<16xi32>
        %shift_left3A_401 = arith.shli %get3A_398, %shift_left3A_400 : vector<16xi32>
        %bitcast_convert_type3A_402 = tpu.bitcast %shift_left3A_401 : vector<16xi32> -> vector<16xf32>
        %and3A_403 = arith.constant -65536 : i32
        %and3A_404 = vector.broadcast %and3A_403 : i32 to vector<16xi32>
        %and3A_405 = arith.andi %get3A_398, %and3A_404 : vector<16xi32>
        %bitcast_convert_type3A_406 = tpu.bitcast %and3A_405 : vector<16xi32> -> vector<16xf32>
        %get3A_407 = arith.index_cast %shift_right_logical3A_338 : i32 to index
        %get3A_408 = arith.constant 32 : index
        %get3A_409 = tpu.vector_load %arg7[%get3A_407, %get3A_408] {strides = array<i32>} : memref<256x80xi32, #tpu.memory_space<vmem>>, vector<1x16xi32>,
        %get3A_410 = vector.shape_cast %get3A_409 : vector<1x16xi32> to vector<16xi32>
        %shift_left3A_411 = arith.constant 16 : i32
        %shift_left3A_412 = vector.broadcast %shift_left3A_411 : i32 to vector<16xi32>
        %shift_left3A_413 = arith.shli %get3A_410, %shift_left3A_412 : vector<16xi32>
        %bitcast_convert_type3A_414 = tpu.bitcast %shift_left3A_413 : vector<16xi32> -> vector<16xf32>
        %and3A_415 = arith.constant -65536 : i32
        %and3A_416 = vector.broadcast %and3A_415 : i32 to vector<16xi32>
        %and3A_417 = arith.andi %get3A_410, %and3A_416 : vector<16xi32>
        %bitcast_convert_type3A_418 = tpu.bitcast %and3A_417 : vector<16xi32> -> vector<16xf32>
        %mul3A_419 = arith.mulf %bitcast_convert_type3A_402, %bitcast_convert_type3A_414 : vector<16xf32>
        %add3A_420 = arith.addf %add3A_306, %mul3A_419 : vector<16xf32>
        %mul3A_421 = arith.mulf %bitcast_convert_type3A_406, %bitcast_convert_type3A_418 : vector<16xf32>
        %add3A_422 = arith.addf %add3A_308, %mul3A_421 : vector<16xf32>
        %get3A_423 = arith.index_cast %and3A_336 : i32 to index
        %get3A_424 = arith.constant 48 : index
        %get3A_425 = tpu.vector_load %arg6[%get3A_423, %get3A_424] {strides = array<i32>} : memref<256x80xi32, #tpu.memory_space<vmem>>, vector<1x16xi32>,
        %get3A_426 = vector.shape_cast %get3A_425 : vector<1x16xi32> to vector<16xi32>
        %bitcast_convert_type3A_427 = tpu.bitcast %get3A_426 : vector<16xi32> -> vector<16xf32>
        %get3A_428 = arith.index_cast %shift_right_logical3A_338 : i32 to index
        %get3A_429 = arith.constant 48 : index
        %get3A_430 = tpu.vector_load %arg7[%get3A_428, %get3A_429] {strides = array<i32>} : memref<256x80xi32, #tpu.memory_space<vmem>>, vector<1x16xi32>,
        %get3A_431 = vector.shape_cast %get3A_430 : vector<1x16xi32> to vector<16xi32>
        %bitcast_convert_type3A_432 = tpu.bitcast %get3A_431 : vector<16xi32> -> vector<16xf32>
        %mul3A_433 = arith.mulf %bitcast_convert_type3A_427, %bitcast_convert_type3A_432 : vector<16xf32>
        %add3A_434 = arith.addf %add3A_320, %mul3A_433 : vector<16xf32>
        %get3A_435 = arith.index_cast %and3A_336 : i32 to index
        %get3A_436 = arith.constant 64 : index
        %get3A_437 = tpu.vector_load %arg6[%get3A_435, %get3A_436] {strides = array<i32>} : memref<256x80xi32, #tpu.memory_space<vmem>>, vector<1x16xi32>,
        %get3A_438 = vector.shape_cast %get3A_437 : vector<1x16xi32> to vector<16xi32>
        %bitcast_convert_type3A_439 = tpu.bitcast %get3A_438 : vector<16xi32> -> vector<16xf32>
        %get3A_440 = arith.index_cast %shift_right_logical3A_338 : i32 to index
        %get3A_441 = arith.constant 64 : index
        %get3A_442 = tpu.vector_load %arg7[%get3A_440, %get3A_441] {strides = array<i32>} : memref<256x80xi32, #tpu.memory_space<vmem>>, vector<1x16xi32>,
        %get3A_443 = vector.shape_cast %get3A_442 : vector<1x16xi32> to vector<16xi32>
        %bitcast_convert_type3A_444 = tpu.bitcast %get3A_443 : vector<16xi32> -> vector<16xf32>
        %mul3A_445 = arith.mulf %bitcast_convert_type3A_439, %bitcast_convert_type3A_444 : vector<16xf32>
        %add3A_446 = arith.addf %add3A_332, %mul3A_445 : vector<16xf32>
        %slice3A_447 = vector.extract_strided_slice %get3A_110 {offsets = [3], sizes = [1], strides = [1]} : vector<16xi32> to vector<1xi32>
        %squeeze3A_448 = vector.extract %slice3A_447[0] : i32 from vector<1xi32>
        %and3A_449 = arith.constant 65535 : i32
        %and3A_450 = arith.andi %squeeze3A_448, %and3A_449 : i32
        %shift_right_logical3A_451 = arith.constant 16 : i32
        %shift_right_logical3A_452 = arith.shrui %squeeze3A_448, %shift_right_logical3A_451 : i32
        %get3A_453 = arith.index_cast %and3A_450 : i32 to index
        %get3A_454 = arith.constant 0 : index
        %get3A_455 = tpu.vector_load %arg6[%get3A_453, %get3A_454] {strides = array<i32>} : memref<256x80xi32, #tpu.memory_space<vmem>>, vector<1x16xi32>,
        %get3A_456 = vector.shape_cast %get3A_455 : vector<1x16xi32> to vector<16xi32>
        %shift_left3A_457 = arith.constant 16 : i32
        %shift_left3A_458 = vector.broadcast %shift_left3A_457 : i32 to vector<16xi32>
        %shift_left3A_459 = arith.shli %get3A_456, %shift_left3A_458 : vector<16xi32>
        %bitcast_convert_type3A_460 = tpu.bitcast %shift_left3A_459 : vector<16xi32> -> vector<16xf32>
        %and3A_461 = arith.constant -65536 : i32
        %and3A_462 = vector.broadcast %and3A_461 : i32 to vector<16xi32>
        %and3A_463 = arith.andi %get3A_456, %and3A_462 : vector<16xi32>
        %bitcast_convert_type3A_464 = tpu.bitcast %and3A_463 : vector<16xi32> -> vector<16xf32>
        %get3A_465 = arith.index_cast %shift_right_logical3A_452 : i32 to index
        %get3A_466 = arith.constant 0 : index
        %get3A_467 = tpu.vector_load %arg7[%get3A_465, %get3A_466] {strides = array<i32>} : memref<256x80xi32, #tpu.memory_space<vmem>>, vector<1x16xi32>,
        %get3A_468 = vector.shape_cast %get3A_467 : vector<1x16xi32> to vector<16xi32>
        %shift_left3A_469 = arith.constant 16 : i32
        %shift_left3A_470 = vector.broadcast %shift_left3A_469 : i32 to vector<16xi32>
        %shift_left3A_471 = arith.shli %get3A_468, %shift_left3A_470 : vector<16xi32>
        %bitcast_convert_type3A_472 = tpu.bitcast %shift_left3A_471 : vector<16xi32> -> vector<16xf32>
        %and3A_473 = arith.constant -65536 : i32
        %and3A_474 = vector.broadcast %and3A_473 : i32 to vector<16xi32>
        %and3A_475 = arith.andi %get3A_468, %and3A_474 : vector<16xi32>
        %bitcast_convert_type3A_476 = tpu.bitcast %and3A_475 : vector<16xi32> -> vector<16xf32>
        %mul3A_477 = arith.mulf %bitcast_convert_type3A_460, %bitcast_convert_type3A_472 : vector<16xf32>
        %add3A_478 = arith.addf %add3A_364, %mul3A_477 : vector<16xf32>
        %mul3A_479 = arith.mulf %bitcast_convert_type3A_464, %bitcast_convert_type3A_476 : vector<16xf32>
        %add3A_480 = arith.addf %add3A_366, %mul3A_479 : vector<16xf32>
        %get3A_481 = arith.index_cast %and3A_450 : i32 to index
        %get3A_482 = arith.constant 16 : index
        %get3A_483 = tpu.vector_load %arg6[%get3A_481, %get3A_482] {strides = array<i32>} : memref<256x80xi32, #tpu.memory_space<vmem>>, vector<1x16xi32>,
        %get3A_484 = vector.shape_cast %get3A_483 : vector<1x16xi32> to vector<16xi32>
        %shift_left3A_485 = arith.constant 16 : i32
        %shift_left3A_486 = vector.broadcast %shift_left3A_485 : i32 to vector<16xi32>
        %shift_left3A_487 = arith.shli %get3A_484, %shift_left3A_486 : vector<16xi32>
        %bitcast_convert_type3A_488 = tpu.bitcast %shift_left3A_487 : vector<16xi32> -> vector<16xf32>
        %and3A_489 = arith.constant -65536 : i32
        %and3A_490 = vector.broadcast %and3A_489 : i32 to vector<16xi32>
        %and3A_491 = arith.andi %get3A_484, %and3A_490 : vector<16xi32>
        %bitcast_convert_type3A_492 = tpu.bitcast %and3A_491 : vector<16xi32> -> vector<16xf32>
        %get3A_493 = arith.index_cast %shift_right_logical3A_452 : i32 to index
        %get3A_494 = arith.constant 16 : index
        %get3A_495 = tpu.vector_load %arg7[%get3A_493, %get3A_494] {strides = array<i32>} : memref<256x80xi32, #tpu.memory_space<vmem>>, vector<1x16xi32>,
        %get3A_496 = vector.shape_cast %get3A_495 : vector<1x16xi32> to vector<16xi32>
        %shift_left3A_497 = arith.constant 16 : i32
        %shift_left3A_498 = vector.broadcast %shift_left3A_497 : i32 to vector<16xi32>
        %shift_left3A_499 = arith.shli %get3A_496, %shift_left3A_498 : vector<16xi32>
        %bitcast_convert_type3A_500 = tpu.bitcast %shift_left3A_499 : vector<16xi32> -> vector<16xf32>
        %and3A_501 = arith.constant -65536 : i32
        %and3A_502 = vector.broadcast %and3A_501 : i32 to vector<16xi32>
        %and3A_503 = arith.andi %get3A_496, %and3A_502 : vector<16xi32>
        %bitcast_convert_type3A_504 = tpu.bitcast %and3A_503 : vector<16xi32> -> vector<16xf32>
        %mul3A_505 = arith.mulf %bitcast_convert_type3A_488, %bitcast_convert_type3A_500 : vector<16xf32>
        %add3A_506 = arith.addf %add3A_392, %mul3A_505 : vector<16xf32>
        %mul3A_507 = arith.mulf %bitcast_convert_type3A_492, %bitcast_convert_type3A_504 : vector<16xf32>
        %add3A_508 = arith.addf %add3A_394, %mul3A_507 : vector<16xf32>
        %get3A_509 = arith.index_cast %and3A_450 : i32 to index
        %get3A_510 = arith.constant 32 : index
        %get3A_511 = tpu.vector_load %arg6[%get3A_509, %get3A_510] {strides = array<i32>} : memref<256x80xi32, #tpu.memory_space<vmem>>, vector<1x16xi32>,
        %get3A_512 = vector.shape_cast %get3A_511 : vector<1x16xi32> to vector<16xi32>
        %shift_left3A_513 = arith.constant 16 : i32
        %shift_left3A_514 = vector.broadcast %shift_left3A_513 : i32 to vector<16xi32>
        %shift_left3A_515 = arith.shli %get3A_512, %shift_left3A_514 : vector<16xi32>
        %bitcast_convert_type3A_516 = tpu.bitcast %shift_left3A_515 : vector<16xi32> -> vector<16xf32>
        %and3A_517 = arith.constant -65536 : i32
        %and3A_518 = vector.broadcast %and3A_517 : i32 to vector<16xi32>
        %and3A_519 = arith.andi %get3A_512, %and3A_518 : vector<16xi32>
        %bitcast_convert_type3A_520 = tpu.bitcast %and3A_519 : vector<16xi32> -> vector<16xf32>
        %get3A_521 = arith.index_cast %shift_right_logical3A_452 : i32 to index
        %get3A_522 = arith.constant 32 : index
        %get3A_523 = tpu.vector_load %arg7[%get3A_521, %get3A_522] {strides = array<i32>} : memref<256x80xi32, #tpu.memory_space<vmem>>, vector<1x16xi32>,
        %get3A_524 = vector.shape_cast %get3A_523 : vector<1x16xi32> to vector<16xi32>
        %shift_left3A_525 = arith.constant 16 : i32
        %shift_left3A_526 = vector.broadcast %shift_left3A_525 : i32 to vector<16xi32>
        %shift_left3A_527 = arith.shli %get3A_524, %shift_left3A_526 : vector<16xi32>
        %bitcast_convert_type3A_528 = tpu.bitcast %shift_left3A_527 : vector<16xi32> -> vector<16xf32>
        %and3A_529 = arith.constant -65536 : i32
        %and3A_530 = vector.broadcast %and3A_529 : i32 to vector<16xi32>
        %and3A_531 = arith.andi %get3A_524, %and3A_530 : vector<16xi32>
        %bitcast_convert_type3A_532 = tpu.bitcast %and3A_531 : vector<16xi32> -> vector<16xf32>
        %mul3A_533 = arith.mulf %bitcast_convert_type3A_516, %bitcast_convert_type3A_528 : vector<16xf32>
        %add3A_534 = arith.addf %add3A_420, %mul3A_533 : vector<16xf32>
        %mul3A_535 = arith.mulf %bitcast_convert_type3A_520, %bitcast_convert_type3A_532 : vector<16xf32>
        %add3A_536 = arith.addf %add3A_422, %mul3A_535 : vector<16xf32>
        %get3A_537 = arith.index_cast %and3A_450 : i32 to index
        %get3A_538 = arith.constant 48 : index
        %get3A_539 = tpu.vector_load %arg6[%get3A_537, %get3A_538] {strides = array<i32>} : memref<256x80xi32, #tpu.memory_space<vmem>>, vector<1x16xi32>,
        %get3A_540 = vector.shape_cast %get3A_539 : vector<1x16xi32> to vector<16xi32>
        %bitcast_convert_type3A_541 = tpu.bitcast %get3A_540 : vector<16xi32> -> vector<16xf32>
        %get3A_542 = arith.index_cast %shift_right_logical3A_452 : i32 to index
        %get3A_543 = arith.constant 48 : index
        %get3A_544 = tpu.vector_load %arg7[%get3A_542, %get3A_543] {strides = array<i32>} : memref<256x80xi32, #tpu.memory_space<vmem>>, vector<1x16xi32>,
        %get3A_545 = vector.shape_cast %get3A_544 : vector<1x16xi32> to vector<16xi32>
        %bitcast_convert_type3A_546 = tpu.bitcast %get3A_545 : vector<16xi32> -> vector<16xf32>
        %mul3A_547 = arith.mulf %bitcast_convert_type3A_541, %bitcast_convert_type3A_546 : vector<16xf32>
        %add3A_548 = arith.addf %add3A_434, %mul3A_547 : vector<16xf32>
        %get3A_549 = arith.index_cast %and3A_450 : i32 to index
        %get3A_550 = arith.constant 64 : index
        %get3A_551 = tpu.vector_load %arg6[%get3A_549, %get3A_550] {strides = array<i32>} : memref<256x80xi32, #tpu.memory_space<vmem>>, vector<1x16xi32>,
        %get3A_552 = vector.shape_cast %get3A_551 : vector<1x16xi32> to vector<16xi32>
        %bitcast_convert_type3A_553 = tpu.bitcast %get3A_552 : vector<16xi32> -> vector<16xf32>
        %get3A_554 = arith.index_cast %shift_right_logical3A_452 : i32 to index
        %get3A_555 = arith.constant 64 : index
        %get3A_556 = tpu.vector_load %arg7[%get3A_554, %get3A_555] {strides = array<i32>} : memref<256x80xi32, #tpu.memory_space<vmem>>, vector<1x16xi32>,
        %get3A_557 = vector.shape_cast %get3A_556 : vector<1x16xi32> to vector<16xi32>
        %bitcast_convert_type3A_558 = tpu.bitcast %get3A_557 : vector<16xi32> -> vector<16xf32>
        %mul3A_559 = arith.mulf %bitcast_convert_type3A_553, %bitcast_convert_type3A_558 : vector<16xf32>
        %add3A_560 = arith.addf %add3A_446, %mul3A_559 : vector<16xf32>
        %slice3A_561 = vector.extract_strided_slice %get3A_110 {offsets = [4], sizes = [1], strides = [1]} : vector<16xi32> to vector<1xi32>
        %squeeze3A_562 = vector.extract %slice3A_561[0] : i32 from vector<1xi32>
        %and3A_563 = arith.constant 65535 : i32
        %and3A_564 = arith.andi %squeeze3A_562, %and3A_563 : i32
        %shift_right_logical3A_565 = arith.constant 16 : i32
        %shift_right_logical3A_566 = arith.shrui %squeeze3A_562, %shift_right_logical3A_565 : i32
        %get3A_567 = arith.index_cast %and3A_564 : i32 to index
        %get3A_568 = arith.constant 0 : index
        %get3A_569 = tpu.vector_load %arg6[%get3A_567, %get3A_568] {strides = array<i32>} : memref<256x80xi32, #tpu.memory_space<vmem>>, vector<1x16xi32>,
        %get3A_570 = vector.shape_cast %get3A_569 : vector<1x16xi32> to vector<16xi32>
        %shift_left3A_571 = arith.constant 16 : i32
        %shift_left3A_572 = vector.broadcast %shift_left3A_571 : i32 to vector<16xi32>
        %shift_left3A_573 = arith.shli %get3A_570, %shift_left3A_572 : vector<16xi32>
        %bitcast_convert_type3A_574 = tpu.bitcast %shift_left3A_573 : vector<16xi32> -> vector<16xf32>
        %and3A_575 = arith.constant -65536 : i32
        %and3A_576 = vector.broadcast %and3A_575 : i32 to vector<16xi32>
        %and3A_577 = arith.andi %get3A_570, %and3A_576 : vector<16xi32>
        %bitcast_convert_type3A_578 = tpu.bitcast %and3A_577 : vector<16xi32> -> vector<16xf32>
        %get3A_579 = arith.index_cast %shift_right_logical3A_566 : i32 to index
        %get3A_580 = arith.constant 0 : index
        %get3A_581 = tpu.vector_load %arg7[%get3A_579, %get3A_580] {strides = array<i32>} : memref<256x80xi32, #tpu.memory_space<vmem>>, vector<1x16xi32>,
        %get3A_582 = vector.shape_cast %get3A_581 : vector<1x16xi32> to vector<16xi32>
        %shift_left3A_583 = arith.constant 16 : i32
        %shift_left3A_584 = vector.broadcast %shift_left3A_583 : i32 to vector<16xi32>
        %shift_left3A_585 = arith.shli %get3A_582, %shift_left3A_584 : vector<16xi32>
        %bitcast_convert_type3A_586 = tpu.bitcast %shift_left3A_585 : vector<16xi32> -> vector<16xf32>
        %and3A_587 = arith.constant -65536 : i32
        %and3A_588 = vector.broadcast %and3A_587 : i32 to vector<16xi32>
        %and3A_589 = arith.andi %get3A_582, %and3A_588 : vector<16xi32>
        %bitcast_convert_type3A_590 = tpu.bitcast %and3A_589 : vector<16xi32> -> vector<16xf32>
        %mul3A_591 = arith.mulf %bitcast_convert_type3A_574, %bitcast_convert_type3A_586 : vector<16xf32>
        %add3A_592 = arith.addf %add3A_478, %mul3A_591 : vector<16xf32>
        %mul3A_593 = arith.mulf %bitcast_convert_type3A_578, %bitcast_convert_type3A_590 : vector<16xf32>
        %add3A_594 = arith.addf %add3A_480, %mul3A_593 : vector<16xf32>
        %get3A_595 = arith.index_cast %and3A_564 : i32 to index
        %get3A_596 = arith.constant 16 : index
        %get3A_597 = tpu.vector_load %arg6[%get3A_595, %get3A_596] {strides = array<i32>} : memref<256x80xi32, #tpu.memory_space<vmem>>, vector<1x16xi32>,
        %get3A_598 = vector.shape_cast %get3A_597 : vector<1x16xi32> to vector<16xi32>
        %shift_left3A_599 = arith.constant 16 : i32
        %shift_left3A_600 = vector.broadcast %shift_left3A_599 : i32 to vector<16xi32>
        %shift_left3A_601 = arith.shli %get3A_598, %shift_left3A_600 : vector<16xi32>
        %bitcast_convert_type3A_602 = tpu.bitcast %shift_left3A_601 : vector<16xi32> -> vector<16xf32>
        %and3A_603 = arith.constant -65536 : i32
        %and3A_604 = vector.broadcast %and3A_603 : i32 to vector<16xi32>
        %and3A_605 = arith.andi %get3A_598, %and3A_604 : vector<16xi32>
        %bitcast_convert_type3A_606 = tpu.bitcast %and3A_605 : vector<16xi32> -> vector<16xf32>
        %get3A_607 = arith.index_cast %shift_right_logical3A_566 : i32 to index
        %get3A_608 = arith.constant 16 : index
        %get3A_609 = tpu.vector_load %arg7[%get3A_607, %get3A_608] {strides = array<i32>} : memref<256x80xi32, #tpu.memory_space<vmem>>, vector<1x16xi32>,
        %get3A_610 = vector.shape_cast %get3A_609 : vector<1x16xi32> to vector<16xi32>
        %shift_left3A_611 = arith.constant 16 : i32
        %shift_left3A_612 = vector.broadcast %shift_left3A_611 : i32 to vector<16xi32>
        %shift_left3A_613 = arith.shli %get3A_610, %shift_left3A_612 : vector<16xi32>
        %bitcast_convert_type3A_614 = tpu.bitcast %shift_left3A_613 : vector<16xi32> -> vector<16xf32>
        %and3A_615 = arith.constant -65536 : i32
        %and3A_616 = vector.broadcast %and3A_615 : i32 to vector<16xi32>
        %and3A_617 = arith.andi %get3A_610, %and3A_616 : vector<16xi32>
        %bitcast_convert_type3A_618 = tpu.bitcast %and3A_617 : vector<16xi32> -> vector<16xf32>
        %mul3A_619 = arith.mulf %bitcast_convert_type3A_602, %bitcast_convert_type3A_614 : vector<16xf32>
        %add3A_620 = arith.addf %add3A_506, %mul3A_619 : vector<16xf32>
        %mul3A_621 = arith.mulf %bitcast_convert_type3A_606, %bitcast_convert_type3A_618 : vector<16xf32>
        %add3A_622 = arith.addf %add3A_508, %mul3A_621 : vector<16xf32>
        %get3A_623 = arith.index_cast %and3A_564 : i32 to index
        %get3A_624 = arith.constant 32 : index
        %get3A_625 = tpu.vector_load %arg6[%get3A_623, %get3A_624] {strides = array<i32>} : memref<256x80xi32, #tpu.memory_space<vmem>>, vector<1x16xi32>,
        %get3A_626 = vector.shape_cast %get3A_625 : vector<1x16xi32> to vector<16xi32>
        %shift_left3A_627 = arith.constant 16 : i32
        %shift_left3A_628 = vector.broadcast %shift_left3A_627 : i32 to vector<16xi32>
        %shift_left3A_629 = arith.shli %get3A_626, %shift_left3A_628 : vector<16xi32>
        %bitcast_convert_type3A_630 = tpu.bitcast %shift_left3A_629 : vector<16xi32> -> vector<16xf32>
        %and3A_631 = arith.constant -65536 : i32
        %and3A_632 = vector.broadcast %and3A_631 : i32 to vector<16xi32>
        %and3A_633 = arith.andi %get3A_626, %and3A_632 : vector<16xi32>
        %bitcast_convert_type3A_634 = tpu.bitcast %and3A_633 : vector<16xi32> -> vector<16xf32>
        %get3A_635 = arith.index_cast %shift_right_logical3A_566 : i32 to index
        %get3A_636 = arith.constant 32 : index
        %get3A_637 = tpu.vector_load %arg7[%get3A_635, %get3A_636] {strides = array<i32>} : memref<256x80xi32, #tpu.memory_space<vmem>>, vector<1x16xi32>,
        %get3A_638 = vector.shape_cast %get3A_637 : vector<1x16xi32> to vector<16xi32>
        %shift_left3A_639 = arith.constant 16 : i32
        %shift_left3A_640 = vector.broadcast %shift_left3A_639 : i32 to vector<16xi32>
        %shift_left3A_641 = arith.shli %get3A_638, %shift_left3A_640 : vector<16xi32>
        %bitcast_convert_type3A_642 = tpu.bitcast %shift_left3A_641 : vector<16xi32> -> vector<16xf32>
        %and3A_643 = arith.constant -65536 : i32
        %and3A_644 = vector.broadcast %and3A_643 : i32 to vector<16xi32>
        %and3A_645 = arith.andi %get3A_638, %and3A_644 : vector<16xi32>
        %bitcast_convert_type3A_646 = tpu.bitcast %and3A_645 : vector<16xi32> -> vector<16xf32>
        %mul3A_647 = arith.mulf %bitcast_convert_type3A_630, %bitcast_convert_type3A_642 : vector<16xf32>
        %add3A_648 = arith.addf %add3A_534, %mul3A_647 : vector<16xf32>
        %mul3A_649 = arith.mulf %bitcast_convert_type3A_634, %bitcast_convert_type3A_646 : vector<16xf32>
        %add3A_650 = arith.addf %add3A_536, %mul3A_649 : vector<16xf32>
        %get3A_651 = arith.index_cast %and3A_564 : i32 to index
        %get3A_652 = arith.constant 48 : index
        %get3A_653 = tpu.vector_load %arg6[%get3A_651, %get3A_652] {strides = array<i32>} : memref<256x80xi32, #tpu.memory_space<vmem>>, vector<1x16xi32>,
        %get3A_654 = vector.shape_cast %get3A_653 : vector<1x16xi32> to vector<16xi32>
        %bitcast_convert_type3A_655 = tpu.bitcast %get3A_654 : vector<16xi32> -> vector<16xf32>
        %get3A_656 = arith.index_cast %shift_right_logical3A_566 : i32 to index
        %get3A_657 = arith.constant 48 : index
        %get3A_658 = tpu.vector_load %arg7[%get3A_656, %get3A_657] {strides = array<i32>} : memref<256x80xi32, #tpu.memory_space<vmem>>, vector<1x16xi32>,
        %get3A_659 = vector.shape_cast %get3A_658 : vector<1x16xi32> to vector<16xi32>
        %bitcast_convert_type3A_660 = tpu.bitcast %get3A_659 : vector<16xi32> -> vector<16xf32>
        %mul3A_661 = arith.mulf %bitcast_convert_type3A_655, %bitcast_convert_type3A_660 : vector<16xf32>
        %add3A_662 = arith.addf %add3A_548, %mul3A_661 : vector<16xf32>
        %get3A_663 = arith.index_cast %and3A_564 : i32 to index
        %get3A_664 = arith.constant 64 : index
        %get3A_665 = tpu.vector_load %arg6[%get3A_663, %get3A_664] {strides = array<i32>} : memref<256x80xi32, #tpu.memory_space<vmem>>, vector<1x16xi32>,
        %get3A_666 = vector.shape_cast %get3A_665 : vector<1x16xi32> to vector<16xi32>
        %bitcast_convert_type3A_667 = tpu.bitcast %get3A_666 : vector<16xi32> -> vector<16xf32>
        %get3A_668 = arith.index_cast %shift_right_logical3A_566 : i32 to index
        %get3A_669 = arith.constant 64 : index
        %get3A_670 = tpu.vector_load %arg7[%get3A_668, %get3A_669] {strides = array<i32>} : memref<256x80xi32, #tpu.memory_space<vmem>>, vector<1x16xi32>,
        %get3A_671 = vector.shape_cast %get3A_670 : vector<1x16xi32> to vector<16xi32>
        %bitcast_convert_type3A_672 = tpu.bitcast %get3A_671 : vector<16xi32> -> vector<16xf32>
        %mul3A_673 = arith.mulf %bitcast_convert_type3A_667, %bitcast_convert_type3A_672 : vector<16xf32>
        %add3A_674 = arith.addf %add3A_560, %mul3A_673 : vector<16xf32>
        %slice3A_675 = vector.extract_strided_slice %get3A_110 {offsets = [5], sizes = [1], strides = [1]} : vector<16xi32> to vector<1xi32>
        %squeeze3A_676 = vector.extract %slice3A_675[0] : i32 from vector<1xi32>
        %and3A_677 = arith.constant 65535 : i32
        %and3A_678 = arith.andi %squeeze3A_676, %and3A_677 : i32
        %shift_right_logical3A_679 = arith.constant 16 : i32
        %shift_right_logical3A_680 = arith.shrui %squeeze3A_676, %shift_right_logical3A_679 : i32
        %get3A_681 = arith.index_cast %and3A_678 : i32 to index
        %get3A_682 = arith.constant 0 : index
        %get3A_683 = tpu.vector_load %arg6[%get3A_681, %get3A_682] {strides = array<i32>} : memref<256x80xi32, #tpu.memory_space<vmem>>, vector<1x16xi32>,
        %get3A_684 = vector.shape_cast %get3A_683 : vector<1x16xi32> to vector<16xi32>
        %shift_left3A_685 = arith.constant 16 : i32
        %shift_left3A_686 = vector.broadcast %shift_left3A_685 : i32 to vector<16xi32>
        %shift_left3A_687 = arith.shli %get3A_684, %shift_left3A_686 : vector<16xi32>
        %bitcast_convert_type3A_688 = tpu.bitcast %shift_left3A_687 : vector<16xi32> -> vector<16xf32>
        %and3A_689 = arith.constant -65536 : i32
        %and3A_690 = vector.broadcast %and3A_689 : i32 to vector<16xi32>
        %and3A_691 = arith.andi %get3A_684, %and3A_690 : vector<16xi32>
        %bitcast_convert_type3A_692 = tpu.bitcast %and3A_691 : vector<16xi32> -> vector<16xf32>
        %get3A_693 = arith.index_cast %shift_right_logical3A_680 : i32 to index
        %get3A_694 = arith.constant 0 : index
        %get3A_695 = tpu.vector_load %arg7[%get3A_693, %get3A_694] {strides = array<i32>} : memref<256x80xi32, #tpu.memory_space<vmem>>, vector<1x16xi32>,
        %get3A_696 = vector.shape_cast %get3A_695 : vector<1x16xi32> to vector<16xi32>
        %shift_left3A_697 = arith.constant 16 : i32
        %shift_left3A_698 = vector.broadcast %shift_left3A_697 : i32 to vector<16xi32>
        %shift_left3A_699 = arith.shli %get3A_696, %shift_left3A_698 : vector<16xi32>
        %bitcast_convert_type3A_700 = tpu.bitcast %shift_left3A_699 : vector<16xi32> -> vector<16xf32>
        %and3A_701 = arith.constant -65536 : i32
        %and3A_702 = vector.broadcast %and3A_701 : i32 to vector<16xi32>
        %and3A_703 = arith.andi %get3A_696, %and3A_702 : vector<16xi32>
        %bitcast_convert_type3A_704 = tpu.bitcast %and3A_703 : vector<16xi32> -> vector<16xf32>
        %mul3A_705 = arith.mulf %bitcast_convert_type3A_688, %bitcast_convert_type3A_700 : vector<16xf32>
        %add3A_706 = arith.addf %add3A_592, %mul3A_705 : vector<16xf32>
        %mul3A_707 = arith.mulf %bitcast_convert_type3A_692, %bitcast_convert_type3A_704 : vector<16xf32>
        %add3A_708 = arith.addf %add3A_594, %mul3A_707 : vector<16xf32>
        %get3A_709 = arith.index_cast %and3A_678 : i32 to index
        %get3A_710 = arith.constant 16 : index
        %get3A_711 = tpu.vector_load %arg6[%get3A_709, %get3A_710] {strides = array<i32>} : memref<256x80xi32, #tpu.memory_space<vmem>>, vector<1x16xi32>,
        %get3A_712 = vector.shape_cast %get3A_711 : vector<1x16xi32> to vector<16xi32>
        %shift_left3A_713 = arith.constant 16 : i32
        %shift_left3A_714 = vector.broadcast %shift_left3A_713 : i32 to vector<16xi32>
        %shift_left3A_715 = arith.shli %get3A_712, %shift_left3A_714 : vector<16xi32>
        %bitcast_convert_type3A_716 = tpu.bitcast %shift_left3A_715 : vector<16xi32> -> vector<16xf32>
        %and3A_717 = arith.constant -65536 : i32
        %and3A_718 = vector.broadcast %and3A_717 : i32 to vector<16xi32>
        %and3A_719 = arith.andi %get3A_712, %and3A_718 : vector<16xi32>
        %bitcast_convert_type3A_720 = tpu.bitcast %and3A_719 : vector<16xi32> -> vector<16xf32>
        %get3A_721 = arith.index_cast %shift_right_logical3A_680 : i32 to index
        %get3A_722 = arith.constant 16 : index
        %get3A_723 = tpu.vector_load %arg7[%get3A_721, %get3A_722] {strides = array<i32>} : memref<256x80xi32, #tpu.memory_space<vmem>>, vector<1x16xi32>,
        %get3A_724 = vector.shape_cast %get3A_723 : vector<1x16xi32> to vector<16xi32>
        %shift_left3A_725 = arith.constant 16 : i32
        %shift_left3A_726 = vector.broadcast %shift_left3A_725 : i32 to vector<16xi32>
        %shift_left3A_727 = arith.shli %get3A_724, %shift_left3A_726 : vector<16xi32>
        %bitcast_convert_type3A_728 = tpu.bitcast %shift_left3A_727 : vector<16xi32> -> vector<16xf32>
        %and3A_729 = arith.constant -65536 : i32
        %and3A_730 = vector.broadcast %and3A_729 : i32 to vector<16xi32>
        %and3A_731 = arith.andi %get3A_724, %and3A_730 : vector<16xi32>
        %bitcast_convert_type3A_732 = tpu.bitcast %and3A_731 : vector<16xi32> -> vector<16xf32>
        %mul3A_733 = arith.mulf %bitcast_convert_type3A_716, %bitcast_convert_type3A_728 : vector<16xf32>
        %add3A_734 = arith.addf %add3A_620, %mul3A_733 : vector<16xf32>
        %mul3A_735 = arith.mulf %bitcast_convert_type3A_720, %bitcast_convert_type3A_732 : vector<16xf32>
        %add3A_736 = arith.addf %add3A_622, %mul3A_735 : vector<16xf32>
        %get3A_737 = arith.index_cast %and3A_678 : i32 to index
        %get3A_738 = arith.constant 32 : index
        %get3A_739 = tpu.vector_load %arg6[%get3A_737, %get3A_738] {strides = array<i32>} : memref<256x80xi32, #tpu.memory_space<vmem>>, vector<1x16xi32>,
        %get3A_740 = vector.shape_cast %get3A_739 : vector<1x16xi32> to vector<16xi32>
        %shift_left3A_741 = arith.constant 16 : i32
        %shift_left3A_742 = vector.broadcast %shift_left3A_741 : i32 to vector<16xi32>
        %shift_left3A_743 = arith.shli %get3A_740, %shift_left3A_742 : vector<16xi32>
        %bitcast_convert_type3A_744 = tpu.bitcast %shift_left3A_743 : vector<16xi32> -> vector<16xf32>
        %and3A_745 = arith.constant -65536 : i32
        %and3A_746 = vector.broadcast %and3A_745 : i32 to vector<16xi32>
        %and3A_747 = arith.andi %get3A_740, %and3A_746 : vector<16xi32>
        %bitcast_convert_type3A_748 = tpu.bitcast %and3A_747 : vector<16xi32> -> vector<16xf32>
        %get3A_749 = arith.index_cast %shift_right_logical3A_680 : i32 to index
        %get3A_750 = arith.constant 32 : index
        %get3A_751 = tpu.vector_load %arg7[%get3A_749, %get3A_750] {strides = array<i32>} : memref<256x80xi32, #tpu.memory_space<vmem>>, vector<1x16xi32>,
        %get3A_752 = vector.shape_cast %get3A_751 : vector<1x16xi32> to vector<16xi32>
        %shift_left3A_753 = arith.constant 16 : i32
        %shift_left3A_754 = vector.broadcast %shift_left3A_753 : i32 to vector<16xi32>
        %shift_left3A_755 = arith.shli %get3A_752, %shift_left3A_754 : vector<16xi32>
        %bitcast_convert_type3A_756 = tpu.bitcast %shift_left3A_755 : vector<16xi32> -> vector<16xf32>
        %and3A_757 = arith.constant -65536 : i32
        %and3A_758 = vector.broadcast %and3A_757 : i32 to vector<16xi32>
        %and3A_759 = arith.andi %get3A_752, %and3A_758 : vector<16xi32>
        %bitcast_convert_type3A_760 = tpu.bitcast %and3A_759 : vector<16xi32> -> vector<16xf32>
        %mul3A_761 = arith.mulf %bitcast_convert_type3A_744, %bitcast_convert_type3A_756 : vector<16xf32>
        %add3A_762 = arith.addf %add3A_648, %mul3A_761 : vector<16xf32>
        %mul3A_763 = arith.mulf %bitcast_convert_type3A_748, %bitcast_convert_type3A_760 : vector<16xf32>
        %add3A_764 = arith.addf %add3A_650, %mul3A_763 : vector<16xf32>
        %get3A_765 = arith.index_cast %and3A_678 : i32 to index
        %get3A_766 = arith.constant 48 : index
        %get3A_767 = tpu.vector_load %arg6[%get3A_765, %get3A_766] {strides = array<i32>} : memref<256x80xi32, #tpu.memory_space<vmem>>, vector<1x16xi32>,
        %get3A_768 = vector.shape_cast %get3A_767 : vector<1x16xi32> to vector<16xi32>
        %bitcast_convert_type3A_769 = tpu.bitcast %get3A_768 : vector<16xi32> -> vector<16xf32>
        %get3A_770 = arith.index_cast %shift_right_logical3A_680 : i32 to index
        %get3A_771 = arith.constant 48 : index
        %get3A_772 = tpu.vector_load %arg7[%get3A_770, %get3A_771] {strides = array<i32>} : memref<256x80xi32, #tpu.memory_space<vmem>>, vector<1x16xi32>,
        %get3A_773 = vector.shape_cast %get3A_772 : vector<1x16xi32> to vector<16xi32>
        %bitcast_convert_type3A_774 = tpu.bitcast %get3A_773 : vector<16xi32> -> vector<16xf32>
        %mul3A_775 = arith.mulf %bitcast_convert_type3A_769, %bitcast_convert_type3A_774 : vector<16xf32>
        %add3A_776 = arith.addf %add3A_662, %mul3A_775 : vector<16xf32>
        %get3A_777 = arith.index_cast %and3A_678 : i32 to index
        %get3A_778 = arith.constant 64 : index
        %get3A_779 = tpu.vector_load %arg6[%get3A_777, %get3A_778] {strides = array<i32>} : memref<256x80xi32, #tpu.memory_space<vmem>>, vector<1x16xi32>,
        %get3A_780 = vector.shape_cast %get3A_779 : vector<1x16xi32> to vector<16xi32>
        %bitcast_convert_type3A_781 = tpu.bitcast %get3A_780 : vector<16xi32> -> vector<16xf32>
        %get3A_782 = arith.index_cast %shift_right_logical3A_680 : i32 to index
        %get3A_783 = arith.constant 64 : index
        %get3A_784 = tpu.vector_load %arg7[%get3A_782, %get3A_783] {strides = array<i32>} : memref<256x80xi32, #tpu.memory_space<vmem>>, vector<1x16xi32>,
        %get3A_785 = vector.shape_cast %get3A_784 : vector<1x16xi32> to vector<16xi32>
        %bitcast_convert_type3A_786 = tpu.bitcast %get3A_785 : vector<16xi32> -> vector<16xf32>
        %mul3A_787 = arith.mulf %bitcast_convert_type3A_781, %bitcast_convert_type3A_786 : vector<16xf32>
        %add3A_788 = arith.addf %add3A_674, %mul3A_787 : vector<16xf32>
        %slice3A_789 = vector.extract_strided_slice %get3A_110 {offsets = [6], sizes = [1], strides = [1]} : vector<16xi32> to vector<1xi32>
        %squeeze3A_790 = vector.extract %slice3A_789[0] : i32 from vector<1xi32>
        %and3A_791 = arith.constant 65535 : i32
        %and3A_792 = arith.andi %squeeze3A_790, %and3A_791 : i32
        %shift_right_logical3A_793 = arith.constant 16 : i32
        %shift_right_logical3A_794 = arith.shrui %squeeze3A_790, %shift_right_logical3A_793 : i32
        %get3A_795 = arith.index_cast %and3A_792 : i32 to index
        %get3A_796 = arith.constant 0 : index
        %get3A_797 = tpu.vector_load %arg6[%get3A_795, %get3A_796] {strides = array<i32>} : memref<256x80xi32, #tpu.memory_space<vmem>>, vector<1x16xi32>,
        %get3A_798 = vector.shape_cast %get3A_797 : vector<1x16xi32> to vector<16xi32>
        %shift_left3A_799 = arith.constant 16 : i32
        %shift_left3A_800 = vector.broadcast %shift_left3A_799 : i32 to vector<16xi32>
        %shift_left3A_801 = arith.shli %get3A_798, %shift_left3A_800 : vector<16xi32>
        %bitcast_convert_type3A_802 = tpu.bitcast %shift_left3A_801 : vector<16xi32> -> vector<16xf32>
        %and3A_803 = arith.constant -65536 : i32
        %and3A_804 = vector.broadcast %and3A_803 : i32 to vector<16xi32>
        %and3A_805 = arith.andi %get3A_798, %and3A_804 : vector<16xi32>
        %bitcast_convert_type3A_806 = tpu.bitcast %and3A_805 : vector<16xi32> -> vector<16xf32>
        %get3A_807 = arith.index_cast %shift_right_logical3A_794 : i32 to index
        %get3A_808 = arith.constant 0 : index
        %get3A_809 = tpu.vector_load %arg7[%get3A_807, %get3A_808] {strides = array<i32>} : memref<256x80xi32, #tpu.memory_space<vmem>>, vector<1x16xi32>,
        %get3A_810 = vector.shape_cast %get3A_809 : vector<1x16xi32> to vector<16xi32>
        %shift_left3A_811 = arith.constant 16 : i32
        %shift_left3A_812 = vector.broadcast %shift_left3A_811 : i32 to vector<16xi32>
        %shift_left3A_813 = arith.shli %get3A_810, %shift_left3A_812 : vector<16xi32>
        %bitcast_convert_type3A_814 = tpu.bitcast %shift_left3A_813 : vector<16xi32> -> vector<16xf32>
        %and3A_815 = arith.constant -65536 : i32
        %and3A_816 = vector.broadcast %and3A_815 : i32 to vector<16xi32>
        %and3A_817 = arith.andi %get3A_810, %and3A_816 : vector<16xi32>
        %bitcast_convert_type3A_818 = tpu.bitcast %and3A_817 : vector<16xi32> -> vector<16xf32>
        %mul3A_819 = arith.mulf %bitcast_convert_type3A_802, %bitcast_convert_type3A_814 : vector<16xf32>
        %add3A_820 = arith.addf %add3A_706, %mul3A_819 : vector<16xf32>
        %mul3A_821 = arith.mulf %bitcast_convert_type3A_806, %bitcast_convert_type3A_818 : vector<16xf32>
        %add3A_822 = arith.addf %add3A_708, %mul3A_821 : vector<16xf32>
        %get3A_823 = arith.index_cast %and3A_792 : i32 to index
        %get3A_824 = arith.constant 16 : index
        %get3A_825 = tpu.vector_load %arg6[%get3A_823, %get3A_824] {strides = array<i32>} : memref<256x80xi32, #tpu.memory_space<vmem>>, vector<1x16xi32>,
        %get3A_826 = vector.shape_cast %get3A_825 : vector<1x16xi32> to vector<16xi32>
        %shift_left3A_827 = arith.constant 16 : i32
        %shift_left3A_828 = vector.broadcast %shift_left3A_827 : i32 to vector<16xi32>
        %shift_left3A_829 = arith.shli %get3A_826, %shift_left3A_828 : vector<16xi32>
        %bitcast_convert_type3A_830 = tpu.bitcast %shift_left3A_829 : vector<16xi32> -> vector<16xf32>
        %and3A_831 = arith.constant -65536 : i32
        %and3A_832 = vector.broadcast %and3A_831 : i32 to vector<16xi32>
        %and3A_833 = arith.andi %get3A_826, %and3A_832 : vector<16xi32>
        %bitcast_convert_type3A_834 = tpu.bitcast %and3A_833 : vector<16xi32> -> vector<16xf32>
        %get3A_835 = arith.index_cast %shift_right_logical3A_794 : i32 to index
        %get3A_836 = arith.constant 16 : index
        %get3A_837 = tpu.vector_load %arg7[%get3A_835, %get3A_836] {strides = array<i32>} : memref<256x80xi32, #tpu.memory_space<vmem>>, vector<1x16xi32>,
        %get3A_838 = vector.shape_cast %get3A_837 : vector<1x16xi32> to vector<16xi32>
        %shift_left3A_839 = arith.constant 16 : i32
        %shift_left3A_840 = vector.broadcast %shift_left3A_839 : i32 to vector<16xi32>
        %shift_left3A_841 = arith.shli %get3A_838, %shift_left3A_840 : vector<16xi32>
        %bitcast_convert_type3A_842 = tpu.bitcast %shift_left3A_841 : vector<16xi32> -> vector<16xf32>
        %and3A_843 = arith.constant -65536 : i32
        %and3A_844 = vector.broadcast %and3A_843 : i32 to vector<16xi32>
        %and3A_845 = arith.andi %get3A_838, %and3A_844 : vector<16xi32>
        %bitcast_convert_type3A_846 = tpu.bitcast %and3A_845 : vector<16xi32> -> vector<16xf32>
        %mul3A_847 = arith.mulf %bitcast_convert_type3A_830, %bitcast_convert_type3A_842 : vector<16xf32>
        %add3A_848 = arith.addf %add3A_734, %mul3A_847 : vector<16xf32>
        %mul3A_849 = arith.mulf %bitcast_convert_type3A_834, %bitcast_convert_type3A_846 : vector<16xf32>
        %add3A_850 = arith.addf %add3A_736, %mul3A_849 : vector<16xf32>
        %get3A_851 = arith.index_cast %and3A_792 : i32 to index
        %get3A_852 = arith.constant 32 : index
        %get3A_853 = tpu.vector_load %arg6[%get3A_851, %get3A_852] {strides = array<i32>} : memref<256x80xi32, #tpu.memory_space<vmem>>, vector<1x16xi32>,
        %get3A_854 = vector.shape_cast %get3A_853 : vector<1x16xi32> to vector<16xi32>
        %shift_left3A_855 = arith.constant 16 : i32
        %shift_left3A_856 = vector.broadcast %shift_left3A_855 : i32 to vector<16xi32>
        %shift_left3A_857 = arith.shli %get3A_854, %shift_left3A_856 : vector<16xi32>
        %bitcast_convert_type3A_858 = tpu.bitcast %shift_left3A_857 : vector<16xi32> -> vector<16xf32>
        %and3A_859 = arith.constant -65536 : i32
        %and3A_860 = vector.broadcast %and3A_859 : i32 to vector<16xi32>
        %and3A_861 = arith.andi %get3A_854, %and3A_860 : vector<16xi32>
        %bitcast_convert_type3A_862 = tpu.bitcast %and3A_861 : vector<16xi32> -> vector<16xf32>
        %get3A_863 = arith.index_cast %shift_right_logical3A_794 : i32 to index
        %get3A_864 = arith.constant 32 : index
        %get3A_865 = tpu.vector_load %arg7[%get3A_863, %get3A_864] {strides = array<i32>} : memref<256x80xi32, #tpu.memory_space<vmem>>, vector<1x16xi32>,
        %get3A_866 = vector.shape_cast %get3A_865 : vector<1x16xi32> to vector<16xi32>
        %shift_left3A_867 = arith.constant 16 : i32
        %shift_left3A_868 = vector.broadcast %shift_left3A_867 : i32 to vector<16xi32>
        %shift_left3A_869 = arith.shli %get3A_866, %shift_left3A_868 : vector<16xi32>
        %bitcast_convert_type3A_870 = tpu.bitcast %shift_left3A_869 : vector<16xi32> -> vector<16xf32>
        %and3A_871 = arith.constant -65536 : i32
        %and3A_872 = vector.broadcast %and3A_871 : i32 to vector<16xi32>
        %and3A_873 = arith.andi %get3A_866, %and3A_872 : vector<16xi32>
        %bitcast_convert_type3A_874 = tpu.bitcast %and3A_873 : vector<16xi32> -> vector<16xf32>
        %mul3A_875 = arith.mulf %bitcast_convert_type3A_858, %bitcast_convert_type3A_870 : vector<16xf32>
        %add3A_876 = arith.addf %add3A_762, %mul3A_875 : vector<16xf32>
        %mul3A_877 = arith.mulf %bitcast_convert_type3A_862, %bitcast_convert_type3A_874 : vector<16xf32>
        %add3A_878 = arith.addf %add3A_764, %mul3A_877 : vector<16xf32>
        %get3A_879 = arith.index_cast %and3A_792 : i32 to index
        %get3A_880 = arith.constant 48 : index
        %get3A_881 = tpu.vector_load %arg6[%get3A_879, %get3A_880] {strides = array<i32>} : memref<256x80xi32, #tpu.memory_space<vmem>>, vector<1x16xi32>,
        %get3A_882 = vector.shape_cast %get3A_881 : vector<1x16xi32> to vector<16xi32>
        %bitcast_convert_type3A_883 = tpu.bitcast %get3A_882 : vector<16xi32> -> vector<16xf32>
        %get3A_884 = arith.index_cast %shift_right_logical3A_794 : i32 to index
        %get3A_885 = arith.constant 48 : index
        %get3A_886 = tpu.vector_load %arg7[%get3A_884, %get3A_885] {strides = array<i32>} : memref<256x80xi32, #tpu.memory_space<vmem>>, vector<1x16xi32>,
        %get3A_887 = vector.shape_cast %get3A_886 : vector<1x16xi32> to vector<16xi32>
        %bitcast_convert_type3A_888 = tpu.bitcast %get3A_887 : vector<16xi32> -> vector<16xf32>
        %mul3A_889 = arith.mulf %bitcast_convert_type3A_883, %bitcast_convert_type3A_888 : vector<16xf32>
        %add3A_890 = arith.addf %add3A_776, %mul3A_889 : vector<16xf32>
        %get3A_891 = arith.index_cast %and3A_792 : i32 to index
        %get3A_892 = arith.constant 64 : index
        %get3A_893 = tpu.vector_load %arg6[%get3A_891, %get3A_892] {strides = array<i32>} : memref<256x80xi32, #tpu.memory_space<vmem>>, vector<1x16xi32>,
        %get3A_894 = vector.shape_cast %get3A_893 : vector<1x16xi32> to vector<16xi32>
        %bitcast_convert_type3A_895 = tpu.bitcast %get3A_894 : vector<16xi32> -> vector<16xf32>
        %get3A_896 = arith.index_cast %shift_right_logical3A_794 : i32 to index
        %get3A_897 = arith.constant 64 : index
        %get3A_898 = tpu.vector_load %arg7[%get3A_896, %get3A_897] {strides = array<i32>} : memref<256x80xi32, #tpu.memory_space<vmem>>, vector<1x16xi32>,
        %get3A_899 = vector.shape_cast %get3A_898 : vector<1x16xi32> to vector<16xi32>
        %bitcast_convert_type3A_900 = tpu.bitcast %get3A_899 : vector<16xi32> -> vector<16xf32>
        %mul3A_901 = arith.mulf %bitcast_convert_type3A_895, %bitcast_convert_type3A_900 : vector<16xf32>
        %add3A_902 = arith.addf %add3A_788, %mul3A_901 : vector<16xf32>
        %slice3A_903 = vector.extract_strided_slice %get3A_110 {offsets = [7], sizes = [1], strides = [1]} : vector<16xi32> to vector<1xi32>
        %squeeze3A_904 = vector.extract %slice3A_903[0] : i32 from vector<1xi32>
        %and3A_905 = arith.constant 65535 : i32
        %and3A_906 = arith.andi %squeeze3A_904, %and3A_905 : i32
        %shift_right_logical3A_907 = arith.constant 16 : i32
        %shift_right_logical3A_908 = arith.shrui %squeeze3A_904, %shift_right_logical3A_907 : i32
        %get3A_909 = arith.index_cast %and3A_906 : i32 to index
        %get3A_910 = arith.constant 0 : index
        %get3A_911 = tpu.vector_load %arg6[%get3A_909, %get3A_910] {strides = array<i32>} : memref<256x80xi32, #tpu.memory_space<vmem>>, vector<1x16xi32>,
        %get3A_912 = vector.shape_cast %get3A_911 : vector<1x16xi32> to vector<16xi32>
        %shift_left3A_913 = arith.constant 16 : i32
        %shift_left3A_914 = vector.broadcast %shift_left3A_913 : i32 to vector<16xi32>
        %shift_left3A_915 = arith.shli %get3A_912, %shift_left3A_914 : vector<16xi32>
        %bitcast_convert_type3A_916 = tpu.bitcast %shift_left3A_915 : vector<16xi32> -> vector<16xf32>
        %and3A_917 = arith.constant -65536 : i32
        %and3A_918 = vector.broadcast %and3A_917 : i32 to vector<16xi32>
        %and3A_919 = arith.andi %get3A_912, %and3A_918 : vector<16xi32>
        %bitcast_convert_type3A_920 = tpu.bitcast %and3A_919 : vector<16xi32> -> vector<16xf32>
        %get3A_921 = arith.index_cast %shift_right_logical3A_908 : i32 to index
        %get3A_922 = arith.constant 0 : index
        %get3A_923 = tpu.vector_load %arg7[%get3A_921, %get3A_922] {strides = array<i32>} : memref<256x80xi32, #tpu.memory_space<vmem>>, vector<1x16xi32>,
        %get3A_924 = vector.shape_cast %get3A_923 : vector<1x16xi32> to vector<16xi32>
        %shift_left3A_925 = arith.constant 16 : i32
        %shift_left3A_926 = vector.broadcast %shift_left3A_925 : i32 to vector<16xi32>
        %shift_left3A_927 = arith.shli %get3A_924, %shift_left3A_926 : vector<16xi32>
        %bitcast_convert_type3A_928 = tpu.bitcast %shift_left3A_927 : vector<16xi32> -> vector<16xf32>
        %and3A_929 = arith.constant -65536 : i32
        %and3A_930 = vector.broadcast %and3A_929 : i32 to vector<16xi32>
        %and3A_931 = arith.andi %get3A_924, %and3A_930 : vector<16xi32>
        %bitcast_convert_type3A_932 = tpu.bitcast %and3A_931 : vector<16xi32> -> vector<16xf32>
        %mul3A_933 = arith.mulf %bitcast_convert_type3A_916, %bitcast_convert_type3A_928 : vector<16xf32>
        %add3A_934 = arith.addf %add3A_820, %mul3A_933 : vector<16xf32>
        %mul3A_935 = arith.mulf %bitcast_convert_type3A_920, %bitcast_convert_type3A_932 : vector<16xf32>
        %add3A_936 = arith.addf %add3A_822, %mul3A_935 : vector<16xf32>
        %get3A_937 = arith.index_cast %and3A_906 : i32 to index
        %get3A_938 = arith.constant 16 : index
        %get3A_939 = tpu.vector_load %arg6[%get3A_937, %get3A_938] {strides = array<i32>} : memref<256x80xi32, #tpu.memory_space<vmem>>, vector<1x16xi32>,
        %get3A_940 = vector.shape_cast %get3A_939 : vector<1x16xi32> to vector<16xi32>
        %shift_left3A_941 = arith.constant 16 : i32
        %shift_left3A_942 = vector.broadcast %shift_left3A_941 : i32 to vector<16xi32>
        %shift_left3A_943 = arith.shli %get3A_940, %shift_left3A_942 : vector<16xi32>
        %bitcast_convert_type3A_944 = tpu.bitcast %shift_left3A_943 : vector<16xi32> -> vector<16xf32>
        %and3A_945 = arith.constant -65536 : i32
        %and3A_946 = vector.broadcast %and3A_945 : i32 to vector<16xi32>
        %and3A_947 = arith.andi %get3A_940, %and3A_946 : vector<16xi32>
        %bitcast_convert_type3A_948 = tpu.bitcast %and3A_947 : vector<16xi32> -> vector<16xf32>
        %get3A_949 = arith.index_cast %shift_right_logical3A_908 : i32 to index
        %get3A_950 = arith.constant 16 : index
        %get3A_951 = tpu.vector_load %arg7[%get3A_949, %get3A_950] {strides = array<i32>} : memref<256x80xi32, #tpu.memory_space<vmem>>, vector<1x16xi32>,
        %get3A_952 = vector.shape_cast %get3A_951 : vector<1x16xi32> to vector<16xi32>
        %shift_left3A_953 = arith.constant 16 : i32
        %shift_left3A_954 = vector.broadcast %shift_left3A_953 : i32 to vector<16xi32>
        %shift_left3A_955 = arith.shli %get3A_952, %shift_left3A_954 : vector<16xi32>
        %bitcast_convert_type3A_956 = tpu.bitcast %shift_left3A_955 : vector<16xi32> -> vector<16xf32>
        %and3A_957 = arith.constant -65536 : i32
        %and3A_958 = vector.broadcast %and3A_957 : i32 to vector<16xi32>
        %and3A_959 = arith.andi %get3A_952, %and3A_958 : vector<16xi32>
        %bitcast_convert_type3A_960 = tpu.bitcast %and3A_959 : vector<16xi32> -> vector<16xf32>
        %mul3A_961 = arith.mulf %bitcast_convert_type3A_944, %bitcast_convert_type3A_956 : vector<16xf32>
        %add3A_962 = arith.addf %add3A_848, %mul3A_961 : vector<16xf32>
        %mul3A_963 = arith.mulf %bitcast_convert_type3A_948, %bitcast_convert_type3A_960 : vector<16xf32>
        %add3A_964 = arith.addf %add3A_850, %mul3A_963 : vector<16xf32>
        %get3A_965 = arith.index_cast %and3A_906 : i32 to index
        %get3A_966 = arith.constant 32 : index
        %get3A_967 = tpu.vector_load %arg6[%get3A_965, %get3A_966] {strides = array<i32>} : memref<256x80xi32, #tpu.memory_space<vmem>>, vector<1x16xi32>,
        %get3A_968 = vector.shape_cast %get3A_967 : vector<1x16xi32> to vector<16xi32>
        %shift_left3A_969 = arith.constant 16 : i32
        %shift_left3A_970 = vector.broadcast %shift_left3A_969 : i32 to vector<16xi32>
        %shift_left3A_971 = arith.shli %get3A_968, %shift_left3A_970 : vector<16xi32>
        %bitcast_convert_type3A_972 = tpu.bitcast %shift_left3A_971 : vector<16xi32> -> vector<16xf32>
        %and3A_973 = arith.constant -65536 : i32
        %and3A_974 = vector.broadcast %and3A_973 : i32 to vector<16xi32>
        %and3A_975 = arith.andi %get3A_968, %and3A_974 : vector<16xi32>
        %bitcast_convert_type3A_976 = tpu.bitcast %and3A_975 : vector<16xi32> -> vector<16xf32>
        %get3A_977 = arith.index_cast %shift_right_logical3A_908 : i32 to index
        %get3A_978 = arith.constant 32 : index
        %get3A_979 = tpu.vector_load %arg7[%get3A_977, %get3A_978] {strides = array<i32>} : memref<256x80xi32, #tpu.memory_space<vmem>>, vector<1x16xi32>,
        %get3A_980 = vector.shape_cast %get3A_979 : vector<1x16xi32> to vector<16xi32>
        %shift_left3A_981 = arith.constant 16 : i32
        %shift_left3A_982 = vector.broadcast %shift_left3A_981 : i32 to vector<16xi32>
        %shift_left3A_983 = arith.shli %get3A_980, %shift_left3A_982 : vector<16xi32>
        %bitcast_convert_type3A_984 = tpu.bitcast %shift_left3A_983 : vector<16xi32> -> vector<16xf32>
        %and3A_985 = arith.constant -65536 : i32
        %and3A_986 = vector.broadcast %and3A_985 : i32 to vector<16xi32>
        %and3A_987 = arith.andi %get3A_980, %and3A_986 : vector<16xi32>
        %bitcast_convert_type3A_988 = tpu.bitcast %and3A_987 : vector<16xi32> -> vector<16xf32>
        %mul3A_989 = arith.mulf %bitcast_convert_type3A_972, %bitcast_convert_type3A_984 : vector<16xf32>
        %add3A_990 = arith.addf %add3A_876, %mul3A_989 : vector<16xf32>
        %mul3A_991 = arith.mulf %bitcast_convert_type3A_976, %bitcast_convert_type3A_988 : vector<16xf32>
        %add3A_992 = arith.addf %add3A_878, %mul3A_991 : vector<16xf32>
        %get3A_993 = arith.index_cast %and3A_906 : i32 to index
        %get3A_994 = arith.constant 48 : index
        %get3A_995 = tpu.vector_load %arg6[%get3A_993, %get3A_994] {strides = array<i32>} : memref<256x80xi32, #tpu.memory_space<vmem>>, vector<1x16xi32>,
        %get3A_996 = vector.shape_cast %get3A_995 : vector<1x16xi32> to vector<16xi32>
        %bitcast_convert_type3A_997 = tpu.bitcast %get3A_996 : vector<16xi32> -> vector<16xf32>
        %get3A_998 = arith.index_cast %shift_right_logical3A_908 : i32 to index
        %get3A_999 = arith.constant 48 : index
        %get3A_1000 = tpu.vector_load %arg7[%get3A_998, %get3A_999] {strides = array<i32>} : memref<256x80xi32, #tpu.memory_space<vmem>>, vector<1x16xi32>,
        %get3A_1001 = vector.shape_cast %get3A_1000 : vector<1x16xi32> to vector<16xi32>
        %bitcast_convert_type3A_1002 = tpu.bitcast %get3A_1001 : vector<16xi32> -> vector<16xf32>
        %mul3A_1003 = arith.mulf %bitcast_convert_type3A_997, %bitcast_convert_type3A_1002 : vector<16xf32>
        %add3A_1004 = arith.addf %add3A_890, %mul3A_1003 : vector<16xf32>
        %get3A_1005 = arith.index_cast %and3A_906 : i32 to index
        %get3A_1006 = arith.constant 64 : index
        %get3A_1007 = tpu.vector_load %arg6[%get3A_1005, %get3A_1006] {strides = array<i32>} : memref<256x80xi32, #tpu.memory_space<vmem>>, vector<1x16xi32>,
        %get3A_1008 = vector.shape_cast %get3A_1007 : vector<1x16xi32> to vector<16xi32>
        %bitcast_convert_type3A_1009 = tpu.bitcast %get3A_1008 : vector<16xi32> -> vector<16xf32>
        %get3A_1010 = arith.index_cast %shift_right_logical3A_908 : i32 to index
        %get3A_1011 = arith.constant 64 : index
        %get3A_1012 = tpu.vector_load %arg7[%get3A_1010, %get3A_1011] {strides = array<i32>} : memref<256x80xi32, #tpu.memory_space<vmem>>, vector<1x16xi32>,
        %get3A_1013 = vector.shape_cast %get3A_1012 : vector<1x16xi32> to vector<16xi32>
        %bitcast_convert_type3A_1014 = tpu.bitcast %get3A_1013 : vector<16xi32> -> vector<16xf32>
        %mul3A_1015 = arith.mulf %bitcast_convert_type3A_1009, %bitcast_convert_type3A_1014 : vector<16xf32>
        %add3A_1016 = arith.addf %add3A_902, %mul3A_1015 : vector<16xf32>
        %slice3A_1017 = vector.extract_strided_slice %get3A_110 {offsets = [8], sizes = [1], strides = [1]} : vector<16xi32> to vector<1xi32>
        %squeeze3A_1018 = vector.extract %slice3A_1017[0] : i32 from vector<1xi32>
        %and3A_1019 = arith.constant 65535 : i32
        %and3A_1020 = arith.andi %squeeze3A_1018, %and3A_1019 : i32
        %shift_right_logical3A_1021 = arith.constant 16 : i32
        %shift_right_logical3A_1022 = arith.shrui %squeeze3A_1018, %shift_right_logical3A_1021 : i32
        %get3A_1023 = arith.index_cast %and3A_1020 : i32 to index
        %get3A_1024 = arith.constant 0 : index
        %get3A_1025 = tpu.vector_load %arg6[%get3A_1023, %get3A_1024] {strides = array<i32>} : memref<256x80xi32, #tpu.memory_space<vmem>>, vector<1x16xi32>,
        %get3A_1026 = vector.shape_cast %get3A_1025 : vector<1x16xi32> to vector<16xi32>
        %shift_left3A_1027 = arith.constant 16 : i32
        %shift_left3A_1028 = vector.broadcast %shift_left3A_1027 : i32 to vector<16xi32>
        %shift_left3A_1029 = arith.shli %get3A_1026, %shift_left3A_1028 : vector<16xi32>
        %bitcast_convert_type3A_1030 = tpu.bitcast %shift_left3A_1029 : vector<16xi32> -> vector<16xf32>
        %and3A_1031 = arith.constant -65536 : i32
        %and3A_1032 = vector.broadcast %and3A_1031 : i32 to vector<16xi32>
        %and3A_1033 = arith.andi %get3A_1026, %and3A_1032 : vector<16xi32>
        %bitcast_convert_type3A_1034 = tpu.bitcast %and3A_1033 : vector<16xi32> -> vector<16xf32>
        %get3A_1035 = arith.index_cast %shift_right_logical3A_1022 : i32 to index
        %get3A_1036 = arith.constant 0 : index
        %get3A_1037 = tpu.vector_load %arg7[%get3A_1035, %get3A_1036] {strides = array<i32>} : memref<256x80xi32, #tpu.memory_space<vmem>>, vector<1x16xi32>,
        %get3A_1038 = vector.shape_cast %get3A_1037 : vector<1x16xi32> to vector<16xi32>
        %shift_left3A_1039 = arith.constant 16 : i32
        %shift_left3A_1040 = vector.broadcast %shift_left3A_1039 : i32 to vector<16xi32>
        %shift_left3A_1041 = arith.shli %get3A_1038, %shift_left3A_1040 : vector<16xi32>
        %bitcast_convert_type3A_1042 = tpu.bitcast %shift_left3A_1041 : vector<16xi32> -> vector<16xf32>
        %and3A_1043 = arith.constant -65536 : i32
        %and3A_1044 = vector.broadcast %and3A_1043 : i32 to vector<16xi32>
        %and3A_1045 = arith.andi %get3A_1038, %and3A_1044 : vector<16xi32>
        %bitcast_convert_type3A_1046 = tpu.bitcast %and3A_1045 : vector<16xi32> -> vector<16xf32>
        %mul3A_1047 = arith.mulf %bitcast_convert_type3A_1030, %bitcast_convert_type3A_1042 : vector<16xf32>
        %add3A_1048 = arith.addf %add3A_934, %mul3A_1047 : vector<16xf32>
        %mul3A_1049 = arith.mulf %bitcast_convert_type3A_1034, %bitcast_convert_type3A_1046 : vector<16xf32>
        %add3A_1050 = arith.addf %add3A_936, %mul3A_1049 : vector<16xf32>
        %get3A_1051 = arith.index_cast %and3A_1020 : i32 to index
        %get3A_1052 = arith.constant 16 : index
        %get3A_1053 = tpu.vector_load %arg6[%get3A_1051, %get3A_1052] {strides = array<i32>} : memref<256x80xi32, #tpu.memory_space<vmem>>, vector<1x16xi32>,
        %get3A_1054 = vector.shape_cast %get3A_1053 : vector<1x16xi32> to vector<16xi32>
        %shift_left3A_1055 = arith.constant 16 : i32
        %shift_left3A_1056 = vector.broadcast %shift_left3A_1055 : i32 to vector<16xi32>
        %shift_left3A_1057 = arith.shli %get3A_1054, %shift_left3A_1056 : vector<16xi32>
        %bitcast_convert_type3A_1058 = tpu.bitcast %shift_left3A_1057 : vector<16xi32> -> vector<16xf32>
        %and3A_1059 = arith.constant -65536 : i32
        %and3A_1060 = vector.broadcast %and3A_1059 : i32 to vector<16xi32>
        %and3A_1061 = arith.andi %get3A_1054, %and3A_1060 : vector<16xi32>
        %bitcast_convert_type3A_1062 = tpu.bitcast %and3A_1061 : vector<16xi32> -> vector<16xf32>
        %get3A_1063 = arith.index_cast %shift_right_logical3A_1022 : i32 to index
        %get3A_1064 = arith.constant 16 : index
        %get3A_1065 = tpu.vector_load %arg7[%get3A_1063, %get3A_1064] {strides = array<i32>} : memref<256x80xi32, #tpu.memory_space<vmem>>, vector<1x16xi32>,
        %get3A_1066 = vector.shape_cast %get3A_1065 : vector<1x16xi32> to vector<16xi32>
        %shift_left3A_1067 = arith.constant 16 : i32
        %shift_left3A_1068 = vector.broadcast %shift_left3A_1067 : i32 to vector<16xi32>
        %shift_left3A_1069 = arith.shli %get3A_1066, %shift_left3A_1068 : vector<16xi32>
        %bitcast_convert_type3A_1070 = tpu.bitcast %shift_left3A_1069 : vector<16xi32> -> vector<16xf32>
        %and3A_1071 = arith.constant -65536 : i32
        %and3A_1072 = vector.broadcast %and3A_1071 : i32 to vector<16xi32>
        %and3A_1073 = arith.andi %get3A_1066, %and3A_1072 : vector<16xi32>
        %bitcast_convert_type3A_1074 = tpu.bitcast %and3A_1073 : vector<16xi32> -> vector<16xf32>
        %mul3A_1075 = arith.mulf %bitcast_convert_type3A_1058, %bitcast_convert_type3A_1070 : vector<16xf32>
        %add3A_1076 = arith.addf %add3A_962, %mul3A_1075 : vector<16xf32>
        %mul3A_1077 = arith.mulf %bitcast_convert_type3A_1062, %bitcast_convert_type3A_1074 : vector<16xf32>
        %add3A_1078 = arith.addf %add3A_964, %mul3A_1077 : vector<16xf32>
        %get3A_1079 = arith.index_cast %and3A_1020 : i32 to index
        %get3A_1080 = arith.constant 32 : index
        %get3A_1081 = tpu.vector_load %arg6[%get3A_1079, %get3A_1080] {strides = array<i32>} : memref<256x80xi32, #tpu.memory_space<vmem>>, vector<1x16xi32>,
        %get3A_1082 = vector.shape_cast %get3A_1081 : vector<1x16xi32> to vector<16xi32>
        %shift_left3A_1083 = arith.constant 16 : i32
        %shift_left3A_1084 = vector.broadcast %shift_left3A_1083 : i32 to vector<16xi32>
        %shift_left3A_1085 = arith.shli %get3A_1082, %shift_left3A_1084 : vector<16xi32>
        %bitcast_convert_type3A_1086 = tpu.bitcast %shift_left3A_1085 : vector<16xi32> -> vector<16xf32>
        %and3A_1087 = arith.constant -65536 : i32
        %and3A_1088 = vector.broadcast %and3A_1087 : i32 to vector<16xi32>
        %and3A_1089 = arith.andi %get3A_1082, %and3A_1088 : vector<16xi32>
        %bitcast_convert_type3A_1090 = tpu.bitcast %and3A_1089 : vector<16xi32> -> vector<16xf32>
        %get3A_1091 = arith.index_cast %shift_right_logical3A_1022 : i32 to index
        %get3A_1092 = arith.constant 32 : index
        %get3A_1093 = tpu.vector_load %arg7[%get3A_1091, %get3A_1092] {strides = array<i32>} : memref<256x80xi32, #tpu.memory_space<vmem>>, vector<1x16xi32>,
        %get3A_1094 = vector.shape_cast %get3A_1093 : vector<1x16xi32> to vector<16xi32>
        %shift_left3A_1095 = arith.constant 16 : i32
        %shift_left3A_1096 = vector.broadcast %shift_left3A_1095 : i32 to vector<16xi32>
        %shift_left3A_1097 = arith.shli %get3A_1094, %shift_left3A_1096 : vector<16xi32>
        %bitcast_convert_type3A_1098 = tpu.bitcast %shift_left3A_1097 : vector<16xi32> -> vector<16xf32>
        %and3A_1099 = arith.constant -65536 : i32
        %and3A_1100 = vector.broadcast %and3A_1099 : i32 to vector<16xi32>
        %and3A_1101 = arith.andi %get3A_1094, %and3A_1100 : vector<16xi32>
        %bitcast_convert_type3A_1102 = tpu.bitcast %and3A_1101 : vector<16xi32> -> vector<16xf32>
        %mul3A_1103 = arith.mulf %bitcast_convert_type3A_1086, %bitcast_convert_type3A_1098 : vector<16xf32>
        %add3A_1104 = arith.addf %add3A_990, %mul3A_1103 : vector<16xf32>
        %mul3A_1105 = arith.mulf %bitcast_convert_type3A_1090, %bitcast_convert_type3A_1102 : vector<16xf32>
        %add3A_1106 = arith.addf %add3A_992, %mul3A_1105 : vector<16xf32>
        %get3A_1107 = arith.index_cast %and3A_1020 : i32 to index
        %get3A_1108 = arith.constant 48 : index
        %get3A_1109 = tpu.vector_load %arg6[%get3A_1107, %get3A_1108] {strides = array<i32>} : memref<256x80xi32, #tpu.memory_space<vmem>>, vector<1x16xi32>,
        %get3A_1110 = vector.shape_cast %get3A_1109 : vector<1x16xi32> to vector<16xi32>
        %bitcast_convert_type3A_1111 = tpu.bitcast %get3A_1110 : vector<16xi32> -> vector<16xf32>
        %get3A_1112 = arith.index_cast %shift_right_logical3A_1022 : i32 to index
        %get3A_1113 = arith.constant 48 : index
        %get3A_1114 = tpu.vector_load %arg7[%get3A_1112, %get3A_1113] {strides = array<i32>} : memref<256x80xi32, #tpu.memory_space<vmem>>, vector<1x16xi32>,
        %get3A_1115 = vector.shape_cast %get3A_1114 : vector<1x16xi32> to vector<16xi32>
        %bitcast_convert_type3A_1116 = tpu.bitcast %get3A_1115 : vector<16xi32> -> vector<16xf32>
        %mul3A_1117 = arith.mulf %bitcast_convert_type3A_1111, %bitcast_convert_type3A_1116 : vector<16xf32>
        %add3A_1118 = arith.addf %add3A_1004, %mul3A_1117 : vector<16xf32>
        %get3A_1119 = arith.index_cast %and3A_1020 : i32 to index
        %get3A_1120 = arith.constant 64 : index
        %get3A_1121 = tpu.vector_load %arg6[%get3A_1119, %get3A_1120] {strides = array<i32>} : memref<256x80xi32, #tpu.memory_space<vmem>>, vector<1x16xi32>,
        %get3A_1122 = vector.shape_cast %get3A_1121 : vector<1x16xi32> to vector<16xi32>
        %bitcast_convert_type3A_1123 = tpu.bitcast %get3A_1122 : vector<16xi32> -> vector<16xf32>
        %get3A_1124 = arith.index_cast %shift_right_logical3A_1022 : i32 to index
        %get3A_1125 = arith.constant 64 : index
        %get3A_1126 = tpu.vector_load %arg7[%get3A_1124, %get3A_1125] {strides = array<i32>} : memref<256x80xi32, #tpu.memory_space<vmem>>, vector<1x16xi32>,
        %get3A_1127 = vector.shape_cast %get3A_1126 : vector<1x16xi32> to vector<16xi32>
        %bitcast_convert_type3A_1128 = tpu.bitcast %get3A_1127 : vector<16xi32> -> vector<16xf32>
        %mul3A_1129 = arith.mulf %bitcast_convert_type3A_1123, %bitcast_convert_type3A_1128 : vector<16xf32>
        %add3A_1130 = arith.addf %add3A_1016, %mul3A_1129 : vector<16xf32>
        %slice3A_1131 = vector.extract_strided_slice %get3A_110 {offsets = [9], sizes = [1], strides = [1]} : vector<16xi32> to vector<1xi32>
        %squeeze3A_1132 = vector.extract %slice3A_1131[0] : i32 from vector<1xi32>
        %and3A_1133 = arith.constant 65535 : i32
        %and3A_1134 = arith.andi %squeeze3A_1132, %and3A_1133 : i32
        %shift_right_logical3A_1135 = arith.constant 16 : i32
        %shift_right_logical3A_1136 = arith.shrui %squeeze3A_1132, %shift_right_logical3A_1135 : i32
        %get3A_1137 = arith.index_cast %and3A_1134 : i32 to index
        %get3A_1138 = arith.constant 0 : index
        %get3A_1139 = tpu.vector_load %arg6[%get3A_1137, %get3A_1138] {strides = array<i32>} : memref<256x80xi32, #tpu.memory_space<vmem>>, vector<1x16xi32>,
        %get3A_1140 = vector.shape_cast %get3A_1139 : vector<1x16xi32> to vector<16xi32>
        %shift_left3A_1141 = arith.constant 16 : i32
        %shift_left3A_1142 = vector.broadcast %shift_left3A_1141 : i32 to vector<16xi32>
        %shift_left3A_1143 = arith.shli %get3A_1140, %shift_left3A_1142 : vector<16xi32>
        %bitcast_convert_type3A_1144 = tpu.bitcast %shift_left3A_1143 : vector<16xi32> -> vector<16xf32>
        %and3A_1145 = arith.constant -65536 : i32
        %and3A_1146 = vector.broadcast %and3A_1145 : i32 to vector<16xi32>
        %and3A_1147 = arith.andi %get3A_1140, %and3A_1146 : vector<16xi32>
        %bitcast_convert_type3A_1148 = tpu.bitcast %and3A_1147 : vector<16xi32> -> vector<16xf32>
        %get3A_1149 = arith.index_cast %shift_right_logical3A_1136 : i32 to index
        %get3A_1150 = arith.constant 0 : index
        %get3A_1151 = tpu.vector_load %arg7[%get3A_1149, %get3A_1150] {strides = array<i32>} : memref<256x80xi32, #tpu.memory_space<vmem>>, vector<1x16xi32>,
        %get3A_1152 = vector.shape_cast %get3A_1151 : vector<1x16xi32> to vector<16xi32>
        %shift_left3A_1153 = arith.constant 16 : i32
        %shift_left3A_1154 = vector.broadcast %shift_left3A_1153 : i32 to vector<16xi32>
        %shift_left3A_1155 = arith.shli %get3A_1152, %shift_left3A_1154 : vector<16xi32>
        %bitcast_convert_type3A_1156 = tpu.bitcast %shift_left3A_1155 : vector<16xi32> -> vector<16xf32>
        %and3A_1157 = arith.constant -65536 : i32
        %and3A_1158 = vector.broadcast %and3A_1157 : i32 to vector<16xi32>
        %and3A_1159 = arith.andi %get3A_1152, %and3A_1158 : vector<16xi32>
        %bitcast_convert_type3A_1160 = tpu.bitcast %and3A_1159 : vector<16xi32> -> vector<16xf32>
        %mul3A_1161 = arith.mulf %bitcast_convert_type3A_1144, %bitcast_convert_type3A_1156 : vector<16xf32>
        %add3A_1162 = arith.addf %add3A_1048, %mul3A_1161 : vector<16xf32>
        %mul3A_1163 = arith.mulf %bitcast_convert_type3A_1148, %bitcast_convert_type3A_1160 : vector<16xf32>
        %add3A_1164 = arith.addf %add3A_1050, %mul3A_1163 : vector<16xf32>
        %get3A_1165 = arith.index_cast %and3A_1134 : i32 to index
        %get3A_1166 = arith.constant 16 : index
        %get3A_1167 = tpu.vector_load %arg6[%get3A_1165, %get3A_1166] {strides = array<i32>} : memref<256x80xi32, #tpu.memory_space<vmem>>, vector<1x16xi32>,
        %get3A_1168 = vector.shape_cast %get3A_1167 : vector<1x16xi32> to vector<16xi32>
        %shift_left3A_1169 = arith.constant 16 : i32
        %shift_left3A_1170 = vector.broadcast %shift_left3A_1169 : i32 to vector<16xi32>
        %shift_left3A_1171 = arith.shli %get3A_1168, %shift_left3A_1170 : vector<16xi32>
        %bitcast_convert_type3A_1172 = tpu.bitcast %shift_left3A_1171 : vector<16xi32> -> vector<16xf32>
        %and3A_1173 = arith.constant -65536 : i32
        %and3A_1174 = vector.broadcast %and3A_1173 : i32 to vector<16xi32>
        %and3A_1175 = arith.andi %get3A_1168, %and3A_1174 : vector<16xi32>
        %bitcast_convert_type3A_1176 = tpu.bitcast %and3A_1175 : vector<16xi32> -> vector<16xf32>
        %get3A_1177 = arith.index_cast %shift_right_logical3A_1136 : i32 to index
        %get3A_1178 = arith.constant 16 : index
        %get3A_1179 = tpu.vector_load %arg7[%get3A_1177, %get3A_1178] {strides = array<i32>} : memref<256x80xi32, #tpu.memory_space<vmem>>, vector<1x16xi32>,
        %get3A_1180 = vector.shape_cast %get3A_1179 : vector<1x16xi32> to vector<16xi32>
        %shift_left3A_1181 = arith.constant 16 : i32
        %shift_left3A_1182 = vector.broadcast %shift_left3A_1181 : i32 to vector<16xi32>
        %shift_left3A_1183 = arith.shli %get3A_1180, %shift_left3A_1182 : vector<16xi32>
        %bitcast_convert_type3A_1184 = tpu.bitcast %shift_left3A_1183 : vector<16xi32> -> vector<16xf32>
        %and3A_1185 = arith.constant -65536 : i32
        %and3A_1186 = vector.broadcast %and3A_1185 : i32 to vector<16xi32>
        %and3A_1187 = arith.andi %get3A_1180, %and3A_1186 : vector<16xi32>
        %bitcast_convert_type3A_1188 = tpu.bitcast %and3A_1187 : vector<16xi32> -> vector<16xf32>
        %mul3A_1189 = arith.mulf %bitcast_convert_type3A_1172, %bitcast_convert_type3A_1184 : vector<16xf32>
        %add3A_1190 = arith.addf %add3A_1076, %mul3A_1189 : vector<16xf32>
        %mul3A_1191 = arith.mulf %bitcast_convert_type3A_1176, %bitcast_convert_type3A_1188 : vector<16xf32>
        %add3A_1192 = arith.addf %add3A_1078, %mul3A_1191 : vector<16xf32>
        %get3A_1193 = arith.index_cast %and3A_1134 : i32 to index
        %get3A_1194 = arith.constant 32 : index
        %get3A_1195 = tpu.vector_load %arg6[%get3A_1193, %get3A_1194] {strides = array<i32>} : memref<256x80xi32, #tpu.memory_space<vmem>>, vector<1x16xi32>,
        %get3A_1196 = vector.shape_cast %get3A_1195 : vector<1x16xi32> to vector<16xi32>
        %shift_left3A_1197 = arith.constant 16 : i32
        %shift_left3A_1198 = vector.broadcast %shift_left3A_1197 : i32 to vector<16xi32>
        %shift_left3A_1199 = arith.shli %get3A_1196, %shift_left3A_1198 : vector<16xi32>
        %bitcast_convert_type3A_1200 = tpu.bitcast %shift_left3A_1199 : vector<16xi32> -> vector<16xf32>
        %and3A_1201 = arith.constant -65536 : i32
        %and3A_1202 = vector.broadcast %and3A_1201 : i32 to vector<16xi32>
        %and3A_1203 = arith.andi %get3A_1196, %and3A_1202 : vector<16xi32>
        %bitcast_convert_type3A_1204 = tpu.bitcast %and3A_1203 : vector<16xi32> -> vector<16xf32>
        %get3A_1205 = arith.index_cast %shift_right_logical3A_1136 : i32 to index
        %get3A_1206 = arith.constant 32 : index
        %get3A_1207 = tpu.vector_load %arg7[%get3A_1205, %get3A_1206] {strides = array<i32>} : memref<256x80xi32, #tpu.memory_space<vmem>>, vector<1x16xi32>,
        %get3A_1208 = vector.shape_cast %get3A_1207 : vector<1x16xi32> to vector<16xi32>
        %shift_left3A_1209 = arith.constant 16 : i32
        %shift_left3A_1210 = vector.broadcast %shift_left3A_1209 : i32 to vector<16xi32>
        %shift_left3A_1211 = arith.shli %get3A_1208, %shift_left3A_1210 : vector<16xi32>
        %bitcast_convert_type3A_1212 = tpu.bitcast %shift_left3A_1211 : vector<16xi32> -> vector<16xf32>
        %and3A_1213 = arith.constant -65536 : i32
        %and3A_1214 = vector.broadcast %and3A_1213 : i32 to vector<16xi32>
        %and3A_1215 = arith.andi %get3A_1208, %and3A_1214 : vector<16xi32>
        %bitcast_convert_type3A_1216 = tpu.bitcast %and3A_1215 : vector<16xi32> -> vector<16xf32>
        %mul3A_1217 = arith.mulf %bitcast_convert_type3A_1200, %bitcast_convert_type3A_1212 : vector<16xf32>
        %add3A_1218 = arith.addf %add3A_1104, %mul3A_1217 : vector<16xf32>
        %mul3A_1219 = arith.mulf %bitcast_convert_type3A_1204, %bitcast_convert_type3A_1216 : vector<16xf32>
        %add3A_1220 = arith.addf %add3A_1106, %mul3A_1219 : vector<16xf32>
        %get3A_1221 = arith.index_cast %and3A_1134 : i32 to index
        %get3A_1222 = arith.constant 48 : index
        %get3A_1223 = tpu.vector_load %arg6[%get3A_1221, %get3A_1222] {strides = array<i32>} : memref<256x80xi32, #tpu.memory_space<vmem>>, vector<1x16xi32>,
        %get3A_1224 = vector.shape_cast %get3A_1223 : vector<1x16xi32> to vector<16xi32>
        %bitcast_convert_type3A_1225 = tpu.bitcast %get3A_1224 : vector<16xi32> -> vector<16xf32>
        %get3A_1226 = arith.index_cast %shift_right_logical3A_1136 : i32 to index
        %get3A_1227 = arith.constant 48 : index
        %get3A_1228 = tpu.vector_load %arg7[%get3A_1226, %get3A_1227] {strides = array<i32>} : memref<256x80xi32, #tpu.memory_space<vmem>>, vector<1x16xi32>,
        %get3A_1229 = vector.shape_cast %get3A_1228 : vector<1x16xi32> to vector<16xi32>
        %bitcast_convert_type3A_1230 = tpu.bitcast %get3A_1229 : vector<16xi32> -> vector<16xf32>
        %mul3A_1231 = arith.mulf %bitcast_convert_type3A_1225, %bitcast_convert_type3A_1230 : vector<16xf32>
        %add3A_1232 = arith.addf %add3A_1118, %mul3A_1231 : vector<16xf32>
        %get3A_1233 = arith.index_cast %and3A_1134 : i32 to index
        %get3A_1234 = arith.constant 64 : index
        %get3A_1235 = tpu.vector_load %arg6[%get3A_1233, %get3A_1234] {strides = array<i32>} : memref<256x80xi32, #tpu.memory_space<vmem>>, vector<1x16xi32>,
        %get3A_1236 = vector.shape_cast %get3A_1235 : vector<1x16xi32> to vector<16xi32>
        %bitcast_convert_type3A_1237 = tpu.bitcast %get3A_1236 : vector<16xi32> -> vector<16xf32>
        %get3A_1238 = arith.index_cast %shift_right_logical3A_1136 : i32 to index
        %get3A_1239 = arith.constant 64 : index
        %get3A_1240 = tpu.vector_load %arg7[%get3A_1238, %get3A_1239] {strides = array<i32>} : memref<256x80xi32, #tpu.memory_space<vmem>>, vector<1x16xi32>,
        %get3A_1241 = vector.shape_cast %get3A_1240 : vector<1x16xi32> to vector<16xi32>
        %bitcast_convert_type3A_1242 = tpu.bitcast %get3A_1241 : vector<16xi32> -> vector<16xf32>
        %mul3A_1243 = arith.mulf %bitcast_convert_type3A_1237, %bitcast_convert_type3A_1242 : vector<16xf32>
        %add3A_1244 = arith.addf %add3A_1130, %mul3A_1243 : vector<16xf32>
        %slice3A_1245 = vector.extract_strided_slice %get3A_110 {offsets = [10], sizes = [1], strides = [1]} : vector<16xi32> to vector<1xi32>
        %squeeze3A_1246 = vector.extract %slice3A_1245[0] : i32 from vector<1xi32>
        %and3A_1247 = arith.constant 65535 : i32
        %and3A_1248 = arith.andi %squeeze3A_1246, %and3A_1247 : i32
        %shift_right_logical3A_1249 = arith.constant 16 : i32
        %shift_right_logical3A_1250 = arith.shrui %squeeze3A_1246, %shift_right_logical3A_1249 : i32
        %get3A_1251 = arith.index_cast %and3A_1248 : i32 to index
        %get3A_1252 = arith.constant 0 : index
        %get3A_1253 = tpu.vector_load %arg6[%get3A_1251, %get3A_1252] {strides = array<i32>} : memref<256x80xi32, #tpu.memory_space<vmem>>, vector<1x16xi32>,
        %get3A_1254 = vector.shape_cast %get3A_1253 : vector<1x16xi32> to vector<16xi32>
        %shift_left3A_1255 = arith.constant 16 : i32
        %shift_left3A_1256 = vector.broadcast %shift_left3A_1255 : i32 to vector<16xi32>
        %shift_left3A_1257 = arith.shli %get3A_1254, %shift_left3A_1256 : vector<16xi32>
        %bitcast_convert_type3A_1258 = tpu.bitcast %shift_left3A_1257 : vector<16xi32> -> vector<16xf32>
        %and3A_1259 = arith.constant -65536 : i32
        %and3A_1260 = vector.broadcast %and3A_1259 : i32 to vector<16xi32>
        %and3A_1261 = arith.andi %get3A_1254, %and3A_1260 : vector<16xi32>
        %bitcast_convert_type3A_1262 = tpu.bitcast %and3A_1261 : vector<16xi32> -> vector<16xf32>
        %get3A_1263 = arith.index_cast %shift_right_logical3A_1250 : i32 to index
        %get3A_1264 = arith.constant 0 : index
        %get3A_1265 = tpu.vector_load %arg7[%get3A_1263, %get3A_1264] {strides = array<i32>} : memref<256x80xi32, #tpu.memory_space<vmem>>, vector<1x16xi32>,
        %get3A_1266 = vector.shape_cast %get3A_1265 : vector<1x16xi32> to vector<16xi32>
        %shift_left3A_1267 = arith.constant 16 : i32
        %shift_left3A_1268 = vector.broadcast %shift_left3A_1267 : i32 to vector<16xi32>
        %shift_left3A_1269 = arith.shli %get3A_1266, %shift_left3A_1268 : vector<16xi32>
        %bitcast_convert_type3A_1270 = tpu.bitcast %shift_left3A_1269 : vector<16xi32> -> vector<16xf32>
        %and3A_1271 = arith.constant -65536 : i32
        %and3A_1272 = vector.broadcast %and3A_1271 : i32 to vector<16xi32>
        %and3A_1273 = arith.andi %get3A_1266, %and3A_1272 : vector<16xi32>
        %bitcast_convert_type3A_1274 = tpu.bitcast %and3A_1273 : vector<16xi32> -> vector<16xf32>
        %mul3A_1275 = arith.mulf %bitcast_convert_type3A_1258, %bitcast_convert_type3A_1270 : vector<16xf32>
        %add3A_1276 = arith.addf %add3A_1162, %mul3A_1275 : vector<16xf32>
        %mul3A_1277 = arith.mulf %bitcast_convert_type3A_1262, %bitcast_convert_type3A_1274 : vector<16xf32>
        %add3A_1278 = arith.addf %add3A_1164, %mul3A_1277 : vector<16xf32>
        %get3A_1279 = arith.index_cast %and3A_1248 : i32 to index
        %get3A_1280 = arith.constant 16 : index
        %get3A_1281 = tpu.vector_load %arg6[%get3A_1279, %get3A_1280] {strides = array<i32>} : memref<256x80xi32, #tpu.memory_space<vmem>>, vector<1x16xi32>,
        %get3A_1282 = vector.shape_cast %get3A_1281 : vector<1x16xi32> to vector<16xi32>
        %shift_left3A_1283 = arith.constant 16 : i32
        %shift_left3A_1284 = vector.broadcast %shift_left3A_1283 : i32 to vector<16xi32>
        %shift_left3A_1285 = arith.shli %get3A_1282, %shift_left3A_1284 : vector<16xi32>
        %bitcast_convert_type3A_1286 = tpu.bitcast %shift_left3A_1285 : vector<16xi32> -> vector<16xf32>
        %and3A_1287 = arith.constant -65536 : i32
        %and3A_1288 = vector.broadcast %and3A_1287 : i32 to vector<16xi32>
        %and3A_1289 = arith.andi %get3A_1282, %and3A_1288 : vector<16xi32>
        %bitcast_convert_type3A_1290 = tpu.bitcast %and3A_1289 : vector<16xi32> -> vector<16xf32>
        %get3A_1291 = arith.index_cast %shift_right_logical3A_1250 : i32 to index
        %get3A_1292 = arith.constant 16 : index
        %get3A_1293 = tpu.vector_load %arg7[%get3A_1291, %get3A_1292] {strides = array<i32>} : memref<256x80xi32, #tpu.memory_space<vmem>>, vector<1x16xi32>,
        %get3A_1294 = vector.shape_cast %get3A_1293 : vector<1x16xi32> to vector<16xi32>
        %shift_left3A_1295 = arith.constant 16 : i32
        %shift_left3A_1296 = vector.broadcast %shift_left3A_1295 : i32 to vector<16xi32>
        %shift_left3A_1297 = arith.shli %get3A_1294, %shift_left3A_1296 : vector<16xi32>
        %bitcast_convert_type3A_1298 = tpu.bitcast %shift_left3A_1297 : vector<16xi32> -> vector<16xf32>
        %and3A_1299 = arith.constant -65536 : i32
        %and3A_1300 = vector.broadcast %and3A_1299 : i32 to vector<16xi32>
        %and3A_1301 = arith.andi %get3A_1294, %and3A_1300 : vector<16xi32>
        %bitcast_convert_type3A_1302 = tpu.bitcast %and3A_1301 : vector<16xi32> -> vector<16xf32>
        %mul3A_1303 = arith.mulf %bitcast_convert_type3A_1286, %bitcast_convert_type3A_1298 : vector<16xf32>
        %add3A_1304 = arith.addf %add3A_1190, %mul3A_1303 : vector<16xf32>
        %mul3A_1305 = arith.mulf %bitcast_convert_type3A_1290, %bitcast_convert_type3A_1302 : vector<16xf32>
        %add3A_1306 = arith.addf %add3A_1192, %mul3A_1305 : vector<16xf32>
        %get3A_1307 = arith.index_cast %and3A_1248 : i32 to index
        %get3A_1308 = arith.constant 32 : index
        %get3A_1309 = tpu.vector_load %arg6[%get3A_1307, %get3A_1308] {strides = array<i32>} : memref<256x80xi32, #tpu.memory_space<vmem>>, vector<1x16xi32>,
        %get3A_1310 = vector.shape_cast %get3A_1309 : vector<1x16xi32> to vector<16xi32>
        %shift_left3A_1311 = arith.constant 16 : i32
        %shift_left3A_1312 = vector.broadcast %shift_left3A_1311 : i32 to vector<16xi32>
        %shift_left3A_1313 = arith.shli %get3A_1310, %shift_left3A_1312 : vector<16xi32>
        %bitcast_convert_type3A_1314 = tpu.bitcast %shift_left3A_1313 : vector<16xi32> -> vector<16xf32>
        %and3A_1315 = arith.constant -65536 : i32
        %and3A_1316 = vector.broadcast %and3A_1315 : i32 to vector<16xi32>
        %and3A_1317 = arith.andi %get3A_1310, %and3A_1316 : vector<16xi32>
        %bitcast_convert_type3A_1318 = tpu.bitcast %and3A_1317 : vector<16xi32> -> vector<16xf32>
        %get3A_1319 = arith.index_cast %shift_right_logical3A_1250 : i32 to index
        %get3A_1320 = arith.constant 32 : index
        %get3A_1321 = tpu.vector_load %arg7[%get3A_1319, %get3A_1320] {strides = array<i32>} : memref<256x80xi32, #tpu.memory_space<vmem>>, vector<1x16xi32>,
        %get3A_1322 = vector.shape_cast %get3A_1321 : vector<1x16xi32> to vector<16xi32>
        %shift_left3A_1323 = arith.constant 16 : i32
        %shift_left3A_1324 = vector.broadcast %shift_left3A_1323 : i32 to vector<16xi32>
        %shift_left3A_1325 = arith.shli %get3A_1322, %shift_left3A_1324 : vector<16xi32>
        %bitcast_convert_type3A_1326 = tpu.bitcast %shift_left3A_1325 : vector<16xi32> -> vector<16xf32>
        %and3A_1327 = arith.constant -65536 : i32
        %and3A_1328 = vector.broadcast %and3A_1327 : i32 to vector<16xi32>
        %and3A_1329 = arith.andi %get3A_1322, %and3A_1328 : vector<16xi32>
        %bitcast_convert_type3A_1330 = tpu.bitcast %and3A_1329 : vector<16xi32> -> vector<16xf32>
        %mul3A_1331 = arith.mulf %bitcast_convert_type3A_1314, %bitcast_convert_type3A_1326 : vector<16xf32>
        %add3A_1332 = arith.addf %add3A_1218, %mul3A_1331 : vector<16xf32>
        %mul3A_1333 = arith.mulf %bitcast_convert_type3A_1318, %bitcast_convert_type3A_1330 : vector<16xf32>
        %add3A_1334 = arith.addf %add3A_1220, %mul3A_1333 : vector<16xf32>
        %get3A_1335 = arith.index_cast %and3A_1248 : i32 to index
        %get3A_1336 = arith.constant 48 : index
        %get3A_1337 = tpu.vector_load %arg6[%get3A_1335, %get3A_1336] {strides = array<i32>} : memref<256x80xi32, #tpu.memory_space<vmem>>, vector<1x16xi32>,
        %get3A_1338 = vector.shape_cast %get3A_1337 : vector<1x16xi32> to vector<16xi32>
        %bitcast_convert_type3A_1339 = tpu.bitcast %get3A_1338 : vector<16xi32> -> vector<16xf32>
        %get3A_1340 = arith.index_cast %shift_right_logical3A_1250 : i32 to index
        %get3A_1341 = arith.constant 48 : index
        %get3A_1342 = tpu.vector_load %arg7[%get3A_1340, %get3A_1341] {strides = array<i32>} : memref<256x80xi32, #tpu.memory_space<vmem>>, vector<1x16xi32>,
        %get3A_1343 = vector.shape_cast %get3A_1342 : vector<1x16xi32> to vector<16xi32>
        %bitcast_convert_type3A_1344 = tpu.bitcast %get3A_1343 : vector<16xi32> -> vector<16xf32>
        %mul3A_1345 = arith.mulf %bitcast_convert_type3A_1339, %bitcast_convert_type3A_1344 : vector<16xf32>
        %add3A_1346 = arith.addf %add3A_1232, %mul3A_1345 : vector<16xf32>
        %get3A_1347 = arith.index_cast %and3A_1248 : i32 to index
        %get3A_1348 = arith.constant 64 : index
        %get3A_1349 = tpu.vector_load %arg6[%get3A_1347, %get3A_1348] {strides = array<i32>} : memref<256x80xi32, #tpu.memory_space<vmem>>, vector<1x16xi32>,
        %get3A_1350 = vector.shape_cast %get3A_1349 : vector<1x16xi32> to vector<16xi32>
        %bitcast_convert_type3A_1351 = tpu.bitcast %get3A_1350 : vector<16xi32> -> vector<16xf32>
        %get3A_1352 = arith.index_cast %shift_right_logical3A_1250 : i32 to index
        %get3A_1353 = arith.constant 64 : index
        %get3A_1354 = tpu.vector_load %arg7[%get3A_1352, %get3A_1353] {strides = array<i32>} : memref<256x80xi32, #tpu.memory_space<vmem>>, vector<1x16xi32>,
        %get3A_1355 = vector.shape_cast %get3A_1354 : vector<1x16xi32> to vector<16xi32>
        %bitcast_convert_type3A_1356 = tpu.bitcast %get3A_1355 : vector<16xi32> -> vector<16xf32>
        %mul3A_1357 = arith.mulf %bitcast_convert_type3A_1351, %bitcast_convert_type3A_1356 : vector<16xf32>
        %add3A_1358 = arith.addf %add3A_1244, %mul3A_1357 : vector<16xf32>
        %slice3A_1359 = vector.extract_strided_slice %get3A_110 {offsets = [11], sizes = [1], strides = [1]} : vector<16xi32> to vector<1xi32>
        %squeeze3A_1360 = vector.extract %slice3A_1359[0] : i32 from vector<1xi32>
        %and3A_1361 = arith.constant 65535 : i32
        %and3A_1362 = arith.andi %squeeze3A_1360, %and3A_1361 : i32
        %shift_right_logical3A_1363 = arith.constant 16 : i32
        %shift_right_logical3A_1364 = arith.shrui %squeeze3A_1360, %shift_right_logical3A_1363 : i32
        %get3A_1365 = arith.index_cast %and3A_1362 : i32 to index
        %get3A_1366 = arith.constant 0 : index
        %get3A_1367 = tpu.vector_load %arg6[%get3A_1365, %get3A_1366] {strides = array<i32>} : memref<256x80xi32, #tpu.memory_space<vmem>>, vector<1x16xi32>,
        %get3A_1368 = vector.shape_cast %get3A_1367 : vector<1x16xi32> to vector<16xi32>
        %shift_left3A_1369 = arith.constant 16 : i32
        %shift_left3A_1370 = vector.broadcast %shift_left3A_1369 : i32 to vector<16xi32>
        %shift_left3A_1371 = arith.shli %get3A_1368, %shift_left3A_1370 : vector<16xi32>
        %bitcast_convert_type3A_1372 = tpu.bitcast %shift_left3A_1371 : vector<16xi32> -> vector<16xf32>
        %and3A_1373 = arith.constant -65536 : i32
        %and3A_1374 = vector.broadcast %and3A_1373 : i32 to vector<16xi32>
        %and3A_1375 = arith.andi %get3A_1368, %and3A_1374 : vector<16xi32>
        %bitcast_convert_type3A_1376 = tpu.bitcast %and3A_1375 : vector<16xi32> -> vector<16xf32>
        %get3A_1377 = arith.index_cast %shift_right_logical3A_1364 : i32 to index
        %get3A_1378 = arith.constant 0 : index
        %get3A_1379 = tpu.vector_load %arg7[%get3A_1377, %get3A_1378] {strides = array<i32>} : memref<256x80xi32, #tpu.memory_space<vmem>>, vector<1x16xi32>,
        %get3A_1380 = vector.shape_cast %get3A_1379 : vector<1x16xi32> to vector<16xi32>
        %shift_left3A_1381 = arith.constant 16 : i32
        %shift_left3A_1382 = vector.broadcast %shift_left3A_1381 : i32 to vector<16xi32>
        %shift_left3A_1383 = arith.shli %get3A_1380, %shift_left3A_1382 : vector<16xi32>
        %bitcast_convert_type3A_1384 = tpu.bitcast %shift_left3A_1383 : vector<16xi32> -> vector<16xf32>
        %and3A_1385 = arith.constant -65536 : i32
        %and3A_1386 = vector.broadcast %and3A_1385 : i32 to vector<16xi32>
        %and3A_1387 = arith.andi %get3A_1380, %and3A_1386 : vector<16xi32>
        %bitcast_convert_type3A_1388 = tpu.bitcast %and3A_1387 : vector<16xi32> -> vector<16xf32>
        %mul3A_1389 = arith.mulf %bitcast_convert_type3A_1372, %bitcast_convert_type3A_1384 : vector<16xf32>
        %add3A_1390 = arith.addf %add3A_1276, %mul3A_1389 : vector<16xf32>
        %mul3A_1391 = arith.mulf %bitcast_convert_type3A_1376, %bitcast_convert_type3A_1388 : vector<16xf32>
        %add3A_1392 = arith.addf %add3A_1278, %mul3A_1391 : vector<16xf32>
        %get3A_1393 = arith.index_cast %and3A_1362 : i32 to index
        %get3A_1394 = arith.constant 16 : index
        %get3A_1395 = tpu.vector_load %arg6[%get3A_1393, %get3A_1394] {strides = array<i32>} : memref<256x80xi32, #tpu.memory_space<vmem>>, vector<1x16xi32>,
        %get3A_1396 = vector.shape_cast %get3A_1395 : vector<1x16xi32> to vector<16xi32>
        %shift_left3A_1397 = arith.constant 16 : i32
        %shift_left3A_1398 = vector.broadcast %shift_left3A_1397 : i32 to vector<16xi32>
        %shift_left3A_1399 = arith.shli %get3A_1396, %shift_left3A_1398 : vector<16xi32>
        %bitcast_convert_type3A_1400 = tpu.bitcast %shift_left3A_1399 : vector<16xi32> -> vector<16xf32>
        %and3A_1401 = arith.constant -65536 : i32
        %and3A_1402 = vector.broadcast %and3A_1401 : i32 to vector<16xi32>
        %and3A_1403 = arith.andi %get3A_1396, %and3A_1402 : vector<16xi32>
        %bitcast_convert_type3A_1404 = tpu.bitcast %and3A_1403 : vector<16xi32> -> vector<16xf32>
        %get3A_1405 = arith.index_cast %shift_right_logical3A_1364 : i32 to index
        %get3A_1406 = arith.constant 16 : index
        %get3A_1407 = tpu.vector_load %arg7[%get3A_1405, %get3A_1406] {strides = array<i32>} : memref<256x80xi32, #tpu.memory_space<vmem>>, vector<1x16xi32>,
        %get3A_1408 = vector.shape_cast %get3A_1407 : vector<1x16xi32> to vector<16xi32>
        %shift_left3A_1409 = arith.constant 16 : i32
        %shift_left3A_1410 = vector.broadcast %shift_left3A_1409 : i32 to vector<16xi32>
        %shift_left3A_1411 = arith.shli %get3A_1408, %shift_left3A_1410 : vector<16xi32>
        %bitcast_convert_type3A_1412 = tpu.bitcast %shift_left3A_1411 : vector<16xi32> -> vector<16xf32>
        %and3A_1413 = arith.constant -65536 : i32
        %and3A_1414 = vector.broadcast %and3A_1413 : i32 to vector<16xi32>
        %and3A_1415 = arith.andi %get3A_1408, %and3A_1414 : vector<16xi32>
        %bitcast_convert_type3A_1416 = tpu.bitcast %and3A_1415 : vector<16xi32> -> vector<16xf32>
        %mul3A_1417 = arith.mulf %bitcast_convert_type3A_1400, %bitcast_convert_type3A_1412 : vector<16xf32>
        %add3A_1418 = arith.addf %add3A_1304, %mul3A_1417 : vector<16xf32>
        %mul3A_1419 = arith.mulf %bitcast_convert_type3A_1404, %bitcast_convert_type3A_1416 : vector<16xf32>
        %add3A_1420 = arith.addf %add3A_1306, %mul3A_1419 : vector<16xf32>
        %get3A_1421 = arith.index_cast %and3A_1362 : i32 to index
        %get3A_1422 = arith.constant 32 : index
        %get3A_1423 = tpu.vector_load %arg6[%get3A_1421, %get3A_1422] {strides = array<i32>} : memref<256x80xi32, #tpu.memory_space<vmem>>, vector<1x16xi32>,
        %get3A_1424 = vector.shape_cast %get3A_1423 : vector<1x16xi32> to vector<16xi32>
        %shift_left3A_1425 = arith.constant 16 : i32
        %shift_left3A_1426 = vector.broadcast %shift_left3A_1425 : i32 to vector<16xi32>
        %shift_left3A_1427 = arith.shli %get3A_1424, %shift_left3A_1426 : vector<16xi32>
        %bitcast_convert_type3A_1428 = tpu.bitcast %shift_left3A_1427 : vector<16xi32> -> vector<16xf32>
        %and3A_1429 = arith.constant -65536 : i32
        %and3A_1430 = vector.broadcast %and3A_1429 : i32 to vector<16xi32>
        %and3A_1431 = arith.andi %get3A_1424, %and3A_1430 : vector<16xi32>
        %bitcast_convert_type3A_1432 = tpu.bitcast %and3A_1431 : vector<16xi32> -> vector<16xf32>
        %get3A_1433 = arith.index_cast %shift_right_logical3A_1364 : i32 to index
        %get3A_1434 = arith.constant 32 : index
        %get3A_1435 = tpu.vector_load %arg7[%get3A_1433, %get3A_1434] {strides = array<i32>} : memref<256x80xi32, #tpu.memory_space<vmem>>, vector<1x16xi32>,
        %get3A_1436 = vector.shape_cast %get3A_1435 : vector<1x16xi32> to vector<16xi32>
        %shift_left3A_1437 = arith.constant 16 : i32
        %shift_left3A_1438 = vector.broadcast %shift_left3A_1437 : i32 to vector<16xi32>
        %shift_left3A_1439 = arith.shli %get3A_1436, %shift_left3A_1438 : vector<16xi32>
        %bitcast_convert_type3A_1440 = tpu.bitcast %shift_left3A_1439 : vector<16xi32> -> vector<16xf32>
        %and3A_1441 = arith.constant -65536 : i32
        %and3A_1442 = vector.broadcast %and3A_1441 : i32 to vector<16xi32>
        %and3A_1443 = arith.andi %get3A_1436, %and3A_1442 : vector<16xi32>
        %bitcast_convert_type3A_1444 = tpu.bitcast %and3A_1443 : vector<16xi32> -> vector<16xf32>
        %mul3A_1445 = arith.mulf %bitcast_convert_type3A_1428, %bitcast_convert_type3A_1440 : vector<16xf32>
        %add3A_1446 = arith.addf %add3A_1332, %mul3A_1445 : vector<16xf32>
        %mul3A_1447 = arith.mulf %bitcast_convert_type3A_1432, %bitcast_convert_type3A_1444 : vector<16xf32>
        %add3A_1448 = arith.addf %add3A_1334, %mul3A_1447 : vector<16xf32>
        %get3A_1449 = arith.index_cast %and3A_1362 : i32 to index
        %get3A_1450 = arith.constant 48 : index
        %get3A_1451 = tpu.vector_load %arg6[%get3A_1449, %get3A_1450] {strides = array<i32>} : memref<256x80xi32, #tpu.memory_space<vmem>>, vector<1x16xi32>,
        %get3A_1452 = vector.shape_cast %get3A_1451 : vector<1x16xi32> to vector<16xi32>
        %bitcast_convert_type3A_1453 = tpu.bitcast %get3A_1452 : vector<16xi32> -> vector<16xf32>
        %get3A_1454 = arith.index_cast %shift_right_logical3A_1364 : i32 to index
        %get3A_1455 = arith.constant 48 : index
        %get3A_1456 = tpu.vector_load %arg7[%get3A_1454, %get3A_1455] {strides = array<i32>} : memref<256x80xi32, #tpu.memory_space<vmem>>, vector<1x16xi32>,
        %get3A_1457 = vector.shape_cast %get3A_1456 : vector<1x16xi32> to vector<16xi32>
        %bitcast_convert_type3A_1458 = tpu.bitcast %get3A_1457 : vector<16xi32> -> vector<16xf32>
        %mul3A_1459 = arith.mulf %bitcast_convert_type3A_1453, %bitcast_convert_type3A_1458 : vector<16xf32>
        %add3A_1460 = arith.addf %add3A_1346, %mul3A_1459 : vector<16xf32>
        %get3A_1461 = arith.index_cast %and3A_1362 : i32 to index
        %get3A_1462 = arith.constant 64 : index
        %get3A_1463 = tpu.vector_load %arg6[%get3A_1461, %get3A_1462] {strides = array<i32>} : memref<256x80xi32, #tpu.memory_space<vmem>>, vector<1x16xi32>,
        %get3A_1464 = vector.shape_cast %get3A_1463 : vector<1x16xi32> to vector<16xi32>
        %bitcast_convert_type3A_1465 = tpu.bitcast %get3A_1464 : vector<16xi32> -> vector<16xf32>
        %get3A_1466 = arith.index_cast %shift_right_logical3A_1364 : i32 to index
        %get3A_1467 = arith.constant 64 : index
        %get3A_1468 = tpu.vector_load %arg7[%get3A_1466, %get3A_1467] {strides = array<i32>} : memref<256x80xi32, #tpu.memory_space<vmem>>, vector<1x16xi32>,
        %get3A_1469 = vector.shape_cast %get3A_1468 : vector<1x16xi32> to vector<16xi32>
        %bitcast_convert_type3A_1470 = tpu.bitcast %get3A_1469 : vector<16xi32> -> vector<16xf32>
        %mul3A_1471 = arith.mulf %bitcast_convert_type3A_1465, %bitcast_convert_type3A_1470 : vector<16xf32>
        %add3A_1472 = arith.addf %add3A_1358, %mul3A_1471 : vector<16xf32>
        %slice3A_1473 = vector.extract_strided_slice %get3A_110 {offsets = [12], sizes = [1], strides = [1]} : vector<16xi32> to vector<1xi32>
        %squeeze3A_1474 = vector.extract %slice3A_1473[0] : i32 from vector<1xi32>
        %and3A_1475 = arith.constant 65535 : i32
        %and3A_1476 = arith.andi %squeeze3A_1474, %and3A_1475 : i32
        %shift_right_logical3A_1477 = arith.constant 16 : i32
        %shift_right_logical3A_1478 = arith.shrui %squeeze3A_1474, %shift_right_logical3A_1477 : i32
        %get3A_1479 = arith.index_cast %and3A_1476 : i32 to index
        %get3A_1480 = arith.constant 0 : index
        %get3A_1481 = tpu.vector_load %arg6[%get3A_1479, %get3A_1480] {strides = array<i32>} : memref<256x80xi32, #tpu.memory_space<vmem>>, vector<1x16xi32>,
        %get3A_1482 = vector.shape_cast %get3A_1481 : vector<1x16xi32> to vector<16xi32>
        %shift_left3A_1483 = arith.constant 16 : i32
        %shift_left3A_1484 = vector.broadcast %shift_left3A_1483 : i32 to vector<16xi32>
        %shift_left3A_1485 = arith.shli %get3A_1482, %shift_left3A_1484 : vector<16xi32>
        %bitcast_convert_type3A_1486 = tpu.bitcast %shift_left3A_1485 : vector<16xi32> -> vector<16xf32>
        %and3A_1487 = arith.constant -65536 : i32
        %and3A_1488 = vector.broadcast %and3A_1487 : i32 to vector<16xi32>
        %and3A_1489 = arith.andi %get3A_1482, %and3A_1488 : vector<16xi32>
        %bitcast_convert_type3A_1490 = tpu.bitcast %and3A_1489 : vector<16xi32> -> vector<16xf32>
        %get3A_1491 = arith.index_cast %shift_right_logical3A_1478 : i32 to index
        %get3A_1492 = arith.constant 0 : index
        %get3A_1493 = tpu.vector_load %arg7[%get3A_1491, %get3A_1492] {strides = array<i32>} : memref<256x80xi32, #tpu.memory_space<vmem>>, vector<1x16xi32>,
        %get3A_1494 = vector.shape_cast %get3A_1493 : vector<1x16xi32> to vector<16xi32>
        %shift_left3A_1495 = arith.constant 16 : i32
        %shift_left3A_1496 = vector.broadcast %shift_left3A_1495 : i32 to vector<16xi32>
        %shift_left3A_1497 = arith.shli %get3A_1494, %shift_left3A_1496 : vector<16xi32>
        %bitcast_convert_type3A_1498 = tpu.bitcast %shift_left3A_1497 : vector<16xi32> -> vector<16xf32>
        %and3A_1499 = arith.constant -65536 : i32
        %and3A_1500 = vector.broadcast %and3A_1499 : i32 to vector<16xi32>
        %and3A_1501 = arith.andi %get3A_1494, %and3A_1500 : vector<16xi32>
        %bitcast_convert_type3A_1502 = tpu.bitcast %and3A_1501 : vector<16xi32> -> vector<16xf32>
        %mul3A_1503 = arith.mulf %bitcast_convert_type3A_1486, %bitcast_convert_type3A_1498 : vector<16xf32>
        %add3A_1504 = arith.addf %add3A_1390, %mul3A_1503 : vector<16xf32>
        %mul3A_1505 = arith.mulf %bitcast_convert_type3A_1490, %bitcast_convert_type3A_1502 : vector<16xf32>
        %add3A_1506 = arith.addf %add3A_1392, %mul3A_1505 : vector<16xf32>
        %get3A_1507 = arith.index_cast %and3A_1476 : i32 to index
        %get3A_1508 = arith.constant 16 : index
        %get3A_1509 = tpu.vector_load %arg6[%get3A_1507, %get3A_1508] {strides = array<i32>} : memref<256x80xi32, #tpu.memory_space<vmem>>, vector<1x16xi32>,
        %get3A_1510 = vector.shape_cast %get3A_1509 : vector<1x16xi32> to vector<16xi32>
        %shift_left3A_1511 = arith.constant 16 : i32
        %shift_left3A_1512 = vector.broadcast %shift_left3A_1511 : i32 to vector<16xi32>
        %shift_left3A_1513 = arith.shli %get3A_1510, %shift_left3A_1512 : vector<16xi32>
        %bitcast_convert_type3A_1514 = tpu.bitcast %shift_left3A_1513 : vector<16xi32> -> vector<16xf32>
        %and3A_1515 = arith.constant -65536 : i32
        %and3A_1516 = vector.broadcast %and3A_1515 : i32 to vector<16xi32>
        %and3A_1517 = arith.andi %get3A_1510, %and3A_1516 : vector<16xi32>
        %bitcast_convert_type3A_1518 = tpu.bitcast %and3A_1517 : vector<16xi32> -> vector<16xf32>
        %get3A_1519 = arith.index_cast %shift_right_logical3A_1478 : i32 to index
        %get3A_1520 = arith.constant 16 : index
        %get3A_1521 = tpu.vector_load %arg7[%get3A_1519, %get3A_1520] {strides = array<i32>} : memref<256x80xi32, #tpu.memory_space<vmem>>, vector<1x16xi32>,
        %get3A_1522 = vector.shape_cast %get3A_1521 : vector<1x16xi32> to vector<16xi32>
        %shift_left3A_1523 = arith.constant 16 : i32
        %shift_left3A_1524 = vector.broadcast %shift_left3A_1523 : i32 to vector<16xi32>
        %shift_left3A_1525 = arith.shli %get3A_1522, %shift_left3A_1524 : vector<16xi32>
        %bitcast_convert_type3A_1526 = tpu.bitcast %shift_left3A_1525 : vector<16xi32> -> vector<16xf32>
        %and3A_1527 = arith.constant -65536 : i32
        %and3A_1528 = vector.broadcast %and3A_1527 : i32 to vector<16xi32>
        %and3A_1529 = arith.andi %get3A_1522, %and3A_1528 : vector<16xi32>
        %bitcast_convert_type3A_1530 = tpu.bitcast %and3A_1529 : vector<16xi32> -> vector<16xf32>
        %mul3A_1531 = arith.mulf %bitcast_convert_type3A_1514, %bitcast_convert_type3A_1526 : vector<16xf32>
        %add3A_1532 = arith.addf %add3A_1418, %mul3A_1531 : vector<16xf32>
        %mul3A_1533 = arith.mulf %bitcast_convert_type3A_1518, %bitcast_convert_type3A_1530 : vector<16xf32>
        %add3A_1534 = arith.addf %add3A_1420, %mul3A_1533 : vector<16xf32>
        %get3A_1535 = arith.index_cast %and3A_1476 : i32 to index
        %get3A_1536 = arith.constant 32 : index
        %get3A_1537 = tpu.vector_load %arg6[%get3A_1535, %get3A_1536] {strides = array<i32>} : memref<256x80xi32, #tpu.memory_space<vmem>>, vector<1x16xi32>,
        %get3A_1538 = vector.shape_cast %get3A_1537 : vector<1x16xi32> to vector<16xi32>
        %shift_left3A_1539 = arith.constant 16 : i32
        %shift_left3A_1540 = vector.broadcast %shift_left3A_1539 : i32 to vector<16xi32>
        %shift_left3A_1541 = arith.shli %get3A_1538, %shift_left3A_1540 : vector<16xi32>
        %bitcast_convert_type3A_1542 = tpu.bitcast %shift_left3A_1541 : vector<16xi32> -> vector<16xf32>
        %and3A_1543 = arith.constant -65536 : i32
        %and3A_1544 = vector.broadcast %and3A_1543 : i32 to vector<16xi32>
        %and3A_1545 = arith.andi %get3A_1538, %and3A_1544 : vector<16xi32>
        %bitcast_convert_type3A_1546 = tpu.bitcast %and3A_1545 : vector<16xi32> -> vector<16xf32>
        %get3A_1547 = arith.index_cast %shift_right_logical3A_1478 : i32 to index
        %get3A_1548 = arith.constant 32 : index
        %get3A_1549 = tpu.vector_load %arg7[%get3A_1547, %get3A_1548] {strides = array<i32>} : memref<256x80xi32, #tpu.memory_space<vmem>>, vector<1x16xi32>,
        %get3A_1550 = vector.shape_cast %get3A_1549 : vector<1x16xi32> to vector<16xi32>
        %shift_left3A_1551 = arith.constant 16 : i32
        %shift_left3A_1552 = vector.broadcast %shift_left3A_1551 : i32 to vector<16xi32>
        %shift_left3A_1553 = arith.shli %get3A_1550, %shift_left3A_1552 : vector<16xi32>
        %bitcast_convert_type3A_1554 = tpu.bitcast %shift_left3A_1553 : vector<16xi32> -> vector<16xf32>
        %and3A_1555 = arith.constant -65536 : i32
        %and3A_1556 = vector.broadcast %and3A_1555 : i32 to vector<16xi32>
        %and3A_1557 = arith.andi %get3A_1550, %and3A_1556 : vector<16xi32>
        %bitcast_convert_type3A_1558 = tpu.bitcast %and3A_1557 : vector<16xi32> -> vector<16xf32>
        %mul3A_1559 = arith.mulf %bitcast_convert_type3A_1542, %bitcast_convert_type3A_1554 : vector<16xf32>
        %add3A_1560 = arith.addf %add3A_1446, %mul3A_1559 : vector<16xf32>
        %mul3A_1561 = arith.mulf %bitcast_convert_type3A_1546, %bitcast_convert_type3A_1558 : vector<16xf32>
        %add3A_1562 = arith.addf %add3A_1448, %mul3A_1561 : vector<16xf32>
        %get3A_1563 = arith.index_cast %and3A_1476 : i32 to index
        %get3A_1564 = arith.constant 48 : index
        %get3A_1565 = tpu.vector_load %arg6[%get3A_1563, %get3A_1564] {strides = array<i32>} : memref<256x80xi32, #tpu.memory_space<vmem>>, vector<1x16xi32>,
        %get3A_1566 = vector.shape_cast %get3A_1565 : vector<1x16xi32> to vector<16xi32>
        %bitcast_convert_type3A_1567 = tpu.bitcast %get3A_1566 : vector<16xi32> -> vector<16xf32>
        %get3A_1568 = arith.index_cast %shift_right_logical3A_1478 : i32 to index
        %get3A_1569 = arith.constant 48 : index
        %get3A_1570 = tpu.vector_load %arg7[%get3A_1568, %get3A_1569] {strides = array<i32>} : memref<256x80xi32, #tpu.memory_space<vmem>>, vector<1x16xi32>,
        %get3A_1571 = vector.shape_cast %get3A_1570 : vector<1x16xi32> to vector<16xi32>
        %bitcast_convert_type3A_1572 = tpu.bitcast %get3A_1571 : vector<16xi32> -> vector<16xf32>
        %mul3A_1573 = arith.mulf %bitcast_convert_type3A_1567, %bitcast_convert_type3A_1572 : vector<16xf32>
        %add3A_1574 = arith.addf %add3A_1460, %mul3A_1573 : vector<16xf32>
        %get3A_1575 = arith.index_cast %and3A_1476 : i32 to index
        %get3A_1576 = arith.constant 64 : index
        %get3A_1577 = tpu.vector_load %arg6[%get3A_1575, %get3A_1576] {strides = array<i32>} : memref<256x80xi32, #tpu.memory_space<vmem>>, vector<1x16xi32>,
        %get3A_1578 = vector.shape_cast %get3A_1577 : vector<1x16xi32> to vector<16xi32>
        %bitcast_convert_type3A_1579 = tpu.bitcast %get3A_1578 : vector<16xi32> -> vector<16xf32>
        %get3A_1580 = arith.index_cast %shift_right_logical3A_1478 : i32 to index
        %get3A_1581 = arith.constant 64 : index
        %get3A_1582 = tpu.vector_load %arg7[%get3A_1580, %get3A_1581] {strides = array<i32>} : memref<256x80xi32, #tpu.memory_space<vmem>>, vector<1x16xi32>,
        %get3A_1583 = vector.shape_cast %get3A_1582 : vector<1x16xi32> to vector<16xi32>
        %bitcast_convert_type3A_1584 = tpu.bitcast %get3A_1583 : vector<16xi32> -> vector<16xf32>
        %mul3A_1585 = arith.mulf %bitcast_convert_type3A_1579, %bitcast_convert_type3A_1584 : vector<16xf32>
        %add3A_1586 = arith.addf %add3A_1472, %mul3A_1585 : vector<16xf32>
        %slice3A_1587 = vector.extract_strided_slice %get3A_110 {offsets = [13], sizes = [1], strides = [1]} : vector<16xi32> to vector<1xi32>
        %squeeze3A_1588 = vector.extract %slice3A_1587[0] : i32 from vector<1xi32>
        %and3A_1589 = arith.constant 65535 : i32
        %and3A_1590 = arith.andi %squeeze3A_1588, %and3A_1589 : i32
        %shift_right_logical3A_1591 = arith.constant 16 : i32
        %shift_right_logical3A_1592 = arith.shrui %squeeze3A_1588, %shift_right_logical3A_1591 : i32
        %get3A_1593 = arith.index_cast %and3A_1590 : i32 to index
        %get3A_1594 = arith.constant 0 : index
        %get3A_1595 = tpu.vector_load %arg6[%get3A_1593, %get3A_1594] {strides = array<i32>} : memref<256x80xi32, #tpu.memory_space<vmem>>, vector<1x16xi32>,
        %get3A_1596 = vector.shape_cast %get3A_1595 : vector<1x16xi32> to vector<16xi32>
        %shift_left3A_1597 = arith.constant 16 : i32
        %shift_left3A_1598 = vector.broadcast %shift_left3A_1597 : i32 to vector<16xi32>
        %shift_left3A_1599 = arith.shli %get3A_1596, %shift_left3A_1598 : vector<16xi32>
        %bitcast_convert_type3A_1600 = tpu.bitcast %shift_left3A_1599 : vector<16xi32> -> vector<16xf32>
        %and3A_1601 = arith.constant -65536 : i32
        %and3A_1602 = vector.broadcast %and3A_1601 : i32 to vector<16xi32>
        %and3A_1603 = arith.andi %get3A_1596, %and3A_1602 : vector<16xi32>
        %bitcast_convert_type3A_1604 = tpu.bitcast %and3A_1603 : vector<16xi32> -> vector<16xf32>
        %get3A_1605 = arith.index_cast %shift_right_logical3A_1592 : i32 to index
        %get3A_1606 = arith.constant 0 : index
        %get3A_1607 = tpu.vector_load %arg7[%get3A_1605, %get3A_1606] {strides = array<i32>} : memref<256x80xi32, #tpu.memory_space<vmem>>, vector<1x16xi32>,
        %get3A_1608 = vector.shape_cast %get3A_1607 : vector<1x16xi32> to vector<16xi32>
        %shift_left3A_1609 = arith.constant 16 : i32
        %shift_left3A_1610 = vector.broadcast %shift_left3A_1609 : i32 to vector<16xi32>
        %shift_left3A_1611 = arith.shli %get3A_1608, %shift_left3A_1610 : vector<16xi32>
        %bitcast_convert_type3A_1612 = tpu.bitcast %shift_left3A_1611 : vector<16xi32> -> vector<16xf32>
        %and3A_1613 = arith.constant -65536 : i32
        %and3A_1614 = vector.broadcast %and3A_1613 : i32 to vector<16xi32>
        %and3A_1615 = arith.andi %get3A_1608, %and3A_1614 : vector<16xi32>
        %bitcast_convert_type3A_1616 = tpu.bitcast %and3A_1615 : vector<16xi32> -> vector<16xf32>
        %mul3A_1617 = arith.mulf %bitcast_convert_type3A_1600, %bitcast_convert_type3A_1612 : vector<16xf32>
        %add3A_1618 = arith.addf %add3A_1504, %mul3A_1617 : vector<16xf32>
        %mul3A_1619 = arith.mulf %bitcast_convert_type3A_1604, %bitcast_convert_type3A_1616 : vector<16xf32>
        %add3A_1620 = arith.addf %add3A_1506, %mul3A_1619 : vector<16xf32>
        %get3A_1621 = arith.index_cast %and3A_1590 : i32 to index
        %get3A_1622 = arith.constant 16 : index
        %get3A_1623 = tpu.vector_load %arg6[%get3A_1621, %get3A_1622] {strides = array<i32>} : memref<256x80xi32, #tpu.memory_space<vmem>>, vector<1x16xi32>,
        %get3A_1624 = vector.shape_cast %get3A_1623 : vector<1x16xi32> to vector<16xi32>
        %shift_left3A_1625 = arith.constant 16 : i32
        %shift_left3A_1626 = vector.broadcast %shift_left3A_1625 : i32 to vector<16xi32>
        %shift_left3A_1627 = arith.shli %get3A_1624, %shift_left3A_1626 : vector<16xi32>
        %bitcast_convert_type3A_1628 = tpu.bitcast %shift_left3A_1627 : vector<16xi32> -> vector<16xf32>
        %and3A_1629 = arith.constant -65536 : i32
        %and3A_1630 = vector.broadcast %and3A_1629 : i32 to vector<16xi32>
        %and3A_1631 = arith.andi %get3A_1624, %and3A_1630 : vector<16xi32>
        %bitcast_convert_type3A_1632 = tpu.bitcast %and3A_1631 : vector<16xi32> -> vector<16xf32>
        %get3A_1633 = arith.index_cast %shift_right_logical3A_1592 : i32 to index
        %get3A_1634 = arith.constant 16 : index
        %get3A_1635 = tpu.vector_load %arg7[%get3A_1633, %get3A_1634] {strides = array<i32>} : memref<256x80xi32, #tpu.memory_space<vmem>>, vector<1x16xi32>,
        %get3A_1636 = vector.shape_cast %get3A_1635 : vector<1x16xi32> to vector<16xi32>
        %shift_left3A_1637 = arith.constant 16 : i32
        %shift_left3A_1638 = vector.broadcast %shift_left3A_1637 : i32 to vector<16xi32>
        %shift_left3A_1639 = arith.shli %get3A_1636, %shift_left3A_1638 : vector<16xi32>
        %bitcast_convert_type3A_1640 = tpu.bitcast %shift_left3A_1639 : vector<16xi32> -> vector<16xf32>
        %and3A_1641 = arith.constant -65536 : i32
        %and3A_1642 = vector.broadcast %and3A_1641 : i32 to vector<16xi32>
        %and3A_1643 = arith.andi %get3A_1636, %and3A_1642 : vector<16xi32>
        %bitcast_convert_type3A_1644 = tpu.bitcast %and3A_1643 : vector<16xi32> -> vector<16xf32>
        %mul3A_1645 = arith.mulf %bitcast_convert_type3A_1628, %bitcast_convert_type3A_1640 : vector<16xf32>
        %add3A_1646 = arith.addf %add3A_1532, %mul3A_1645 : vector<16xf32>
        %mul3A_1647 = arith.mulf %bitcast_convert_type3A_1632, %bitcast_convert_type3A_1644 : vector<16xf32>
        %add3A_1648 = arith.addf %add3A_1534, %mul3A_1647 : vector<16xf32>
        %get3A_1649 = arith.index_cast %and3A_1590 : i32 to index
        %get3A_1650 = arith.constant 32 : index
        %get3A_1651 = tpu.vector_load %arg6[%get3A_1649, %get3A_1650] {strides = array<i32>} : memref<256x80xi32, #tpu.memory_space<vmem>>, vector<1x16xi32>,
        %get3A_1652 = vector.shape_cast %get3A_1651 : vector<1x16xi32> to vector<16xi32>
        %shift_left3A_1653 = arith.constant 16 : i32
        %shift_left3A_1654 = vector.broadcast %shift_left3A_1653 : i32 to vector<16xi32>
        %shift_left3A_1655 = arith.shli %get3A_1652, %shift_left3A_1654 : vector<16xi32>
        %bitcast_convert_type3A_1656 = tpu.bitcast %shift_left3A_1655 : vector<16xi32> -> vector<16xf32>
        %and3A_1657 = arith.constant -65536 : i32
        %and3A_1658 = vector.broadcast %and3A_1657 : i32 to vector<16xi32>
        %and3A_1659 = arith.andi %get3A_1652, %and3A_1658 : vector<16xi32>
        %bitcast_convert_type3A_1660 = tpu.bitcast %and3A_1659 : vector<16xi32> -> vector<16xf32>
        %get3A_1661 = arith.index_cast %shift_right_logical3A_1592 : i32 to index
        %get3A_1662 = arith.constant 32 : index
        %get3A_1663 = tpu.vector_load %arg7[%get3A_1661, %get3A_1662] {strides = array<i32>} : memref<256x80xi32, #tpu.memory_space<vmem>>, vector<1x16xi32>,
        %get3A_1664 = vector.shape_cast %get3A_1663 : vector<1x16xi32> to vector<16xi32>
        %shift_left3A_1665 = arith.constant 16 : i32
        %shift_left3A_1666 = vector.broadcast %shift_left3A_1665 : i32 to vector<16xi32>
        %shift_left3A_1667 = arith.shli %get3A_1664, %shift_left3A_1666 : vector<16xi32>
        %bitcast_convert_type3A_1668 = tpu.bitcast %shift_left3A_1667 : vector<16xi32> -> vector<16xf32>
        %and3A_1669 = arith.constant -65536 : i32
        %and3A_1670 = vector.broadcast %and3A_1669 : i32 to vector<16xi32>
        %and3A_1671 = arith.andi %get3A_1664, %and3A_1670 : vector<16xi32>
        %bitcast_convert_type3A_1672 = tpu.bitcast %and3A_1671 : vector<16xi32> -> vector<16xf32>
        %mul3A_1673 = arith.mulf %bitcast_convert_type3A_1656, %bitcast_convert_type3A_1668 : vector<16xf32>
        %add3A_1674 = arith.addf %add3A_1560, %mul3A_1673 : vector<16xf32>
        %mul3A_1675 = arith.mulf %bitcast_convert_type3A_1660, %bitcast_convert_type3A_1672 : vector<16xf32>
        %add3A_1676 = arith.addf %add3A_1562, %mul3A_1675 : vector<16xf32>
        %get3A_1677 = arith.index_cast %and3A_1590 : i32 to index
        %get3A_1678 = arith.constant 48 : index
        %get3A_1679 = tpu.vector_load %arg6[%get3A_1677, %get3A_1678] {strides = array<i32>} : memref<256x80xi32, #tpu.memory_space<vmem>>, vector<1x16xi32>,
        %get3A_1680 = vector.shape_cast %get3A_1679 : vector<1x16xi32> to vector<16xi32>
        %bitcast_convert_type3A_1681 = tpu.bitcast %get3A_1680 : vector<16xi32> -> vector<16xf32>
        %get3A_1682 = arith.index_cast %shift_right_logical3A_1592 : i32 to index
        %get3A_1683 = arith.constant 48 : index
        %get3A_1684 = tpu.vector_load %arg7[%get3A_1682, %get3A_1683] {strides = array<i32>} : memref<256x80xi32, #tpu.memory_space<vmem>>, vector<1x16xi32>,
        %get3A_1685 = vector.shape_cast %get3A_1684 : vector<1x16xi32> to vector<16xi32>
        %bitcast_convert_type3A_1686 = tpu.bitcast %get3A_1685 : vector<16xi32> -> vector<16xf32>
        %mul3A_1687 = arith.mulf %bitcast_convert_type3A_1681, %bitcast_convert_type3A_1686 : vector<16xf32>
        %add3A_1688 = arith.addf %add3A_1574, %mul3A_1687 : vector<16xf32>
        %get3A_1689 = arith.index_cast %and3A_1590 : i32 to index
        %get3A_1690 = arith.constant 64 : index
        %get3A_1691 = tpu.vector_load %arg6[%get3A_1689, %get3A_1690] {strides = array<i32>} : memref<256x80xi32, #tpu.memory_space<vmem>>, vector<1x16xi32>,
        %get3A_1692 = vector.shape_cast %get3A_1691 : vector<1x16xi32> to vector<16xi32>
        %bitcast_convert_type3A_1693 = tpu.bitcast %get3A_1692 : vector<16xi32> -> vector<16xf32>
        %get3A_1694 = arith.index_cast %shift_right_logical3A_1592 : i32 to index
        %get3A_1695 = arith.constant 64 : index
        %get3A_1696 = tpu.vector_load %arg7[%get3A_1694, %get3A_1695] {strides = array<i32>} : memref<256x80xi32, #tpu.memory_space<vmem>>, vector<1x16xi32>,
        %get3A_1697 = vector.shape_cast %get3A_1696 : vector<1x16xi32> to vector<16xi32>
        %bitcast_convert_type3A_1698 = tpu.bitcast %get3A_1697 : vector<16xi32> -> vector<16xf32>
        %mul3A_1699 = arith.mulf %bitcast_convert_type3A_1693, %bitcast_convert_type3A_1698 : vector<16xf32>
        %add3A_1700 = arith.addf %add3A_1586, %mul3A_1699 : vector<16xf32>
        %slice3A_1701 = vector.extract_strided_slice %get3A_110 {offsets = [14], sizes = [1], strides = [1]} : vector<16xi32> to vector<1xi32>
        %squeeze3A_1702 = vector.extract %slice3A_1701[0] : i32 from vector<1xi32>
        %and3A_1703 = arith.constant 65535 : i32
        %and3A_1704 = arith.andi %squeeze3A_1702, %and3A_1703 : i32
        %shift_right_logical3A_1705 = arith.constant 16 : i32
        %shift_right_logical3A_1706 = arith.shrui %squeeze3A_1702, %shift_right_logical3A_1705 : i32
        %get3A_1707 = arith.index_cast %and3A_1704 : i32 to index
        %get3A_1708 = arith.constant 0 : index
        %get3A_1709 = tpu.vector_load %arg6[%get3A_1707, %get3A_1708] {strides = array<i32>} : memref<256x80xi32, #tpu.memory_space<vmem>>, vector<1x16xi32>,
        %get3A_1710 = vector.shape_cast %get3A_1709 : vector<1x16xi32> to vector<16xi32>
        %shift_left3A_1711 = arith.constant 16 : i32
        %shift_left3A_1712 = vector.broadcast %shift_left3A_1711 : i32 to vector<16xi32>
        %shift_left3A_1713 = arith.shli %get3A_1710, %shift_left3A_1712 : vector<16xi32>
        %bitcast_convert_type3A_1714 = tpu.bitcast %shift_left3A_1713 : vector<16xi32> -> vector<16xf32>
        %and3A_1715 = arith.constant -65536 : i32
        %and3A_1716 = vector.broadcast %and3A_1715 : i32 to vector<16xi32>
        %and3A_1717 = arith.andi %get3A_1710, %and3A_1716 : vector<16xi32>
        %bitcast_convert_type3A_1718 = tpu.bitcast %and3A_1717 : vector<16xi32> -> vector<16xf32>
        %get3A_1719 = arith.index_cast %shift_right_logical3A_1706 : i32 to index
        %get3A_1720 = arith.constant 0 : index
        %get3A_1721 = tpu.vector_load %arg7[%get3A_1719, %get3A_1720] {strides = array<i32>} : memref<256x80xi32, #tpu.memory_space<vmem>>, vector<1x16xi32>,
        %get3A_1722 = vector.shape_cast %get3A_1721 : vector<1x16xi32> to vector<16xi32>
        %shift_left3A_1723 = arith.constant 16 : i32
        %shift_left3A_1724 = vector.broadcast %shift_left3A_1723 : i32 to vector<16xi32>
        %shift_left3A_1725 = arith.shli %get3A_1722, %shift_left3A_1724 : vector<16xi32>
        %bitcast_convert_type3A_1726 = tpu.bitcast %shift_left3A_1725 : vector<16xi32> -> vector<16xf32>
        %and3A_1727 = arith.constant -65536 : i32
        %and3A_1728 = vector.broadcast %and3A_1727 : i32 to vector<16xi32>
        %and3A_1729 = arith.andi %get3A_1722, %and3A_1728 : vector<16xi32>
        %bitcast_convert_type3A_1730 = tpu.bitcast %and3A_1729 : vector<16xi32> -> vector<16xf32>
        %mul3A_1731 = arith.mulf %bitcast_convert_type3A_1714, %bitcast_convert_type3A_1726 : vector<16xf32>
        %add3A_1732 = arith.addf %add3A_1618, %mul3A_1731 : vector<16xf32>
        %mul3A_1733 = arith.mulf %bitcast_convert_type3A_1718, %bitcast_convert_type3A_1730 : vector<16xf32>
        %add3A_1734 = arith.addf %add3A_1620, %mul3A_1733 : vector<16xf32>
        %get3A_1735 = arith.index_cast %and3A_1704 : i32 to index
        %get3A_1736 = arith.constant 16 : index
        %get3A_1737 = tpu.vector_load %arg6[%get3A_1735, %get3A_1736] {strides = array<i32>} : memref<256x80xi32, #tpu.memory_space<vmem>>, vector<1x16xi32>,
        %get3A_1738 = vector.shape_cast %get3A_1737 : vector<1x16xi32> to vector<16xi32>
        %shift_left3A_1739 = arith.constant 16 : i32
        %shift_left3A_1740 = vector.broadcast %shift_left3A_1739 : i32 to vector<16xi32>
        %shift_left3A_1741 = arith.shli %get3A_1738, %shift_left3A_1740 : vector<16xi32>
        %bitcast_convert_type3A_1742 = tpu.bitcast %shift_left3A_1741 : vector<16xi32> -> vector<16xf32>
        %and3A_1743 = arith.constant -65536 : i32
        %and3A_1744 = vector.broadcast %and3A_1743 : i32 to vector<16xi32>
        %and3A_1745 = arith.andi %get3A_1738, %and3A_1744 : vector<16xi32>
        %bitcast_convert_type3A_1746 = tpu.bitcast %and3A_1745 : vector<16xi32> -> vector<16xf32>
        %get3A_1747 = arith.index_cast %shift_right_logical3A_1706 : i32 to index
        %get3A_1748 = arith.constant 16 : index
        %get3A_1749 = tpu.vector_load %arg7[%get3A_1747, %get3A_1748] {strides = array<i32>} : memref<256x80xi32, #tpu.memory_space<vmem>>, vector<1x16xi32>,
        %get3A_1750 = vector.shape_cast %get3A_1749 : vector<1x16xi32> to vector<16xi32>
        %shift_left3A_1751 = arith.constant 16 : i32
        %shift_left3A_1752 = vector.broadcast %shift_left3A_1751 : i32 to vector<16xi32>
        %shift_left3A_1753 = arith.shli %get3A_1750, %shift_left3A_1752 : vector<16xi32>
        %bitcast_convert_type3A_1754 = tpu.bitcast %shift_left3A_1753 : vector<16xi32> -> vector<16xf32>
        %and3A_1755 = arith.constant -65536 : i32
        %and3A_1756 = vector.broadcast %and3A_1755 : i32 to vector<16xi32>
        %and3A_1757 = arith.andi %get3A_1750, %and3A_1756 : vector<16xi32>
        %bitcast_convert_type3A_1758 = tpu.bitcast %and3A_1757 : vector<16xi32> -> vector<16xf32>
        %mul3A_1759 = arith.mulf %bitcast_convert_type3A_1742, %bitcast_convert_type3A_1754 : vector<16xf32>
        %add3A_1760 = arith.addf %add3A_1646, %mul3A_1759 : vector<16xf32>
        %mul3A_1761 = arith.mulf %bitcast_convert_type3A_1746, %bitcast_convert_type3A_1758 : vector<16xf32>
        %add3A_1762 = arith.addf %add3A_1648, %mul3A_1761 : vector<16xf32>
        %get3A_1763 = arith.index_cast %and3A_1704 : i32 to index
        %get3A_1764 = arith.constant 32 : index
        %get3A_1765 = tpu.vector_load %arg6[%get3A_1763, %get3A_1764] {strides = array<i32>} : memref<256x80xi32, #tpu.memory_space<vmem>>, vector<1x16xi32>,
        %get3A_1766 = vector.shape_cast %get3A_1765 : vector<1x16xi32> to vector<16xi32>
        %shift_left3A_1767 = arith.constant 16 : i32
        %shift_left3A_1768 = vector.broadcast %shift_left3A_1767 : i32 to vector<16xi32>
        %shift_left3A_1769 = arith.shli %get3A_1766, %shift_left3A_1768 : vector<16xi32>
        %bitcast_convert_type3A_1770 = tpu.bitcast %shift_left3A_1769 : vector<16xi32> -> vector<16xf32>
        %and3A_1771 = arith.constant -65536 : i32
        %and3A_1772 = vector.broadcast %and3A_1771 : i32 to vector<16xi32>
        %and3A_1773 = arith.andi %get3A_1766, %and3A_1772 : vector<16xi32>
        %bitcast_convert_type3A_1774 = tpu.bitcast %and3A_1773 : vector<16xi32> -> vector<16xf32>
        %get3A_1775 = arith.index_cast %shift_right_logical3A_1706 : i32 to index
        %get3A_1776 = arith.constant 32 : index
        %get3A_1777 = tpu.vector_load %arg7[%get3A_1775, %get3A_1776] {strides = array<i32>} : memref<256x80xi32, #tpu.memory_space<vmem>>, vector<1x16xi32>,
        %get3A_1778 = vector.shape_cast %get3A_1777 : vector<1x16xi32> to vector<16xi32>
        %shift_left3A_1779 = arith.constant 16 : i32
        %shift_left3A_1780 = vector.broadcast %shift_left3A_1779 : i32 to vector<16xi32>
        %shift_left3A_1781 = arith.shli %get3A_1778, %shift_left3A_1780 : vector<16xi32>
        %bitcast_convert_type3A_1782 = tpu.bitcast %shift_left3A_1781 : vector<16xi32> -> vector<16xf32>
        %and3A_1783 = arith.constant -65536 : i32
        %and3A_1784 = vector.broadcast %and3A_1783 : i32 to vector<16xi32>
        %and3A_1785 = arith.andi %get3A_1778, %and3A_1784 : vector<16xi32>
        %bitcast_convert_type3A_1786 = tpu.bitcast %and3A_1785 : vector<16xi32> -> vector<16xf32>
        %mul3A_1787 = arith.mulf %bitcast_convert_type3A_1770, %bitcast_convert_type3A_1782 : vector<16xf32>
        %add3A_1788 = arith.addf %add3A_1674, %mul3A_1787 : vector<16xf32>
        %mul3A_1789 = arith.mulf %bitcast_convert_type3A_1774, %bitcast_convert_type3A_1786 : vector<16xf32>
        %add3A_1790 = arith.addf %add3A_1676, %mul3A_1789 : vector<16xf32>
        %get3A_1791 = arith.index_cast %and3A_1704 : i32 to index
        %get3A_1792 = arith.constant 48 : index
        %get3A_1793 = tpu.vector_load %arg6[%get3A_1791, %get3A_1792] {strides = array<i32>} : memref<256x80xi32, #tpu.memory_space<vmem>>, vector<1x16xi32>,
        %get3A_1794 = vector.shape_cast %get3A_1793 : vector<1x16xi32> to vector<16xi32>
        %bitcast_convert_type3A_1795 = tpu.bitcast %get3A_1794 : vector<16xi32> -> vector<16xf32>
        %get3A_1796 = arith.index_cast %shift_right_logical3A_1706 : i32 to index
        %get3A_1797 = arith.constant 48 : index
        %get3A_1798 = tpu.vector_load %arg7[%get3A_1796, %get3A_1797] {strides = array<i32>} : memref<256x80xi32, #tpu.memory_space<vmem>>, vector<1x16xi32>,
        %get3A_1799 = vector.shape_cast %get3A_1798 : vector<1x16xi32> to vector<16xi32>
        %bitcast_convert_type3A_1800 = tpu.bitcast %get3A_1799 : vector<16xi32> -> vector<16xf32>
        %mul3A_1801 = arith.mulf %bitcast_convert_type3A_1795, %bitcast_convert_type3A_1800 : vector<16xf32>
        %add3A_1802 = arith.addf %add3A_1688, %mul3A_1801 : vector<16xf32>
        %get3A_1803 = arith.index_cast %and3A_1704 : i32 to index
        %get3A_1804 = arith.constant 64 : index
        %get3A_1805 = tpu.vector_load %arg6[%get3A_1803, %get3A_1804] {strides = array<i32>} : memref<256x80xi32, #tpu.memory_space<vmem>>, vector<1x16xi32>,
        %get3A_1806 = vector.shape_cast %get3A_1805 : vector<1x16xi32> to vector<16xi32>
        %bitcast_convert_type3A_1807 = tpu.bitcast %get3A_1806 : vector<16xi32> -> vector<16xf32>
        %get3A_1808 = arith.index_cast %shift_right_logical3A_1706 : i32 to index
        %get3A_1809 = arith.constant 64 : index
        %get3A_1810 = tpu.vector_load %arg7[%get3A_1808, %get3A_1809] {strides = array<i32>} : memref<256x80xi32, #tpu.memory_space<vmem>>, vector<1x16xi32>,
        %get3A_1811 = vector.shape_cast %get3A_1810 : vector<1x16xi32> to vector<16xi32>
        %bitcast_convert_type3A_1812 = tpu.bitcast %get3A_1811 : vector<16xi32> -> vector<16xf32>
        %mul3A_1813 = arith.mulf %bitcast_convert_type3A_1807, %bitcast_convert_type3A_1812 : vector<16xf32>
        %add3A_1814 = arith.addf %add3A_1700, %mul3A_1813 : vector<16xf32>
        %slice3A_1815 = vector.extract_strided_slice %get3A_110 {offsets = [15], sizes = [1], strides = [1]} : vector<16xi32> to vector<1xi32>
        %squeeze3A_1816 = vector.extract %slice3A_1815[0] : i32 from vector<1xi32>
        %and3A_1817 = arith.constant 65535 : i32
        %and3A_1818 = arith.andi %squeeze3A_1816, %and3A_1817 : i32
        %shift_right_logical3A_1819 = arith.constant 16 : i32
        %shift_right_logical3A_1820 = arith.shrui %squeeze3A_1816, %shift_right_logical3A_1819 : i32
        %get3A_1821 = arith.index_cast %and3A_1818 : i32 to index
        %get3A_1822 = arith.constant 0 : index
        %get3A_1823 = tpu.vector_load %arg6[%get3A_1821, %get3A_1822] {strides = array<i32>} : memref<256x80xi32, #tpu.memory_space<vmem>>, vector<1x16xi32>,
        %get3A_1824 = vector.shape_cast %get3A_1823 : vector<1x16xi32> to vector<16xi32>
        %shift_left3A_1825 = arith.constant 16 : i32
        %shift_left3A_1826 = vector.broadcast %shift_left3A_1825 : i32 to vector<16xi32>
        %shift_left3A_1827 = arith.shli %get3A_1824, %shift_left3A_1826 : vector<16xi32>
        %bitcast_convert_type3A_1828 = tpu.bitcast %shift_left3A_1827 : vector<16xi32> -> vector<16xf32>
        %and3A_1829 = arith.constant -65536 : i32
        %and3A_1830 = vector.broadcast %and3A_1829 : i32 to vector<16xi32>
        %and3A_1831 = arith.andi %get3A_1824, %and3A_1830 : vector<16xi32>
        %bitcast_convert_type3A_1832 = tpu.bitcast %and3A_1831 : vector<16xi32> -> vector<16xf32>
        %get3A_1833 = arith.index_cast %shift_right_logical3A_1820 : i32 to index
        %get3A_1834 = arith.constant 0 : index
        %get3A_1835 = tpu.vector_load %arg7[%get3A_1833, %get3A_1834] {strides = array<i32>} : memref<256x80xi32, #tpu.memory_space<vmem>>, vector<1x16xi32>,
        %get3A_1836 = vector.shape_cast %get3A_1835 : vector<1x16xi32> to vector<16xi32>
        %shift_left3A_1837 = arith.constant 16 : i32
        %shift_left3A_1838 = vector.broadcast %shift_left3A_1837 : i32 to vector<16xi32>
        %shift_left3A_1839 = arith.shli %get3A_1836, %shift_left3A_1838 : vector<16xi32>
        %bitcast_convert_type3A_1840 = tpu.bitcast %shift_left3A_1839 : vector<16xi32> -> vector<16xf32>
        %and3A_1841 = arith.constant -65536 : i32
        %and3A_1842 = vector.broadcast %and3A_1841 : i32 to vector<16xi32>
        %and3A_1843 = arith.andi %get3A_1836, %and3A_1842 : vector<16xi32>
        %bitcast_convert_type3A_1844 = tpu.bitcast %and3A_1843 : vector<16xi32> -> vector<16xf32>
        %mul3A_1845 = arith.mulf %bitcast_convert_type3A_1828, %bitcast_convert_type3A_1840 : vector<16xf32>
        %add3A_1846 = arith.addf %add3A_1732, %mul3A_1845 : vector<16xf32>
        %mul3A_1847 = arith.mulf %bitcast_convert_type3A_1832, %bitcast_convert_type3A_1844 : vector<16xf32>
        %add3A_1848 = arith.addf %add3A_1734, %mul3A_1847 : vector<16xf32>
        %get3A_1849 = arith.index_cast %and3A_1818 : i32 to index
        %get3A_1850 = arith.constant 16 : index
        %get3A_1851 = tpu.vector_load %arg6[%get3A_1849, %get3A_1850] {strides = array<i32>} : memref<256x80xi32, #tpu.memory_space<vmem>>, vector<1x16xi32>,
        %get3A_1852 = vector.shape_cast %get3A_1851 : vector<1x16xi32> to vector<16xi32>
        %shift_left3A_1853 = arith.constant 16 : i32
        %shift_left3A_1854 = vector.broadcast %shift_left3A_1853 : i32 to vector<16xi32>
        %shift_left3A_1855 = arith.shli %get3A_1852, %shift_left3A_1854 : vector<16xi32>
        %bitcast_convert_type3A_1856 = tpu.bitcast %shift_left3A_1855 : vector<16xi32> -> vector<16xf32>
        %and3A_1857 = arith.constant -65536 : i32
        %and3A_1858 = vector.broadcast %and3A_1857 : i32 to vector<16xi32>
        %and3A_1859 = arith.andi %get3A_1852, %and3A_1858 : vector<16xi32>
        %bitcast_convert_type3A_1860 = tpu.bitcast %and3A_1859 : vector<16xi32> -> vector<16xf32>
        %get3A_1861 = arith.index_cast %shift_right_logical3A_1820 : i32 to index
        %get3A_1862 = arith.constant 16 : index
        %get3A_1863 = tpu.vector_load %arg7[%get3A_1861, %get3A_1862] {strides = array<i32>} : memref<256x80xi32, #tpu.memory_space<vmem>>, vector<1x16xi32>,
        %get3A_1864 = vector.shape_cast %get3A_1863 : vector<1x16xi32> to vector<16xi32>
        %shift_left3A_1865 = arith.constant 16 : i32
        %shift_left3A_1866 = vector.broadcast %shift_left3A_1865 : i32 to vector<16xi32>
        %shift_left3A_1867 = arith.shli %get3A_1864, %shift_left3A_1866 : vector<16xi32>
        %bitcast_convert_type3A_1868 = tpu.bitcast %shift_left3A_1867 : vector<16xi32> -> vector<16xf32>
        %and3A_1869 = arith.constant -65536 : i32
        %and3A_1870 = vector.broadcast %and3A_1869 : i32 to vector<16xi32>
        %and3A_1871 = arith.andi %get3A_1864, %and3A_1870 : vector<16xi32>
        %bitcast_convert_type3A_1872 = tpu.bitcast %and3A_1871 : vector<16xi32> -> vector<16xf32>
        %mul3A_1873 = arith.mulf %bitcast_convert_type3A_1856, %bitcast_convert_type3A_1868 : vector<16xf32>
        %add3A_1874 = arith.addf %add3A_1760, %mul3A_1873 : vector<16xf32>
        %mul3A_1875 = arith.mulf %bitcast_convert_type3A_1860, %bitcast_convert_type3A_1872 : vector<16xf32>
        %add3A_1876 = arith.addf %add3A_1762, %mul3A_1875 : vector<16xf32>
        %get3A_1877 = arith.index_cast %and3A_1818 : i32 to index
        %get3A_1878 = arith.constant 32 : index
        %get3A_1879 = tpu.vector_load %arg6[%get3A_1877, %get3A_1878] {strides = array<i32>} : memref<256x80xi32, #tpu.memory_space<vmem>>, vector<1x16xi32>,
        %get3A_1880 = vector.shape_cast %get3A_1879 : vector<1x16xi32> to vector<16xi32>
        %shift_left3A_1881 = arith.constant 16 : i32
        %shift_left3A_1882 = vector.broadcast %shift_left3A_1881 : i32 to vector<16xi32>
        %shift_left3A_1883 = arith.shli %get3A_1880, %shift_left3A_1882 : vector<16xi32>
        %bitcast_convert_type3A_1884 = tpu.bitcast %shift_left3A_1883 : vector<16xi32> -> vector<16xf32>
        %and3A_1885 = arith.constant -65536 : i32
        %and3A_1886 = vector.broadcast %and3A_1885 : i32 to vector<16xi32>
        %and3A_1887 = arith.andi %get3A_1880, %and3A_1886 : vector<16xi32>
        %bitcast_convert_type3A_1888 = tpu.bitcast %and3A_1887 : vector<16xi32> -> vector<16xf32>
        %get3A_1889 = arith.index_cast %shift_right_logical3A_1820 : i32 to index
        %get3A_1890 = arith.constant 32 : index
        %get3A_1891 = tpu.vector_load %arg7[%get3A_1889, %get3A_1890] {strides = array<i32>} : memref<256x80xi32, #tpu.memory_space<vmem>>, vector<1x16xi32>,
        %get3A_1892 = vector.shape_cast %get3A_1891 : vector<1x16xi32> to vector<16xi32>
        %shift_left3A_1893 = arith.constant 16 : i32
        %shift_left3A_1894 = vector.broadcast %shift_left3A_1893 : i32 to vector<16xi32>
        %shift_left3A_1895 = arith.shli %get3A_1892, %shift_left3A_1894 : vector<16xi32>
        %bitcast_convert_type3A_1896 = tpu.bitcast %shift_left3A_1895 : vector<16xi32> -> vector<16xf32>
        %and3A_1897 = arith.constant -65536 : i32
        %and3A_1898 = vector.broadcast %and3A_1897 : i32 to vector<16xi32>
        %and3A_1899 = arith.andi %get3A_1892, %and3A_1898 : vector<16xi32>
        %bitcast_convert_type3A_1900 = tpu.bitcast %and3A_1899 : vector<16xi32> -> vector<16xf32>
        %mul3A_1901 = arith.mulf %bitcast_convert_type3A_1884, %bitcast_convert_type3A_1896 : vector<16xf32>
        %add3A_1902 = arith.addf %add3A_1788, %mul3A_1901 : vector<16xf32>
        %mul3A_1903 = arith.mulf %bitcast_convert_type3A_1888, %bitcast_convert_type3A_1900 : vector<16xf32>
        %add3A_1904 = arith.addf %add3A_1790, %mul3A_1903 : vector<16xf32>
        %get3A_1905 = arith.index_cast %and3A_1818 : i32 to index
        %get3A_1906 = arith.constant 48 : index
        %get3A_1907 = tpu.vector_load %arg6[%get3A_1905, %get3A_1906] {strides = array<i32>} : memref<256x80xi32, #tpu.memory_space<vmem>>, vector<1x16xi32>,
        %get3A_1908 = vector.shape_cast %get3A_1907 : vector<1x16xi32> to vector<16xi32>
        %bitcast_convert_type3A_1909 = tpu.bitcast %get3A_1908 : vector<16xi32> -> vector<16xf32>
        %get3A_1910 = arith.index_cast %shift_right_logical3A_1820 : i32 to index
        %get3A_1911 = arith.constant 48 : index
        %get3A_1912 = tpu.vector_load %arg7[%get3A_1910, %get3A_1911] {strides = array<i32>} : memref<256x80xi32, #tpu.memory_space<vmem>>, vector<1x16xi32>,
        %get3A_1913 = vector.shape_cast %get3A_1912 : vector<1x16xi32> to vector<16xi32>
        %bitcast_convert_type3A_1914 = tpu.bitcast %get3A_1913 : vector<16xi32> -> vector<16xf32>
        %mul3A_1915 = arith.mulf %bitcast_convert_type3A_1909, %bitcast_convert_type3A_1914 : vector<16xf32>
        %add3A_1916 = arith.addf %add3A_1802, %mul3A_1915 : vector<16xf32>
        %get3A_1917 = arith.index_cast %and3A_1818 : i32 to index
        %get3A_1918 = arith.constant 64 : index
        %get3A_1919 = tpu.vector_load %arg6[%get3A_1917, %get3A_1918] {strides = array<i32>} : memref<256x80xi32, #tpu.memory_space<vmem>>, vector<1x16xi32>,
        %get3A_1920 = vector.shape_cast %get3A_1919 : vector<1x16xi32> to vector<16xi32>
        %bitcast_convert_type3A_1921 = tpu.bitcast %get3A_1920 : vector<16xi32> -> vector<16xf32>
        %get3A_1922 = arith.index_cast %shift_right_logical3A_1820 : i32 to index
        %get3A_1923 = arith.constant 64 : index
        %get3A_1924 = tpu.vector_load %arg7[%get3A_1922, %get3A_1923] {strides = array<i32>} : memref<256x80xi32, #tpu.memory_space<vmem>>, vector<1x16xi32>,
        %get3A_1925 = vector.shape_cast %get3A_1924 : vector<1x16xi32> to vector<16xi32>
        %bitcast_convert_type3A_1926 = tpu.bitcast %get3A_1925 : vector<16xi32> -> vector<16xf32>
        %mul3A_1927 = arith.mulf %bitcast_convert_type3A_1921, %bitcast_convert_type3A_1926 : vector<16xf32>
        %add3A_1928 = arith.addf %add3A_1814, %mul3A_1927 : vector<16xf32>
        scf.yield %add3A_1846, %add3A_1848, %add3A_1874, %add3A_1876, %add3A_1902, %add3A_1904, %add3A_1916, %add3A_1928 : vector<16xf32>, vector<16xf32>, vector<16xf32>, vector<16xf32>, vector<16xf32>, vector<16xf32>, vector<16xf32>, vector<16xf32>
      }
      %scan3A_57 = arith.constant 16 : i32
      %swap3A = arith.index_cast %scan3A_50 : i32 to index
      %swap3A_58 = arith.constant 0 : index
      %swap3A_59 = tpu.vector_load %arg9[%swap3A, %swap3A_58] {strides = array<i32>} : memref<40x128xf32, #tpu.memory_space<vmem>>, vector<1x16xf32>,
      %swap3A_60 = vector.shape_cast %swap3A_59 : vector<1x16xf32> to vector<16xf32>
      %swap3A_61 = vector.shape_cast %scan3A_56#0 : vector<16xf32> to vector<1x16xf32>
      tpu.vector_store %arg9[%swap3A, %swap3A_58], %swap3A_61 {strides = array<i32>} : memref<40x128xf32, #tpu.memory_space<vmem>>, vector<1x16xf32>,
      %swap3A_62 = arith.index_cast %scan3A_50 : i32 to index
      %swap3A_63 = arith.constant 16 : index
      %swap3A_64 = tpu.vector_load %arg9[%swap3A_62, %swap3A_63] {strides = array<i32>} : memref<40x128xf32, #tpu.memory_space<vmem>>, vector<1x16xf32>,
      %swap3A_65 = vector.shape_cast %swap3A_64 : vector<1x16xf32> to vector<16xf32>
      %swap3A_66 = vector.shape_cast %scan3A_56#1 : vector<16xf32> to vector<1x16xf32>
      tpu.vector_store %arg9[%swap3A_62, %swap3A_63], %swap3A_66 {strides = array<i32>} : memref<40x128xf32, #tpu.memory_space<vmem>>, vector<1x16xf32>,
      %swap3A_67 = arith.index_cast %scan3A_50 : i32 to index
      %swap3A_68 = arith.constant 32 : index
      %swap3A_69 = tpu.vector_load %arg9[%swap3A_67, %swap3A_68] {strides = array<i32>} : memref<40x128xf32, #tpu.memory_space<vmem>>, vector<1x16xf32>,
      %swap3A_70 = vector.shape_cast %swap3A_69 : vector<1x16xf32> to vector<16xf32>
      %swap3A_71 = vector.shape_cast %scan3A_56#2 : vector<16xf32> to vector<1x16xf32>
      tpu.vector_store %arg9[%swap3A_67, %swap3A_68], %swap3A_71 {strides = array<i32>} : memref<40x128xf32, #tpu.memory_space<vmem>>, vector<1x16xf32>,
      %swap3A_72 = arith.index_cast %scan3A_50 : i32 to index
      %swap3A_73 = arith.constant 48 : index
      %swap3A_74 = tpu.vector_load %arg9[%swap3A_72, %swap3A_73] {strides = array<i32>} : memref<40x128xf32, #tpu.memory_space<vmem>>, vector<1x16xf32>,
      %swap3A_75 = vector.shape_cast %swap3A_74 : vector<1x16xf32> to vector<16xf32>
      %swap3A_76 = vector.shape_cast %scan3A_56#3 : vector<16xf32> to vector<1x16xf32>
      tpu.vector_store %arg9[%swap3A_72, %swap3A_73], %swap3A_76 {strides = array<i32>} : memref<40x128xf32, #tpu.memory_space<vmem>>, vector<1x16xf32>,
      %swap3A_77 = arith.index_cast %scan3A_50 : i32 to index
      %swap3A_78 = arith.constant 64 : index
      %swap3A_79 = tpu.vector_load %arg9[%swap3A_77, %swap3A_78] {strides = array<i32>} : memref<40x128xf32, #tpu.memory_space<vmem>>, vector<1x16xf32>,
      %swap3A_80 = vector.shape_cast %swap3A_79 : vector<1x16xf32> to vector<16xf32>
      %swap3A_81 = vector.shape_cast %scan3A_56#4 : vector<16xf32> to vector<1x16xf32>
      tpu.vector_store %arg9[%swap3A_77, %swap3A_78], %swap3A_81 {strides = array<i32>} : memref<40x128xf32, #tpu.memory_space<vmem>>, vector<1x16xf32>,
      %swap3A_82 = arith.index_cast %scan3A_50 : i32 to index
      %swap3A_83 = arith.constant 80 : index
      %swap3A_84 = tpu.vector_load %arg9[%swap3A_82, %swap3A_83] {strides = array<i32>} : memref<40x128xf32, #tpu.memory_space<vmem>>, vector<1x16xf32>,
      %swap3A_85 = vector.shape_cast %swap3A_84 : vector<1x16xf32> to vector<16xf32>
      %swap3A_86 = vector.shape_cast %scan3A_56#5 : vector<16xf32> to vector<1x16xf32>
      tpu.vector_store %arg9[%swap3A_82, %swap3A_83], %swap3A_86 {strides = array<i32>} : memref<40x128xf32, #tpu.memory_space<vmem>>, vector<1x16xf32>,
      %swap3A_87 = arith.index_cast %scan3A_50 : i32 to index
      %swap3A_88 = arith.constant 96 : index
      %swap3A_89 = tpu.vector_load %arg9[%swap3A_87, %swap3A_88] {strides = array<i32>} : memref<40x128xf32, #tpu.memory_space<vmem>>, vector<1x16xf32>,
      %swap3A_90 = vector.shape_cast %swap3A_89 : vector<1x16xf32> to vector<16xf32>
      %swap3A_91 = vector.shape_cast %scan3A_56#6 : vector<16xf32> to vector<1x16xf32>
      tpu.vector_store %arg9[%swap3A_87, %swap3A_88], %swap3A_91 {strides = array<i32>} : memref<40x128xf32, #tpu.memory_space<vmem>>, vector<1x16xf32>,
      %swap3A_92 = arith.index_cast %scan3A_50 : i32 to index
      %swap3A_93 = arith.constant 112 : index
      %swap3A_94 = tpu.vector_load %arg9[%swap3A_92, %swap3A_93] {strides = array<i32>} : memref<40x128xf32, #tpu.memory_space<vmem>>, vector<1x16xf32>,
      %swap3A_95 = vector.shape_cast %swap3A_94 : vector<1x16xf32> to vector<16xf32>
      %swap3A_96 = vector.shape_cast %scan3A_56#7 : vector<16xf32> to vector<1x16xf32>
      tpu.vector_store %arg9[%swap3A_92, %swap3A_93], %swap3A_96 {strides = array<i32>} : memref<40x128xf32, #tpu.memory_space<vmem>>, vector<1x16xf32>,
    }
    %scan3A_49 = arith.constant 40 : i32
    "tpu.region"() ({
      %run_scoped3A = tpu.sem_alloc : memref<!tpu.dma_semaphore, #tpu.memory_space<semaphore_mem>>
      %dma_start3A_50 = tpu.memref_slice %arg5[%mul3A_6, %mul3A_4] : memref<160x1024xf32, #tpu.memory_space<hbm>> -> memref<40x128xf32, #tpu.memory_space<hbm>>
      %dma_start3A_51 = tpu.memref_slice %arg5[%mul3A_6, %mul3A_4] : memref<160x1024xf32, #tpu.memory_space<hbm>> -> memref<40x128xf32, #tpu.memory_space<hbm>>
      tpu.enqueue_dma source(%arg9 : memref<40x128xf32, #tpu.memory_space<vmem>>) target(%dma_start3A_51 : memref<40x128xf32, #tpu.memory_space<hbm>>) target_semaphore(%run_scoped3A : memref<!tpu.dma_semaphore, #tpu.memory_space<semaphore_mem>>)
      %dma_wait3A_52 = tpu.memref_slice %arg5[%mul3A_6, %mul3A_4] : memref<160x1024xf32, #tpu.memory_space<hbm>> -> memref<40x128xf32, #tpu.memory_space<hbm>>
      %dma_wait3A_53 = tpu.memref_slice %arg5[%mul3A_6, %mul3A_4] : memref<160x1024xf32, #tpu.memory_space<hbm>> -> memref<40x128xf32, #tpu.memory_space<hbm>>
      tpu.wait_dma2 semaphore(%run_scoped3A : memref<!tpu.dma_semaphore, #tpu.memory_space<semaphore_mem>>) src(%arg9 : memref<40x128xf32, #tpu.memory_space<vmem>>) dst(%dma_wait3A_53 : memref<40x128xf32, #tpu.memory_space<hbm>>)
      tpu.yield
    }) : () -> ()
    return
  }
}

module attributes {stable_mosaic.version = 14 : i64} {
  func.func @_tc_body(%arg0: i32, %arg1: memref<1x1x256xi32, #tpu.memory_space<smem>>, %arg2: memref<1x1x256xi32, #tpu.memory_space<smem>>, %arg3: memref<256x8x128xf32, #tpu.memory_space<vmem>>, %arg4: memref<256x8x128xf32, #tpu.memory_space<vmem>>, %arg5: memref<1x8x128xf32, #tpu.memory_space<vmem>>) attributes {dimension_semantics = [#tpu.dimension_semantics<arbitrary>], iteration_bounds = array<i64: 96>, scalar_prefetch = 0 : i64, scratch_operands = 0 : i64, tpu.core_type = #tpu.core_type<tc>, window_params = [{transform_indices = @transform_0, window_bounds = array<i64: 1, 1, 256>}, {transform_indices = @transform_1, window_bounds = array<i64: 1, 1, 256>}, {pipeline_mode = #tpu.pipeline_mode<synchronous>, transform_indices = @transform_2, window_bounds = array<i64: 256, 8, 128>}, {pipeline_mode = #tpu.pipeline_mode<synchronous>, transform_indices = @transform_3, window_bounds = array<i64: 256, 8, 128>}, {transform_indices = @transform_4, window_bounds = array<i64: 1, 8, 128>}]} {
    %broadcast_in_dim3A = arith.constant 0.000000e+00 : f32
    %broadcast_in_dim3A_0 = vector.broadcast %broadcast_in_dim3A : f32 to vector<8x128xf32>
    %scan3A = arith.constant 0 : i32
    %scan3A_1 = arith.constant 32 : i32
    %scan3A_2 = arith.addi %scan3A, %scan3A_1 : i32
    %scan3A_3 = arith.constant 1 : i32
    %scan3A_4 = scf.for %scan3A_11 = %scan3A to %scan3A_2 step %scan3A_3 iter_args(%scan3A_12 = %broadcast_in_dim3A_0) -> (vector<8x128xf32>)  : i32 {
      %mul3A = arith.constant 8 : i32
      %mul3A_13 = arith.muli %scan3A_11, %mul3A : i32
      %add3A = arith.constant 0 : i32
      %add3A_14 = arith.addi %mul3A_13, %add3A : i32
      %get3A = arith.constant 0 : index
      %get3A_15 = arith.constant 0 : index
      %get3A_16 = arith.index_cast %add3A_14 : i32 to index
      %get3A_17 = memref.load %arg1[%get3A, %get3A_15, %get3A_16] : memref<1x1x256xi32, #tpu.memory_space<smem>>
      %add3A_18 = arith.constant 0 : i32
      %add3A_19 = arith.addi %mul3A_13, %add3A_18 : i32
      %get3A_20 = arith.constant 0 : index
      %get3A_21 = arith.constant 0 : index
      %get3A_22 = arith.index_cast %add3A_19 : i32 to index
      %get3A_23 = memref.load %arg2[%get3A_20, %get3A_21, %get3A_22] : memref<1x1x256xi32, #tpu.memory_space<smem>>
      %get3A_24 = arith.index_cast %get3A_17 : i32 to index
      %get3A_25 = arith.constant 0 : index
      %get3A_26 = arith.constant 0 : index
      %get3A_27 = vector.load %arg3[%get3A_24, %get3A_25, %get3A_26] : memref<256x8x128xf32, #tpu.memory_space<vmem>>, vector<1x8x128xf32>
      %get3A_28 = vector.shape_cast %get3A_27 : vector<1x8x128xf32> to vector<8x128xf32>
      %get3A_29 = arith.index_cast %get3A_23 : i32 to index
      %get3A_30 = arith.constant 0 : index
      %get3A_31 = arith.constant 0 : index
      %get3A_32 = vector.load %arg4[%get3A_29, %get3A_30, %get3A_31] : memref<256x8x128xf32, #tpu.memory_space<vmem>>, vector<1x8x128xf32>
      %get3A_33 = vector.shape_cast %get3A_32 : vector<1x8x128xf32> to vector<8x128xf32>
      %mul3A_34 = arith.mulf %get3A_28, %get3A_33 : vector<8x128xf32>
      %add3A_35 = arith.addf %scan3A_12, %mul3A_34 : vector<8x128xf32>
      %add3A_36 = arith.constant 1 : i32
      %add3A_37 = arith.addi %mul3A_13, %add3A_36 : i32
      %get3A_38 = arith.constant 0 : index
      %get3A_39 = arith.constant 0 : index
      %get3A_40 = arith.index_cast %add3A_37 : i32 to index
      %get3A_41 = memref.load %arg1[%get3A_38, %get3A_39, %get3A_40] : memref<1x1x256xi32, #tpu.memory_space<smem>>
      %add3A_42 = arith.constant 1 : i32
      %add3A_43 = arith.addi %mul3A_13, %add3A_42 : i32
      %get3A_44 = arith.constant 0 : index
      %get3A_45 = arith.constant 0 : index
      %get3A_46 = arith.index_cast %add3A_43 : i32 to index
      %get3A_47 = memref.load %arg2[%get3A_44, %get3A_45, %get3A_46] : memref<1x1x256xi32, #tpu.memory_space<smem>>
      %get3A_48 = arith.index_cast %get3A_41 : i32 to index
      %get3A_49 = arith.constant 0 : index
      %get3A_50 = arith.constant 0 : index
      %get3A_51 = vector.load %arg3[%get3A_48, %get3A_49, %get3A_50] : memref<256x8x128xf32, #tpu.memory_space<vmem>>, vector<1x8x128xf32>
      %get3A_52 = vector.shape_cast %get3A_51 : vector<1x8x128xf32> to vector<8x128xf32>
      %get3A_53 = arith.index_cast %get3A_47 : i32 to index
      %get3A_54 = arith.constant 0 : index
      %get3A_55 = arith.constant 0 : index
      %get3A_56 = vector.load %arg4[%get3A_53, %get3A_54, %get3A_55] : memref<256x8x128xf32, #tpu.memory_space<vmem>>, vector<1x8x128xf32>
      %get3A_57 = vector.shape_cast %get3A_56 : vector<1x8x128xf32> to vector<8x128xf32>
      %mul3A_58 = arith.mulf %get3A_52, %get3A_57 : vector<8x128xf32>
      %add3A_59 = arith.addf %add3A_35, %mul3A_58 : vector<8x128xf32>
      %add3A_60 = arith.constant 2 : i32
      %add3A_61 = arith.addi %mul3A_13, %add3A_60 : i32
      %get3A_62 = arith.constant 0 : index
      %get3A_63 = arith.constant 0 : index
      %get3A_64 = arith.index_cast %add3A_61 : i32 to index
      %get3A_65 = memref.load %arg1[%get3A_62, %get3A_63, %get3A_64] : memref<1x1x256xi32, #tpu.memory_space<smem>>
      %add3A_66 = arith.constant 2 : i32
      %add3A_67 = arith.addi %mul3A_13, %add3A_66 : i32
      %get3A_68 = arith.constant 0 : index
      %get3A_69 = arith.constant 0 : index
      %get3A_70 = arith.index_cast %add3A_67 : i32 to index
      %get3A_71 = memref.load %arg2[%get3A_68, %get3A_69, %get3A_70] : memref<1x1x256xi32, #tpu.memory_space<smem>>
      %get3A_72 = arith.index_cast %get3A_65 : i32 to index
      %get3A_73 = arith.constant 0 : index
      %get3A_74 = arith.constant 0 : index
      %get3A_75 = vector.load %arg3[%get3A_72, %get3A_73, %get3A_74] : memref<256x8x128xf32, #tpu.memory_space<vmem>>, vector<1x8x128xf32>
      %get3A_76 = vector.shape_cast %get3A_75 : vector<1x8x128xf32> to vector<8x128xf32>
      %get3A_77 = arith.index_cast %get3A_71 : i32 to index
      %get3A_78 = arith.constant 0 : index
      %get3A_79 = arith.constant 0 : index
      %get3A_80 = vector.load %arg4[%get3A_77, %get3A_78, %get3A_79] : memref<256x8x128xf32, #tpu.memory_space<vmem>>, vector<1x8x128xf32>
      %get3A_81 = vector.shape_cast %get3A_80 : vector<1x8x128xf32> to vector<8x128xf32>
      %mul3A_82 = arith.mulf %get3A_76, %get3A_81 : vector<8x128xf32>
      %add3A_83 = arith.addf %add3A_59, %mul3A_82 : vector<8x128xf32>
      %add3A_84 = arith.constant 3 : i32
      %add3A_85 = arith.addi %mul3A_13, %add3A_84 : i32
      %get3A_86 = arith.constant 0 : index
      %get3A_87 = arith.constant 0 : index
      %get3A_88 = arith.index_cast %add3A_85 : i32 to index
      %get3A_89 = memref.load %arg1[%get3A_86, %get3A_87, %get3A_88] : memref<1x1x256xi32, #tpu.memory_space<smem>>
      %add3A_90 = arith.constant 3 : i32
      %add3A_91 = arith.addi %mul3A_13, %add3A_90 : i32
      %get3A_92 = arith.constant 0 : index
      %get3A_93 = arith.constant 0 : index
      %get3A_94 = arith.index_cast %add3A_91 : i32 to index
      %get3A_95 = memref.load %arg2[%get3A_92, %get3A_93, %get3A_94] : memref<1x1x256xi32, #tpu.memory_space<smem>>
      %get3A_96 = arith.index_cast %get3A_89 : i32 to index
      %get3A_97 = arith.constant 0 : index
      %get3A_98 = arith.constant 0 : index
      %get3A_99 = vector.load %arg3[%get3A_96, %get3A_97, %get3A_98] : memref<256x8x128xf32, #tpu.memory_space<vmem>>, vector<1x8x128xf32>
      %get3A_100 = vector.shape_cast %get3A_99 : vector<1x8x128xf32> to vector<8x128xf32>
      %get3A_101 = arith.index_cast %get3A_95 : i32 to index
      %get3A_102 = arith.constant 0 : index
      %get3A_103 = arith.constant 0 : index
      %get3A_104 = vector.load %arg4[%get3A_101, %get3A_102, %get3A_103] : memref<256x8x128xf32, #tpu.memory_space<vmem>>, vector<1x8x128xf32>
      %get3A_105 = vector.shape_cast %get3A_104 : vector<1x8x128xf32> to vector<8x128xf32>
      %mul3A_106 = arith.mulf %get3A_100, %get3A_105 : vector<8x128xf32>
      %add3A_107 = arith.addf %add3A_83, %mul3A_106 : vector<8x128xf32>
      %add3A_108 = arith.constant 4 : i32
      %add3A_109 = arith.addi %mul3A_13, %add3A_108 : i32
      %get3A_110 = arith.constant 0 : index
      %get3A_111 = arith.constant 0 : index
      %get3A_112 = arith.index_cast %add3A_109 : i32 to index
      %get3A_113 = memref.load %arg1[%get3A_110, %get3A_111, %get3A_112] : memref<1x1x256xi32, #tpu.memory_space<smem>>
      %add3A_114 = arith.constant 4 : i32
      %add3A_115 = arith.addi %mul3A_13, %add3A_114 : i32
      %get3A_116 = arith.constant 0 : index
      %get3A_117 = arith.constant 0 : index
      %get3A_118 = arith.index_cast %add3A_115 : i32 to index
      %get3A_119 = memref.load %arg2[%get3A_116, %get3A_117, %get3A_118] : memref<1x1x256xi32, #tpu.memory_space<smem>>
      %get3A_120 = arith.index_cast %get3A_113 : i32 to index
      %get3A_121 = arith.constant 0 : index
      %get3A_122 = arith.constant 0 : index
      %get3A_123 = vector.load %arg3[%get3A_120, %get3A_121, %get3A_122] : memref<256x8x128xf32, #tpu.memory_space<vmem>>, vector<1x8x128xf32>
      %get3A_124 = vector.shape_cast %get3A_123 : vector<1x8x128xf32> to vector<8x128xf32>
      %get3A_125 = arith.index_cast %get3A_119 : i32 to index
      %get3A_126 = arith.constant 0 : index
      %get3A_127 = arith.constant 0 : index
      %get3A_128 = vector.load %arg4[%get3A_125, %get3A_126, %get3A_127] : memref<256x8x128xf32, #tpu.memory_space<vmem>>, vector<1x8x128xf32>
      %get3A_129 = vector.shape_cast %get3A_128 : vector<1x8x128xf32> to vector<8x128xf32>
      %mul3A_130 = arith.mulf %get3A_124, %get3A_129 : vector<8x128xf32>
      %add3A_131 = arith.addf %add3A_107, %mul3A_130 : vector<8x128xf32>
      %add3A_132 = arith.constant 5 : i32
      %add3A_133 = arith.addi %mul3A_13, %add3A_132 : i32
      %get3A_134 = arith.constant 0 : index
      %get3A_135 = arith.constant 0 : index
      %get3A_136 = arith.index_cast %add3A_133 : i32 to index
      %get3A_137 = memref.load %arg1[%get3A_134, %get3A_135, %get3A_136] : memref<1x1x256xi32, #tpu.memory_space<smem>>
      %add3A_138 = arith.constant 5 : i32
      %add3A_139 = arith.addi %mul3A_13, %add3A_138 : i32
      %get3A_140 = arith.constant 0 : index
      %get3A_141 = arith.constant 0 : index
      %get3A_142 = arith.index_cast %add3A_139 : i32 to index
      %get3A_143 = memref.load %arg2[%get3A_140, %get3A_141, %get3A_142] : memref<1x1x256xi32, #tpu.memory_space<smem>>
      %get3A_144 = arith.index_cast %get3A_137 : i32 to index
      %get3A_145 = arith.constant 0 : index
      %get3A_146 = arith.constant 0 : index
      %get3A_147 = vector.load %arg3[%get3A_144, %get3A_145, %get3A_146] : memref<256x8x128xf32, #tpu.memory_space<vmem>>, vector<1x8x128xf32>
      %get3A_148 = vector.shape_cast %get3A_147 : vector<1x8x128xf32> to vector<8x128xf32>
      %get3A_149 = arith.index_cast %get3A_143 : i32 to index
      %get3A_150 = arith.constant 0 : index
      %get3A_151 = arith.constant 0 : index
      %get3A_152 = vector.load %arg4[%get3A_149, %get3A_150, %get3A_151] : memref<256x8x128xf32, #tpu.memory_space<vmem>>, vector<1x8x128xf32>
      %get3A_153 = vector.shape_cast %get3A_152 : vector<1x8x128xf32> to vector<8x128xf32>
      %mul3A_154 = arith.mulf %get3A_148, %get3A_153 : vector<8x128xf32>
      %add3A_155 = arith.addf %add3A_131, %mul3A_154 : vector<8x128xf32>
      %add3A_156 = arith.constant 6 : i32
      %add3A_157 = arith.addi %mul3A_13, %add3A_156 : i32
      %get3A_158 = arith.constant 0 : index
      %get3A_159 = arith.constant 0 : index
      %get3A_160 = arith.index_cast %add3A_157 : i32 to index
      %get3A_161 = memref.load %arg1[%get3A_158, %get3A_159, %get3A_160] : memref<1x1x256xi32, #tpu.memory_space<smem>>
      %add3A_162 = arith.constant 6 : i32
      %add3A_163 = arith.addi %mul3A_13, %add3A_162 : i32
      %get3A_164 = arith.constant 0 : index
      %get3A_165 = arith.constant 0 : index
      %get3A_166 = arith.index_cast %add3A_163 : i32 to index
      %get3A_167 = memref.load %arg2[%get3A_164, %get3A_165, %get3A_166] : memref<1x1x256xi32, #tpu.memory_space<smem>>
      %get3A_168 = arith.index_cast %get3A_161 : i32 to index
      %get3A_169 = arith.constant 0 : index
      %get3A_170 = arith.constant 0 : index
      %get3A_171 = vector.load %arg3[%get3A_168, %get3A_169, %get3A_170] : memref<256x8x128xf32, #tpu.memory_space<vmem>>, vector<1x8x128xf32>
      %get3A_172 = vector.shape_cast %get3A_171 : vector<1x8x128xf32> to vector<8x128xf32>
      %get3A_173 = arith.index_cast %get3A_167 : i32 to index
      %get3A_174 = arith.constant 0 : index
      %get3A_175 = arith.constant 0 : index
      %get3A_176 = vector.load %arg4[%get3A_173, %get3A_174, %get3A_175] : memref<256x8x128xf32, #tpu.memory_space<vmem>>, vector<1x8x128xf32>
      %get3A_177 = vector.shape_cast %get3A_176 : vector<1x8x128xf32> to vector<8x128xf32>
      %mul3A_178 = arith.mulf %get3A_172, %get3A_177 : vector<8x128xf32>
      %add3A_179 = arith.addf %add3A_155, %mul3A_178 : vector<8x128xf32>
      %add3A_180 = arith.constant 7 : i32
      %add3A_181 = arith.addi %mul3A_13, %add3A_180 : i32
      %get3A_182 = arith.constant 0 : index
      %get3A_183 = arith.constant 0 : index
      %get3A_184 = arith.index_cast %add3A_181 : i32 to index
      %get3A_185 = memref.load %arg1[%get3A_182, %get3A_183, %get3A_184] : memref<1x1x256xi32, #tpu.memory_space<smem>>
      %add3A_186 = arith.constant 7 : i32
      %add3A_187 = arith.addi %mul3A_13, %add3A_186 : i32
      %get3A_188 = arith.constant 0 : index
      %get3A_189 = arith.constant 0 : index
      %get3A_190 = arith.index_cast %add3A_187 : i32 to index
      %get3A_191 = memref.load %arg2[%get3A_188, %get3A_189, %get3A_190] : memref<1x1x256xi32, #tpu.memory_space<smem>>
      %get3A_192 = arith.index_cast %get3A_185 : i32 to index
      %get3A_193 = arith.constant 0 : index
      %get3A_194 = arith.constant 0 : index
      %get3A_195 = vector.load %arg3[%get3A_192, %get3A_193, %get3A_194] : memref<256x8x128xf32, #tpu.memory_space<vmem>>, vector<1x8x128xf32>
      %get3A_196 = vector.shape_cast %get3A_195 : vector<1x8x128xf32> to vector<8x128xf32>
      %get3A_197 = arith.index_cast %get3A_191 : i32 to index
      %get3A_198 = arith.constant 0 : index
      %get3A_199 = arith.constant 0 : index
      %get3A_200 = vector.load %arg4[%get3A_197, %get3A_198, %get3A_199] : memref<256x8x128xf32, #tpu.memory_space<vmem>>, vector<1x8x128xf32>
      %get3A_201 = vector.shape_cast %get3A_200 : vector<1x8x128xf32> to vector<8x128xf32>
      %mul3A_202 = arith.mulf %get3A_196, %get3A_201 : vector<8x128xf32>
      %add3A_203 = arith.addf %add3A_179, %mul3A_202 : vector<8x128xf32>
      scf.yield %add3A_203 : vector<8x128xf32>
    }
    %scan3A_5 = arith.constant 32 : i32
    %swap3A = arith.constant 0 : index
    %swap3A_6 = arith.constant 0 : index
    %swap3A_7 = arith.constant 0 : index
    %swap3A_8 = vector.load %arg5[%swap3A, %swap3A_6, %swap3A_7] : memref<1x8x128xf32, #tpu.memory_space<vmem>>, vector<1x8x128xf32>
    %swap3A_9 = vector.shape_cast %swap3A_8 : vector<1x8x128xf32> to vector<8x128xf32>
    %swap3A_10 = vector.shape_cast %scan3A_4 : vector<8x128xf32> to vector<1x8x128xf32>
    tpu.vector_store %arg5[%swap3A, %swap3A_6, %swap3A_7], %swap3A_10 {strides = array<i32>} : memref<1x8x128xf32, #tpu.memory_space<vmem>>, vector<1x8x128xf32>,
    return
  }
  func.func @transform_0(%arg0: i32) -> (i32, i32, i32) {
    %c0_i32 = arith.constant 0 : i32
    %c0_i32_0 = arith.constant 0 : i32
    %c0_i32_1 = arith.constant 0 : i32
    return %arg0, %c0_i32, %c0_i32_0 : i32, i32, i32
  }
  func.func @transform_1(%arg0: i32) -> (i32, i32, i32) {
    %c0_i32 = arith.constant 0 : i32
    %c0_i32_0 = arith.constant 0 : i32
    %c0_i32_1 = arith.constant 0 : i32
    return %arg0, %c0_i32, %c0_i32_0 : i32, i32, i32
  }
  func.func @transform_2(%arg0: i32) -> (i32, i32, i32) {
    %c0_i32 = arith.constant 0 : i32
    %c0_i32_0 = arith.constant 0 : i32
    %c0_i32_1 = arith.constant 0 : i32
    %c0_i32_2 = arith.constant 0 : i32
    return %c0_i32, %c0_i32_0, %c0_i32_1 : i32, i32, i32
  }
  func.func @transform_3(%arg0: i32) -> (i32, i32, i32) {
    %c0_i32 = arith.constant 0 : i32
    %c0_i32_0 = arith.constant 0 : i32
    %c0_i32_1 = arith.constant 0 : i32
    %c0_i32_2 = arith.constant 0 : i32
    return %c0_i32, %c0_i32_0, %c0_i32_1 : i32, i32, i32
  }
  func.func @transform_4(%arg0: i32) -> (i32, i32, i32) {
    %c0_i32 = arith.constant 0 : i32
    %c0_i32_0 = arith.constant 0 : i32
    %c0_i32_1 = arith.constant 0 : i32
    return %arg0, %c0_i32, %c0_i32_0 : i32, i32, i32
  }
}

</mosaic_0001>

<sc_bundles>
// kernel: kernel.4.cloned.1.call-start
scs
__scs_entry_jumppad:
0x0: {  	(pc) =	sbr.rel $0x88, $3  }
0x1: {  	(tag) =	ssettag $0x0;
	lr =	simm.s32 $0x1  }
0x2: {  	[smem:$0x3F9D] =	sst lr;
	_ =	strace $0xD0000000  }
0x3: {  	_ = 	snop  }
0x4: {  	_ = 	snop  }
0x5: {  	_ = 	snop  }
0x6: {  	_ = 	snop  }
0x7: {  	_ = 	snop  }
__scs_overlays_trampoline_lowered:
0x8: {  	[smem:$0x3FAC] =	sst s0  }
0x9: {  	[smem:$0x3FAD] =	sst s1  }
0xa: {  	[smem:$0x3FAE] =	sst s2  }
0xb: {  	[smem:$0x3FAF] =	sst s3  }
0xc: {  	[smem:$0x3FB0] =	sst s4  }
0xd: {  	[smem:$0x3FB1] =	sst s5  }
0xe: {  	[smem:$0x3FB2] =	sst s6  }
0xf: {  	[smem:$0x3FB3] =	sst s7  }
0x10: {  	[smem:$0x3FB4] =	sst s8  }
0x11: {  	[smem:$0x3FB5] =	sst s9;
	s0 =	simm.s32 @!p0 $0x0  }
0x12: {  	s1 =	sld [smem:$0x3F9B];
	s0 =	simm.s32 @p0 $0x1  }
0x13: {  	[smem:$0x3FB6] =	sst s0;
	s0 =	simm.s32 @!p1 $0x0  }
0x14: {  	s2 =	sld [smem:$0x3F9A];
	s0 =	simm.s32 @p1 $0x1  }
0x15: {  	[smem:$0x3FB7] =	sst s0;
	s0 =	simm.s32 @!p2 $0x0  }
0x16: {  	s3 =	sld [smem:$0x3FDB];
	s0 =	simm.s32 @p2 $0x1  }
0x17: {  	s4 =	simm.s32 $0x1BF5;
	[smem:$0x3FB9] =	sst s0  }
0x18: {  	s0 =	sld [smem:$0x3F9C];
	_ =	swait.ge [sflag:s4], $0x0  }
0x19: {  	s7 =	sld [smem:$0x3F9D]  }
0x1a: {  	s8 =	sadd.s32 $0xFFFFE003, lr  }
0x1b: {  	s9 =	sadd.s32 $0xFFFFFEF7, lr;
	s5 =	simm.s32 $0xFFFFFFFF;
	p2 =	slt.u32 s8, $0xFFFFF086  }
0x1c: {  	p1 =	slt.u32 s9, $0xF7A;
	s5 =	simm.s32 @!p2 $0x0  }
0x1d: {  	s5 =	simm.s32 @p1 $0x1;
	p0 =	seq.s32 s7, s2  }
0x1e: {  	s7 =	smul.u32 @!p0 $0xF7A, s2;
	p2 =	seq.s32 @!p0 s5, $0x0  }
0x1f: {  	s9 =	smul.u32 $0xF7A, s1;
	s8 =	simm.s32 @!p0 $0x1BF5;
	p2 =	por !p2, p0  }
0x20: {  	[sflag:s8] =	ssyncset.s32 @!p0 $0xFFFFF086;
	s6 =	sadd.s32 @!p0 s3, s7;
	s7 =	simm.s32 @!p0 $0x108  }
0x21: {  	s3 =	sadd.s32 s3, s9;
	s6 =	sadd.s32 @!p0 $0x88, s6;
	s7 =	simm.s32 @p2 $0x1082  }
0x22: {  	[simem:s7], [sflag:s8] =	dma.local @!p0 [hbm:s6], $0xF7A  }
0x23: {  	s9 =	sor.u32 $0xD0000000, s2;
	s6 =	simm.s32 $0x108;
	_ =	swait.ge @!p0 [sflag:s8], $0x0  }
0x24: {  	s3 =	sadd.s32 $0x88, s3;
	s6 =	simm.s32 @!p1 $0x1082;
	[sflag:s4] =	ssyncset.s32 $0xFFFFF086  }
0x25: {  	[simem:s6], [sflag:s4] =	dma.local [hbm:s3], $0xF7A  }
0x26: {  	[smem:$0x3F9D] =	sst s1;
	(tag) =	ssettag s2;
	_ =	strace s9  }
0x27: {  	s1 =	sld [smem:$0x3FAD]  }
0x28: {  	s2 =	sld [smem:$0x3FAE]  }
0x29: {  	s4 =	sld [smem:$0x3FB0]  }
0x2a: {  	p0 =	seq.s32 s5, $0x0;
	s5 =	sld [smem:$0x3FB1]  }
0x2b: {  	s6 =	sld [smem:$0x3FB2]  }
0x2c: {  	s7 =	sld [smem:$0x3FB3]  }
0x2d: {  	s3 =	simm.s32 $0x108;
	s8 =	sld [smem:$0x3FB4]  }
0x2e: {  	s3 =	simm.s32 @!p0 $0x1082;
	s9 =	sld [smem:$0x3FB5]  }
0x2f: {  	lr =	sadd.s32 s0, s3;
	s0 =	sld [smem:$0x3FAC]  }
0x30: {  	s3 =	sld [smem:$0x3FAF]  }
0x31: {  	[smem:$0x3FB8] =	sst s10  }
0x32: {  	s10 =	sld [smem:$0x3FB6];
	_ =	sdelay $0x3  }
0x33: {  	p0 =	seq.s32 s10, $0x1;
	s10 =	sld [smem:$0x3FB8];
	_ =	sdelay $0x3  }
0x34: {  	[smem:$0x3FB8] =	sst s10  }
0x35: {  	s10 =	sld [smem:$0x3FB7];
	_ =	sdelay $0x3  }
0x36: {  	p1 =	seq.s32 s10, $0x1;
	s10 =	sld [smem:$0x3FB8];
	_ =	sdelay $0x3  }
0x37: {  	[smem:$0x3FB8] =	sst s10  }
0x38: {  	s10 =	sld [smem:$0x3FB9]  }
0x39: {  	_ = 	snop;
	(pc) =	sbr.ind lr, $3  }
0x3a: {  	_ = 	snop  }
0x3b: {  	_ = 	snop  }
0x3c: {  	p2 =	seq.s32 s10, $0x1;
	s10 =	sld [smem:$0x3FB8]  }
0x3d: {  	_ =	shalt  }
0x3e: {  	_ =	shalt  }
0x3f: {  	_ =	shalt  }
0x40: {  	_ =	shalt  }
0x41: {  	_ =	shalt  }
0x42: {  	_ =	shalt  }
0x43: {  	_ =	shalt  }
0x44: {  	_ =	shalt  }
0x45: {  	_ =	shalt  }
0x46: {  	_ =	shalt  }
0x47: {  	_ =	shalt  }
0x48: {  	_ =	shalt  }
0x49: {  	_ =	shalt  }
0x4a: {  	_ =	shalt  }
0x4b: {  	_ =	shalt  }
0x4c: {  	_ =	shalt  }
0x4d: {  	_ =	shalt  }
0x4e: {  	_ =	shalt  }
0x4f: {  	_ =	shalt  }
0x50: {  	_ =	shalt  }
0x51: {  	_ =	shalt  }
0x52: {  	_ =	shalt  }
0x53: {  	_ =	shalt  }
0x54: {  	_ =	shalt  }
0x55: {  	_ =	shalt  }
0x56: {  	_ =	shalt  }
0x57: {  	_ =	shalt  }
0x58: {  	_ =	shalt  }
0x59: {  	_ =	shalt  }
0x5a: {  	_ =	shalt  }
0x5b: {  	_ =	shalt  }
0x5c: {  	_ =	shalt  }
0x5d: {  	_ =	shalt  }
0x5e: {  	_ =	shalt  }
0x5f: {  	_ =	shalt  }
0x60: {  	_ =	shalt  }
0x61: {  	_ =	shalt  }
0x62: {  	_ =	shalt  }
0x63: {  	_ =	shalt  }
0x64: {  	_ =	shalt  }
0x65: {  	_ =	shalt  }
0x66: {  	_ =	shalt  }
0x67: {  	_ =	shalt  }
0x68: {  	_ =	shalt  }
0x69: {  	_ =	shalt  }
0x6a: {  	_ =	shalt  }
0x6b: {  	_ =	shalt  }
0x6c: {  	_ =	shalt  }
0x6d: {  	_ =	shalt  }
0x6e: {  	_ =	shalt  }
0x6f: {  	_ =	shalt  }
0x70: {  	_ =	shalt  }
0x71: {  	_ =	shalt  }
0x72: {  	_ =	shalt  }
0x73: {  	_ =	shalt  }
0x74: {  	_ =	shalt  }
0x75: {  	_ =	shalt  }
0x76: {  	_ =	shalt  }
0x77: {  	_ =	shalt  }
0x78: {  	_ =	shalt  }
0x79: {  	_ =	shalt  }
0x7a: {  	_ =	shalt  }
0x7b: {  	_ =	shalt  }
0x7c: {  	_ =	shalt  }
0x7d: {  	_ =	shalt  }
0x7e: {  	_ =	shalt  }
0x7f: {  	_ =	shalt  }
0x80: {  	_ =	shalt  }
0x81: {  	_ =	shalt  }
0x82: {  	_ =	shalt  }
0x83: {  	_ =	shalt  }
0x84: {  	_ =	shalt  }
0x85: {  	_ =	shalt  }
0x86: {  	_ =	shalt  }
0x87: {  	_ =	shalt  }
.Lfunc_end0:
.L_simem_size_0:
called_computation_lowered:
.L_overlay_start_0:
0x88: {  	s2 =	sld [smem:$0x3FD9]  }
0x89: {  	s3 =	sld [smem:$0x3FFE];
	_ =	sdelay $0x1  }
0x8a: {  	s1 =	srdreg.scid  }
0x8b: {  	s0 =	sand.u32 $0x1, s1  }
0x8c: {  	s17 =	sshll.u32 s0, $0xA;
	s2 =	sadd.s32 s3, s2  }
0x8d: {  	s2 =	sadd.s32 s2, s17  }
0x8e: {  	[smem:$0x3FC4] =	sst s2  }
0x8f: {  	_ = 	snop  }
0x90: {  	s2 =	sld [smem:$0x3FD0];
	(tm) =	ssettm $0x1  }
0x91: {  	s18 =	sld [smem:$0x3FFB];
	_ =	sdelay $0x3  }
0x92: {  	_ =	strace s18  }
0x93: {  	s3 =	sld [smem:$0x3FFC];
	_ =	sdelay $0x3  }
0x94: {  	_ =	strace s3  }
0x95: {  	s3 =	sld [smem:$0x3FFD];
	_ =	sdelay $0x3  }
0x96: {  	_ =	strace s3  }
0x97: {  	_ =	strace $0x8FFFFFFF  }
0x98: {  	s19 =	sld [smem:$0x3FDB];
	_ =	sdelay $0x1  }
0x99: {  	s4 =	simm.s32 $_scs_section_size  }
0x9a: {  	s5 =	simm.s32 $_size__tile_overlayer_lowered;
	s6 =	simm.s32 $_tile_overlayer_lowered  }
0x9b: {  	s22 =	simm.s32 $0x1BFF;
	s21 =	sshll.u32 s6, $0x1;
	s3 =	sadd.s32 s4, s19  }
0x9c: {  	s7 =	simm.s32 $0x0;
	s20 =	sshll.u32 s5, $0x1;
	s5 =	sadd.s32 s21, s3  }
0x9d: {  	[timem:s7], [sflag:s22] =	dma.local [hbm:s5], s20  }
0x9e: {  	_ =	swait.ge [sflag:s22], s20  }
0x9f: {  	s4 =	ssub.s32 $0x0, s20;
	[sflag:s22] =	ssyncset.done $0x0  }
0xa0: {  	[sflag:s22] =	ssyncadd.s32 s4;
	_ =	sdelay $0x1  }
0xa1: {  	s23 =	simm.s32 $0x1B8B  }
0xa2: {  	_ =	swait.ge [sflag:s23], $0x1  }
0xa3: {  	[sflag:s23] =	ssyncset.done $0x0  }
0xa4: {  	s25 =	simm.s32 $0x1B8E;
	s24 =	sld [smem:$0x3FFE];
	[sflag:s23] =	ssyncadd.s32 $0xFFFFFFFF  }
0xa5: {  	s26 =	simm.s32 $execute0_lowered;
	[smem:$0x3FD2] =	sst s25  }
0xa6: {  	s5 =	sshll.u32 s26, $0x1;
	_ =	strace $0x80000046;
	[dreg:$0x1] =	wrdreg $0xFFFFFFFF  }
0xa7: {  	s28 =	simm.s32 $_size_execute0_lowered;
	s3 =	sadd.s32 s3, s5;
	[dreg:$0x0] =	wrdreg $0x0  }
0xa8: {  	s5 =	sshll.u32 s28, $0x1;
	[dreg:$0x2] =	wrdreg s3  }
0xa9: {  	[dreg:$0x3] =	wrdreg s5  }
0xaa: {  	[dreg:$0x4] =	wrdreg $0xC0  }
0xab: {  	_ =	task [dreg:s7], $0x5FFFF  }
0xac: {  	[dreg:$0x1] =	wrdreg $0xFFFFFFFF  }
0xad: {  	[dreg:$0x0] =	wrdreg $0x60  }
0xae: {  	[dreg:$0x2] =	wrdreg s2  }
0xaf: {  	[dreg:$0x3] =	wrdreg s24  }
0xb0: {  	[dreg:$0x4] =	wrdreg $0x9  }
0xb1: {  	_ =	task.clear_ibuf [dreg:s7], $0x5FFFF;
	_ =	strace $0x90000046  }
0xb2: {  	s29 =	simm.s32 $0x9;
	_ =	strace $0x80000048  }
0xb3: {  	_ =	swait.ge [sflag:s29], $0x1  }
0xb4: {  	[sflag:s29] =	ssyncadd.s32 $0xFFFFFFFF  }
0xb5: {  	_ =	strace $0x90000048  }
0xb6: {  	_ =	sfence  }
0xb7: {  	s30 =	sld [smem:$0x0];
	_ =	sdelay $0x2  }
0xb8: {  	s31 =	sshll.u32 s1, $0xD;
	s1 =	sshrl.u32 s1, $0x2  }
0xb9: {  	s3 =	sand.u32 $0x4000, s31;
	s1 =	sadd.s32 s1, s30  }
0xba: {  	s0 =	sor.u32 s3, s0;
	s1 =	sshll.u32 s1, $0x11  }
0xbb: {  	s0 =	sor.u32 s1, s0  }
0xbc: {  	s0 =	sadd.s32 $0x8F2B, s0  }
0xbd: {  	[sflag:s0] =	ssyncadd.remote.s32 $0x1  }
0xbe: {  	_ =	sfence.sel $0xFFFF  }
0xbf: {  	[dreg:$0x0] =	wrdreg $0xFFFFFFFF;
	(pc) =	sbr.abs _section_cstart, $3  }
0xc0: {  	[dreg:$0x1] =	wrdreg $0xFFFFFFFF  }
0xc1: {  	_ =	task.clear_ibuf [dreg:s7], $0x2FFFF;
	_ =	strace $0x9FFFFFFF  }
0xc2: {  	(tm) =	ssettm $0x7FFFFFFF  }
0xc3: {  	_ =	shalt  }
tec
execute0_lowered:
.L_overlay_start_1:
0x0: {  	(tag) =	ssettag $0x1  }
0x1: {  	s3 =	rddreg [dreg:$0x0]  }
0x2: {  	s4 =	rddreg [dreg:$0x1]  }
0x3: {  	s0 =	rddreg [dreg:$0x2];
	s2 =	simm.s32 $0x0;
	s1 =	stileid.u32  }
0x4: {  	s5 =	srdreg.scid;
	s11 =	simm.s32 $0x400;
	s12 =	simm.s32 $0x2000  }
0x5: {  	s13 =	simm.s32 $0x12800;
	s14 =	simm.s32 $0x2;
	s15 =	simm.s32 $0x0  }
0x6: {  	[smem:$0x7FF] =	sst s2;
	s6 =	sshll.u32 s1, $0x1;
	s7 =	sshrl.u32 s1, $0x2  }
0x7: {  	s5 =	sand.u32 $0x1, s5;
	s6 =	sand.u32 $0x6, s6;
	s8 =	smul.u32 $0xA000, s7  }
0x8: {  	_ =	strace $0x80000047;
	s7 =	smul.u32 $0x500, s7;
	s6 =	sor.u32 s5, s6  }
0x9: {  	s5 =	ssub.s32 $0x2, s5;
	s9 =	sshll.u32 s6, $0xC;
	s6 =	sshll.u32 s6, $0xA  }
0xa: {  	s7 =	sadd.s32 s7, s4;
	s31 =	sshrl.u32 s5, $0x1;
	s10 =	sadd.s32 s9, s4  }
0xb: {  	s6 =	sor.u32 s8, s6;
	s8 =	ssub.s32 s5, s31;
	s3 =	sadd.s32 s3, s9  }
0xc: {  	s5 =	sadd.s32 $0xC00, s7;
	s9 =	simm.s32 $0x10000;
	s6 =	sshrl.u32 s6, $0x3  }
0xd: {  	s7 =	smax.u32 s8, $0x1;
	s8 =	simm.s32 $0x8000;
	s6 =	sadd.s32 s6, s4  }
0xe: {  	s4 =	sadd.s32 $0x2000, s10;
	s10 =	simm.s32 $0x1;
	s6 =	sadd.s32 $0xA000, s6  }
.LBB2_1:
0xf: {  	[tilespmem:s2], [sflag:$0x1] =	stream.linear.gather [hbm4b:s3+s2], $0x8000, $0x38;
	[tilespmem:$0x13C00] =	vst v63  }
0x10: {  	_ = 	snop  }
0x11: {  	[tilespmem:s8], [sflag:$0x1] =	stream.linear.gather [hbm4b:s4+s2], $0x8000, $0x38;
	[tilespmem:$0x13C00] =	vst v63  }
0x12: {  	_ = 	snop  }
0x13: {  	[tilespmem:s9], [sflag:$0x1] =	stream.linear.gather [hbm4b:s5+s2], $0x2800, $0x38;
	[tilespmem:$0x13C00] =	vst v63  }
0x14: {  	_ =	swait.ge [sflag:s10], $0x8000  }
0x15: {  	[sflag:s10] =	ssyncset.done $0x0  }
0x16: {  	[sflag:s10] =	ssyncadd.s32 $0xFFFF8000  }
0x17: {  	_ =	swait.ge [sflag:s10], $0x8000  }
0x18: {  	[sflag:s10] =	ssyncset.done $0x0  }
0x19: {  	[sflag:s10] =	ssyncadd.s32 $0xFFFF8000  }
0x1a: {  	_ =	swait.ge [sflag:s10], $0x2800  }
0x1b: {  	[sflag:s10] =	ssyncset.done $0x0  }
0x1c: {  	s16 =	simm.s32 $0x0;
	[sflag:s10] =	ssyncadd.s32 $0xFFFFD800  }
.LBB2_2:
0x1d: {  	s18 =	sshll.u32 s16, $0x8;
	s17 =	sshll.u32 s16, $0x7  }
0x1e: {  	s18 =	sand.u32 $0x3800, s18;
	s19 =	sand.u32 $0x380, s17  }
0x1f: {  	v1 =	vimm.f32 $0.0e+00;
	v2 =	vimm.f32 $0.0e+00;
	s18 =	sor.u32 s19, s18  }
0x20: {  	v3 =	vimm.f32 $0.0e+00;
	v4 =	vimm.f32 $0.0e+00;
	v5 =	vimm.f32 $0.0e+00;
	s18 =	sor.u32 $0x10000, s18  }
0x21: {  	v8 =	vimm.f32 $0.0e+00;
	v6 =	vimm.f32 $0.0e+00;
	v7 =	vimm.f32 $0.0e+00;
	s19 =	simm.s32 $0x0;
	[dreg:$0x3] =	wrdreg s18;
	s18 =	simm.s32 $0x0  }
.LBB2_3:
0x22: {  	s20 =	rddreg [dreg:$0x3];
	s21 =	sand.u32 $0x400, s18  }
0x23: {  	s22 =	sand.u32 $0x70, s19;
	s20 =	sadd.s32 s21, s20  }
0x24: {  	s20 =	sadd.s32 s22, s20  }
0x25: {  	v0 =	vld [tilespmem:s20+$0x0];
	_ =	sdelay $0x4  }
0x26: {  	(v2sf) =	vpush v0, $0x0;
	_ =	sdelay $0x9  }
0x27: {  	(v2sf) =	vpush v0, $0x1;
	_ =	sdelay $0x4  }
0x28: {  	s26 =	spop (v2sf)  }
0x29: {  	s28 =	sshll.u32 s26, $0x7  }
0x2a: {  	s20 =	sshrl.u32 s26, $0x9;
	s21 =	sand.u32 $0x7FFF80, s28  }
0x2b: {  	s20 =	sand.u32 $0x7FFF80, s20;
	v9 =	vld [tilespmem:s21+$0x0]  }
0x2c: {  	(v2sf) =	vpush v0, $0x2;
	v10 =	vld [tilespmem:s20+$0x8000]  }
0x2d: {  	v11 =	vld [tilespmem:s21+$0x10]  }
0x2e: {  	v12 =	vld [tilespmem:s20+$0x8010]  }
0x2f: {  	v13 =	vld [tilespmem:s21+$0x20]  }
0x30: {  	v14 =	vld [tilespmem:s20+$0x8020]  }
0x31: {  	v15 =	vld [tilespmem:s21+$0x30]  }
0x32: {  	s29 =	spop (v2sf);
	(v2sf) =	vpush v0, $0x3;
	v18 =	vld [tilespmem:s20+$0x8030]  }
0x33: {  	s30 =	sshll.u32 s29, $0x7;
	v24 =	vld [tilespmem:s21+$0x40]  }
0x34: {  	s22 =	sshrl.u32 s29, $0x9;
	v20 =	vld [tilespmem:s20+$0x8040];
	s31 =	sand.u32 $0x7FFF80, s30  }
0x35: {  	s21 =	sand.u32 $0x7FFF80, s22;
	v25 =	vld [tilespmem:s31+$0x0]  }
0x36: {  	v21 =	vld [tilespmem:s21+$0x8010]  }
0x37: {  	v28 =	vld [tilespmem:s31+$0x20];
	v16 =	vshll.u32 v9, $0x10  }
0x38: {  	v30 =	vld [tilespmem:s21+$0x8020];
	v17 =	vshll.u32 v10, $0x10;
	v9 =	vand.u32 $0xFFFF0000, v9;
	v10 =	vand.u32 $0xFFFF0000, v10  }
0x39: {  	v34 =	vld [tilespmem:s31+$0x30];
	v9 =	vmul.f32 v10, v9  }
0x3a: {  	v35 =	vld [tilespmem:s21+$0x8030];
	v19 =	vshll.u32 v12, $0x10;
	v12 =	vand.u32 $0xFFFF0000, v12;
	v10 =	vshll.u32 v11, $0x10  }
0x3b: {  	v10 =	vmul.f32 v19, v10;
	v6 =	vadd.f32 v9, v6;
	v9 =	vand.u32 $0xFFFF0000, v11;
	v11 =	vld [tilespmem:s21+$0x8000];
	s23 =	spop (v2sf)  }
0x3c: {  	v36 =	vld [tilespmem:s31+$0x40];
	v26 =	vshll.u32 v13, $0x10;
	v27 =	vshll.u32 v14, $0x10;
	v13 =	vand.u32 $0xFFFF0000, v13;
	s24 =	sshll.u32 s23, $0x7  }
0x3d: {  	v29 =	vmul.f32 v18, v15;
	v8 =	vadd.f32 v10, v8;
	v10 =	vld [tilespmem:s31+$0x10];
	v9 =	vmul.f32 v12, v9;
	s20 =	sand.u32 $0x7FFF80, s24  }
0x3e: {  	v14 =	vand.u32 $0xFFFF0000, v14;
	v31 =	vmul.f32 v20, v24;
	v16 =	vmul.f32 v17, v16;
	v40 =	vld [tilespmem:s20+$0x0]  }
0x3f: {  	v32 =	vshll.u32 v25, $0x10;
	v5 =	vadd.f32 v9, v5;
	v9 =	vmul.f32 v14, v13;
	v44 =	vld [tilespmem:s20+$0x10]  }
0x40: {  	v37 =	vand.u32 $0xFFFF0000, v25;
	v39 =	vshll.u32 v21, $0x10;
	v33 =	vshll.u32 v11, $0x10;
	v45 =	vld [tilespmem:s20+$0x20]  }
0x41: {  	v7 =	vadd.f32 v16, v7;
	v3 =	vadd.f32 v9, v3;
	s26 =	spop (v2sf);
	v9 =	vmul.f32 v33, v32;
	v46 =	vld [tilespmem:s20+$0x30]  }
0x42: {  	v41 =	vand.u32 $0xFFFF0000, v21;
	v43 =	vshll.u32 v28, $0x10;
	(v2sf) =	vpush v0, $0x4;
	s28 =	sshll.u32 s26, $0x7;
	v50 =	vld [tilespmem:s20+$0x40]  }
0x43: {  	v22 =	vshll.u32 v30, $0x10;
	v12 =	vmul.f32 v27, v26;
	s25 =	sshrl.u32 s23, $0x9;
	s20 =	sand.u32 $0x7FFF80, s28;
	v7 =	vadd.f32 v9, v7;
	v9 =	vld [tilespmem:s21+$0x8040]  }
0x44: {  	v11 =	vand.u32 $0xFFFF0000, v11;
	v38 =	vshll.u32 v10, $0x10;
	v10 =	vand.u32 $0xFFFF0000, v10;
	s21 =	sand.u32 $0x7FFF80, s25;
	v60 =	vld [tilespmem:s20+$0x20]  }
0x45: {  	v2 =	vadd.f32 v29, v2;
	v11 =	vmul.f32 v11, v37;
	v10 =	vmul.f32 v41, v10;
	v42 =	vld [tilespmem:s21+$0x8000]  }
0x46: {  	v16 =	vand.u32 $0xFFFF0000, v28;
	v4 =	vadd.f32 v12, v4;
	v14 =	vand.u32 $0xFFFF0000, v30;
	v23 =	vld [tilespmem:s21+$0x8010]  }
0x47: {  	v6 =	vadd.f32 v11, v6;
	v11 =	vmul.f32 v22, v43;
	v5 =	vadd.f32 v10, v5;
	v10 =	vld [tilespmem:s21+$0x8020]  }
0x48: {  	v1 =	vadd.f32 v31, v1;
	v14 =	vmul.f32 v14, v16;
	s29 =	sshrl.u32 s26, $0x9;
	v15 =	vmul.f32 v39, v38;
	v49 =	vld [tilespmem:s21+$0x8030]  }
0x49: {  	(v2sf) =	vpush v0, $0x5;
	v53 =	vld [tilespmem:s21+$0x8040];
	s21 =	sand.u32 $0x7FFF80, s29;
	v4 =	vadd.f32 v11, v4;
	v11 =	vmul.f32 v35, v34  }
0x4a: {  	v3 =	vadd.f32 v14, v3;
	v8 =	vadd.f32 v15, v8;
	v55 =	vld [tilespmem:s21+$0x8000];
	v47 =	vshll.u32 v40, $0x10  }
0x4b: {  	v18 =	vand.u32 $0xFFFF0000, v40;
	v51 =	vshll.u32 v44, $0x10;
	v2 =	vadd.f32 v11, v2;
	v11 =	vld [tilespmem:s20+$0x0]  }
0x4c: {  	v54 =	vand.u32 $0xFFFF0000, v44;
	v57 =	vshll.u32 v45, $0x10;
	v16 =	vand.u32 $0xFFFF0000, v45  }
0x4d: {  	v24 =	vld [tilespmem:s20+$0x30];
	v9 =	vmul.f32 v9, v36;
	v33 =	vshll.u32 v60, $0x10;
	v48 =	vshll.u32 v42, $0x10  }
0x4e: {  	v26 =	vld [tilespmem:s20+$0x40];
	v52 =	vshll.u32 v23, $0x10;
	v58 =	vshll.u32 v10, $0x10;
	v10 =	vand.u32 $0xFFFF0000, v10  }
0x4f: {  	v59 =	vld [tilespmem:s21+$0x8010];
	v13 =	vmul.f32 v48, v47;
	v1 =	vadd.f32 v9, v1;
	v10 =	vmul.f32 v10, v16  }
0x50: {  	v61 =	vld [tilespmem:s21+$0x8020];
	v9 =	vmul.f32 v52, v51;
	v63 =	vshll.u32 v55, $0x10;
	v62 =	vshll.u32 v11, $0x10  }
0x51: {  	v25 =	vld [tilespmem:s21+$0x8030];
	v7 =	vadd.f32 v13, v7;
	v3 =	vadd.f32 v10, v3;
	v10 =	vmul.f32 v63, v62;
	s30 =	spop (v2sf)  }
0x52: {  	v19 =	vand.u32 $0xFFFF0000, v60;
	v17 =	vand.u32 $0xFFFF0000, v42;
	v8 =	vadd.f32 v9, v8;
	v9 =	vld [tilespmem:s20+$0x10];
	s31 =	sshll.u32 s30, $0x7  }
0x53: {  	v12 =	vmul.f32 v49, v46;
	v14 =	vmul.f32 v53, v50;
	v7 =	vadd.f32 v10, v7;
	v10 =	vld [tilespmem:s21+$0x8040];
	s22 =	sshrl.u32 s30, $0x9;
	s20 =	sand.u32 $0x7FFF80, s31  }
0x54: {  	v56 =	vand.u32 $0xFFFF0000, v23;
	v17 =	vmul.f32 v17, v18;
	v18 =	vmul.f32 v58, v57;
	s21 =	sand.u32 $0x7FFF80, s22;
	v30 =	vld [tilespmem:s20+$0x0]  }
0x55: {  	v27 =	vand.u32 $0xFFFF0000, v55;
	v29 =	vshll.u32 v59, $0x10;
	v31 =	vand.u32 $0xFFFF0000, v59;
	v32 =	vld [tilespmem:s21+$0x8000]  }
0x56: {  	v2 =	vadd.f32 v12, v2;
	v11 =	vand.u32 $0xFFFF0000, v11;
	(v2sf) =	vpush v0, $0x6;
	v34 =	vld [tilespmem:s20+$0x10]  }
0x57: {  	v6 =	vadd.f32 v17, v6;
	v13 =	vmul.f32 v56, v54;
	v11 =	vmul.f32 v27, v11;
	v36 =	vld [tilespmem:s21+$0x8010]  }
0x58: {  	v35 =	vshll.u32 v61, $0x10;
	v4 =	vadd.f32 v18, v4;
	v1 =	vadd.f32 v14, v1;
	v37 =	vld [tilespmem:s20+$0x20]  }
0x59: {  	v5 =	vadd.f32 v13, v5;
	v13 =	vand.u32 $0xFFFF0000, v61;
	v6 =	vadd.f32 v11, v6;
	v38 =	vld [tilespmem:s20+$0x30]  }
0x5a: {  	v11 =	vmul.f32 v35, v33;
	v28 =	vshll.u32 v9, $0x10;
	v9 =	vand.u32 $0xFFFF0000, v9;
	v41 =	vld [tilespmem:s21+$0x8030]  }
0x5b: {  	v13 =	vmul.f32 v13, v19;
	s23 =	spop (v2sf);
	(v2sf) =	vpush v0, $0x7;
	v42 =	vld [tilespmem:s20+$0x40];
	v9 =	vmul.f32 v31, v9  }
0x5c: {  	s24 =	sshll.u32 s23, $0x7;
	v4 =	vadd.f32 v11, v4;
	v11 =	vmul.f32 v25, v24;
	v45 =	vld [tilespmem:s21+$0x8040];
	v14 =	vmul.f32 v29, v28  }
0x5d: {  	s25 =	sshrl.u32 s23, $0x9;
	v3 =	vadd.f32 v13, v3;
	s20 =	sand.u32 $0x7FFF80, s24;
	v5 =	vadd.f32 v9, v5;
	v9 =	vld [tilespmem:s21+$0x8020]  }
0x5e: {  	v2 =	vadd.f32 v11, v2;
	v11 =	vld [tilespmem:s20+$0x0];
	v8 =	vadd.f32 v14, v8;
	v10 =	vmul.f32 v10, v26;
	s21 =	sand.u32 $0x7FFF80, s25  }
0x5f: {  	v47 =	vld [tilespmem:s21+$0x8000];
	v39 =	vshll.u32 v30, $0x10;
	v40 =	vshll.u32 v32, $0x10;
	v17 =	vand.u32 $0xFFFF0000, v30  }
0x60: {  	v52 =	vld [tilespmem:s20+$0x20];
	v16 =	vand.u32 $0xFFFF0000, v32;
	v43 =	vshll.u32 v34, $0x10;
	v44 =	vshll.u32 v36, $0x10  }
0x61: {  	v57 =	vld [tilespmem:s20+$0x30];
	v1 =	vadd.f32 v10, v1;
	v46 =	vand.u32 $0xFFFF0000, v34;
	v48 =	vand.u32 $0xFFFF0000, v36  }
0x62: {  	v59 =	vld [tilespmem:s20+$0x40];
	v18 =	vand.u32 $0xFFFF0000, v37;
	v50 =	vshll.u32 v9, $0x10;
	v9 =	vand.u32 $0xFFFF0000, v9  }
0x63: {  	v51 =	vld [tilespmem:s21+$0x8010];
	v49 =	vshll.u32 v37, $0x10;
	v12 =	vmul.f32 v40, v39;
	v9 =	vmul.f32 v9, v18  }
0x64: {  	v54 =	vld [tilespmem:s21+$0x8020];
	v10 =	vmul.f32 v44, v43;
	v55 =	vshll.u32 v11, $0x10;
	v56 =	vshll.u32 v47, $0x10  }
0x65: {  	v58 =	vld [tilespmem:s21+$0x8030];
	v7 =	vadd.f32 v12, v7;
	v3 =	vadd.f32 v9, v3;
	v9 =	vmul.f32 v56, v55;
	s26 =	spop (v2sf)  }
0x66: {  	v53 =	vmul.f32 v41, v38;
	v14 =	vmul.f32 v45, v42;
	v8 =	vadd.f32 v10, v8;
	v10 =	vld [tilespmem:s20+$0x10];
	s28 =	sshll.u32 s26, $0x7  }
0x67: {  	v16 =	vmul.f32 v16, v17;
	v25 =	vshll.u32 v52, $0x10;
	v7 =	vadd.f32 v9, v7;
	v9 =	vld [tilespmem:s21+$0x8040];
	s29 =	sshrl.u32 s26, $0x9;
	s20 =	sand.u32 $0x7FFF80, s28  }
0x68: {  	v19 =	vand.u32 $0xFFFF0000, v52;
	v2 =	vadd.f32 v53, v2;
	v1 =	vadd.f32 v14, v1;
	s21 =	sand.u32 $0x7FFF80, s29;
	v63 =	vld [tilespmem:s20+$0x0]  }
0x69: {  	v11 =	vand.u32 $0xFFFF0000, v11;
	v6 =	vadd.f32 v16, v6;
	v12 =	vmul.f32 v48, v46;
	v24 =	vld [tilespmem:s21+$0x8000]  }
0x6a: {  	v17 =	vmul.f32 v50, v49;
	v60 =	vand.u32 $0xFFFF0000, v47;
	(v2sf) =	vpush v0, $0x8;
	v26 =	vld [tilespmem:s20+$0x10]  }
0x6b: {  	v62 =	vshll.u32 v51, $0x10;
	v23 =	vand.u32 $0xFFFF0000, v51;
	v11 =	vmul.f32 v60, v11;
	v28 =	vld [tilespmem:s21+$0x8010]  }
0x6c: {  	v27 =	vshll.u32 v54, $0x10;
	v13 =	vand.u32 $0xFFFF0000, v54;
	v5 =	vadd.f32 v12, v5;
	v29 =	vld [tilespmem:s20+$0x20]  }
0x6d: {  	v13 =	vmul.f32 v13, v19;
	v4 =	vadd.f32 v17, v4;
	v6 =	vadd.f32 v11, v6;
	v30 =	vld [tilespmem:s20+$0x30]  }
0x6e: {  	v11 =	vmul.f32 v27, v25;
	v61 =	vshll.u32 v10, $0x10;
	v10 =	vand.u32 $0xFFFF0000, v10;
	v33 =	vld [tilespmem:s21+$0x8030]  }
0x6f: {  	v3 =	vadd.f32 v13, v3;
	s30 =	spop (v2sf);
	v14 =	vmul.f32 v62, v61;
	v10 =	vmul.f32 v23, v10;
	v34 =	vld [tilespmem:s20+$0x40]  }
0x70: {  	(v2sf) =	vpush v0, $0x9;
	v4 =	vadd.f32 v11, v4;
	v11 =	vmul.f32 v58, v57;
	s31 =	sshll.u32 s30, $0x7;
	v37 =	vld [tilespmem:s21+$0x8040]  }
0x71: {  	s22 =	sshrl.u32 s30, $0x9;
	s20 =	sand.u32 $0x7FFF80, s31;
	v8 =	vadd.f32 v14, v8;
	v5 =	vadd.f32 v10, v5;
	v10 =	vld [tilespmem:s21+$0x8020]  }
0x72: {  	v2 =	vadd.f32 v11, v2;
	v11 =	vld [tilespmem:s20+$0x0];
	s21 =	sand.u32 $0x7FFF80, s22;
	v9 =	vmul.f32 v9, v59;
	v31 =	vshll.u32 v63, $0x10  }
0x73: {  	v39 =	vld [tilespmem:s21+$0x8000];
	v32 =	vshll.u32 v24, $0x10;
	v17 =	vand.u32 $0xFFFF0000, v63;
	v16 =	vand.u32 $0xFFFF0000, v24  }
0x74: {  	v44 =	vld [tilespmem:s20+$0x20];
	v35 =	vshll.u32 v26, $0x10;
	v36 =	vshll.u32 v28, $0x10;
	v1 =	vadd.f32 v9, v1  }
0x75: {  	v49 =	vld [tilespmem:s20+$0x30];
	v38 =	vand.u32 $0xFFFF0000, v26;
	v40 =	vand.u32 $0xFFFF0000, v28;
	v18 =	vand.u32 $0xFFFF0000, v29  }
0x76: {  	v51 =	vld [tilespmem:s20+$0x40];
	v45 =	vmul.f32 v33, v30;
	v42 =	vshll.u32 v10, $0x10;
	v10 =	vand.u32 $0xFFFF0000, v10  }
0x77: {  	v43 =	vld [tilespmem:s21+$0x8010];
	v41 =	vshll.u32 v29, $0x10;
	v12 =	vmul.f32 v32, v31;
	v10 =	vmul.f32 v10, v18  }
0x78: {  	v46 =	vld [tilespmem:s21+$0x8020];
	v9 =	vmul.f32 v36, v35;
	v47 =	vshll.u32 v11, $0x10;
	v48 =	vshll.u32 v39, $0x10  }
0x79: {  	v50 =	vld [tilespmem:s21+$0x8030];
	v7 =	vadd.f32 v12, v7;
	v3 =	vadd.f32 v10, v3;
	v10 =	vmul.f32 v48, v47;
	s23 =	spop (v2sf)  }
0x7a: {  	v14 =	vmul.f32 v37, v34;
	v16 =	vmul.f32 v16, v17;
	v8 =	vadd.f32 v9, v8;
	v9 =	vld [tilespmem:s20+$0x10];
	s24 =	sshll.u32 s23, $0x7  }
0x7b: {  	v11 =	vand.u32 $0xFFFF0000, v11;
	v58 =	vshll.u32 v44, $0x10;
	v7 =	vadd.f32 v10, v7;
	v10 =	vld [tilespmem:s21+$0x8040];
	s25 =	sshrl.u32 s23, $0x9;
	s20 =	sand.u32 $0x7FFF80, s24  }
0x7c: {  	v19 =	vand.u32 $0xFFFF0000, v44;
	v17 =	vmul.f32 v42, v41;
	v2 =	vadd.f32 v45, v2;
	s21 =	sand.u32 $0x7FFF80, s25;
	v55 =	vld [tilespmem:s20+$0x0]  }
0x7d: {  	v1 =	vadd.f32 v14, v1;
	v52 =	vand.u32 $0xFFFF0000, v39;
	v54 =	vshll.u32 v43, $0x10;
	v57 =	vld [tilespmem:s21+$0x8000]  }
0x7e: {  	v56 =	vand.u32 $0xFFFF0000, v43;
	v13 =	vand.u32 $0xFFFF0000, v46;
	(v2sf) =	vpush v0, $0xA;
	v59 =	vld [tilespmem:s20+$0x10]  }
0x7f: {  	v6 =	vadd.f32 v16, v6;
	v12 =	vmul.f32 v40, v38;
	v11 =	vmul.f32 v52, v11;
	v61 =	vld [tilespmem:s21+$0x8010]  }
0x80: {  	v60 =	vshll.u32 v46, $0x10;
	v13 =	vmul.f32 v13, v19;
	v4 =	vadd.f32 v17, v4;
	v62 =	vld [tilespmem:s20+$0x20]  }
0x81: {  	v5 =	vadd.f32 v12, v5;
	v6 =	vadd.f32 v11, v6;
	v11 =	vmul.f32 v60, v58;
	v63 =	vld [tilespmem:s20+$0x30]  }
0x82: {  	v3 =	vadd.f32 v13, v3;
	v53 =	vshll.u32 v9, $0x10;
	v9 =	vand.u32 $0xFFFF0000, v9;
	v26 =	vld [tilespmem:s21+$0x8030]  }
0x83: {  	v4 =	vadd.f32 v11, v4;
	v11 =	vmul.f32 v50, v49;
	s26 =	spop (v2sf);
	v9 =	vmul.f32 v56, v9;
	v27 =	vld [tilespmem:s20+$0x40]  }
0x84: {  	(v2sf) =	vpush v0, $0xB;
	v14 =	vmul.f32 v54, v53;
	s28 =	sshll.u32 s26, $0x7;
	v30 =	vld [tilespmem:s21+$0x8040];
	v10 =	vmul.f32 v10, v51  }
0x85: {  	s29 =	sshrl.u32 s26, $0x9;
	v2 =	vadd.f32 v11, v2;
	s20 =	sand.u32 $0x7FFF80, s28;
	v5 =	vadd.f32 v9, v5;
	v9 =	vld [tilespmem:s21+$0x8020]  }
0x86: {  	v8 =	vadd.f32 v14, v8;
	v11 =	vld [tilespmem:s20+$0x0];
	s21 =	sand.u32 $0x7FFF80, s29;
	v1 =	vadd.f32 v10, v1  }
0x87: {  	v32 =	vld [tilespmem:s21+$0x8000];
	v24 =	vshll.u32 v55, $0x10;
	v25 =	vshll.u32 v57, $0x10;
	v17 =	vand.u32 $0xFFFF0000, v55  }
0x88: {  	v37 =	vld [tilespmem:s20+$0x20];
	v16 =	vand.u32 $0xFFFF0000, v57;
	v28 =	vshll.u32 v59, $0x10;
	v29 =	vshll.u32 v61, $0x10  }
0x89: {  	v42 =	vld [tilespmem:s20+$0x30];
	v31 =	vand.u32 $0xFFFF0000, v59;
	v33 =	vand.u32 $0xFFFF0000, v61;
	v18 =	vand.u32 $0xFFFF0000, v62  }
0x8a: {  	v44 =	vld [tilespmem:s20+$0x40];
	v38 =	vmul.f32 v26, v63;
	v35 =	vshll.u32 v9, $0x10;
	v9 =	vand.u32 $0xFFFF0000, v9  }
0x8b: {  	v36 =	vld [tilespmem:s21+$0x8010];
	v34 =	vshll.u32 v62, $0x10;
	v12 =	vmul.f32 v25, v24;
	v9 =	vmul.f32 v9, v18  }
0x8c: {  	v39 =	vld [tilespmem:s21+$0x8020];
	v10 =	vmul.f32 v29, v28;
	v40 =	vshll.u32 v11, $0x10;
	v41 =	vshll.u32 v32, $0x10  }
0x8d: {  	v43 =	vld [tilespmem:s21+$0x8030];
	v7 =	vadd.f32 v12, v7;
	v3 =	vadd.f32 v9, v3;
	v9 =	vmul.f32 v41, v40;
	s30 =	spop (v2sf)  }
0x8e: {  	v14 =	vmul.f32 v30, v27;
	v16 =	vmul.f32 v16, v17;
	v8 =	vadd.f32 v10, v8;
	v10 =	vld [tilespmem:s20+$0x10];
	s31 =	sshll.u32 s30, $0x7  }
0x8f: {  	v11 =	vand.u32 $0xFFFF0000, v11;
	v51 =	vshll.u32 v37, $0x10;
	v7 =	vadd.f32 v9, v7;
	v9 =	vld [tilespmem:s21+$0x8040];
	s23 =	sshrl.u32 s30, $0x9;
	s20 =	sand.u32 $0x7FFF80, s31  }
0x90: {  	v19 =	vand.u32 $0xFFFF0000, v37;
	v17 =	vmul.f32 v35, v34;
	v2 =	vadd.f32 v38, v2;
	s21 =	sand.u32 $0x7FFF80, s23;
	v48 =	vld [tilespmem:s20+$0x0]  }
0x91: {  	v1 =	vadd.f32 v14, v1;
	v45 =	vand.u32 $0xFFFF0000, v32;
	v47 =	vshll.u32 v36, $0x10;
	v50 =	vld [tilespmem:s21+$0x8000]  }
0x92: {  	v49 =	vand.u32 $0xFFFF0000, v36;
	v13 =	vand.u32 $0xFFFF0000, v39;
	v6 =	vadd.f32 v16, v6;
	v52 =	vld [tilespmem:s20+$0x10]  }
0x93: {  	v12 =	vmul.f32 v33, v31;
	v11 =	vmul.f32 v45, v11;
	(v2sf) =	vpush v0, $0xC;
	v54 =	vld [tilespmem:s21+$0x8010]  }
0x94: {  	v53 =	vshll.u32 v39, $0x10;
	v13 =	vmul.f32 v13, v19;
	v4 =	vadd.f32 v17, v4;
	v55 =	vld [tilespmem:s20+$0x20]  }
0x95: {  	v5 =	vadd.f32 v12, v5;
	v6 =	vadd.f32 v11, v6;
	v11 =	vmul.f32 v53, v51;
	v56 =	vld [tilespmem:s20+$0x30]  }
0x96: {  	v3 =	vadd.f32 v13, v3;
	v46 =	vshll.u32 v10, $0x10;
	v10 =	vand.u32 $0xFFFF0000, v10;
	v59 =	vld [tilespmem:s21+$0x8030]  }
0x97: {  	v4 =	vadd.f32 v11, v4;
	v11 =	vmul.f32 v43, v42;
	s24 =	spop (v2sf);
	v10 =	vmul.f32 v49, v10;
	v60 =	vld [tilespmem:s20+$0x40]  }
0x98: {  	(v2sf) =	vpush v0, $0xD;
	v14 =	vmul.f32 v47, v46;
	s25 =	sshll.u32 s24, $0x7;
	v63 =	vld [tilespmem:s21+$0x8040];
	v9 =	vmul.f32 v9, v44  }
0x99: {  	v2 =	vadd.f32 v11, v2;
	s20 =	sand.u32 $0x7FFF80, s25;
	v5 =	vadd.f32 v10, v5;
	v10 =	vld [tilespmem:s21+$0x8020]  }
0x9a: {  	s26 =	sshrl.u32 s24, $0x9;
	v8 =	vadd.f32 v14, v8;
	v11 =	vld [tilespmem:s20+$0x0];
	v1 =	vadd.f32 v9, v1;
	v57 =	vshll.u32 v48, $0x10  }
0x9b: {  	s21 =	sand.u32 $0x7FFF80, s26;
	v29 =	vld [tilespmem:s20+$0x20];
	v58 =	vshll.u32 v50, $0x10;
	v17 =	vand.u32 $0xFFFF0000, v48;
	v16 =	vand.u32 $0xFFFF0000, v50  }
0x9c: {  	v24 =	vld [tilespmem:s21+$0x8000];
	v61 =	vshll.u32 v52, $0x10;
	v62 =	vshll.u32 v54, $0x10;
	v22 =	vand.u32 $0xFFFF0000, v52  }
0x9d: {  	v25 =	vand.u32 $0xFFFF0000, v54;
	v26 =	vshll.u32 v55, $0x10;
	v30 =	vmul.f32 v59, v56  }
0x9e: {  	v34 =	vld [tilespmem:s20+$0x30];
	v18 =	vand.u32 $0xFFFF0000, v55;
	v14 =	vmul.f32 v63, v60;
	v12 =	vmul.f32 v58, v57  }
0x9f: {  	v36 =	vld [tilespmem:s20+$0x40];
	v16 =	vmul.f32 v16, v17;
	v27 =	vshll.u32 v10, $0x10;
	v10 =	vand.u32 $0xFFFF0000, v10  }
0xa0: {  	v28 =	vld [tilespmem:s21+$0x8010];
	v9 =	vmul.f32 v62, v61;
	v32 =	vshll.u32 v11, $0x10;
	v10 =	vmul.f32 v10, v18  }
0xa1: {  	v31 =	vld [tilespmem:s21+$0x8020];
	v11 =	vand.u32 $0xFFFF0000, v11;
	v43 =	vshll.u32 v29, $0x10;
	v33 =	vshll.u32 v24, $0x10  }
0xa2: {  	v35 =	vld [tilespmem:s21+$0x8030];
	v7 =	vadd.f32 v12, v7;
	v3 =	vadd.f32 v10, v3;
	v10 =	vmul.f32 v33, v32;
	s28 =	spop (v2sf)  }
0xa3: {  	v19 =	vand.u32 $0xFFFF0000, v29;
	v17 =	vmul.f32 v27, v26;
	v8 =	vadd.f32 v9, v8;
	v9 =	vld [tilespmem:s20+$0x10];
	s29 =	sshll.u32 s28, $0x7  }
0xa4: {  	v2 =	vadd.f32 v30, v2;
	v37 =	vand.u32 $0xFFFF0000, v24;
	v7 =	vadd.f32 v10, v7;
	v10 =	vld [tilespmem:s21+$0x8040];
	s30 =	sshrl.u32 s28, $0x9;
	s20 =	sand.u32 $0x7FFF80, s29  }
0xa5: {  	v1 =	vadd.f32 v14, v1;
	v6 =	vadd.f32 v16, v6;
	v11 =	vmul.f32 v37, v11;
	s21 =	sand.u32 $0x7FFF80, s30;
	v40 =	vld [tilespmem:s20+$0x0]  }
0xa6: {  	v45 =	vshll.u32 v31, $0x10;
	v12 =	vmul.f32 v25, v22;
	v4 =	vadd.f32 v17, v4;
	v42 =	vld [tilespmem:s21+$0x8000]  }
0xa7: {  	v6 =	vadd.f32 v11, v6;
	v11 =	vmul.f32 v45, v43;
	(v2sf) =	vpush v0, $0xE;
	v44 =	vld [tilespmem:s20+$0x10]  }
0xa8: {  	v39 =	vshll.u32 v28, $0x10;
	v41 =	vand.u32 $0xFFFF0000, v28;
	v13 =	vand.u32 $0xFFFF0000, v31;
	v46 =	vld [tilespmem:s21+$0x8010]  }
0xa9: {  	v13 =	vmul.f32 v13, v19;
	v5 =	vadd.f32 v12, v5;
	v4 =	vadd.f32 v11, v4;
	v47 =	vld [tilespmem:s20+$0x20]  }
0xaa: {  	v11 =	vmul.f32 v35, v34;
	v38 =	vshll.u32 v9, $0x10;
	v9 =	vand.u32 $0xFFFF0000, v9;
	v48 =	vld [tilespmem:s20+$0x30]  }
0xab: {  	v3 =	vadd.f32 v13, v3;
	s31 =	spop (v2sf);
	v14 =	vmul.f32 v39, v38;
	v9 =	vmul.f32 v41, v9;
	v51 =	vld [tilespmem:s21+$0x8030]  }
0xac: {  	(v2sf) =	vpush v0, $0xF;
	s23 =	sshll.u32 s31, $0x7;
	v2 =	vadd.f32 v11, v2;
	v52 =	vld [tilespmem:s20+$0x40];
	v10 =	vmul.f32 v10, v36  }
0xad: {  	s20 =	sand.u32 $0x7FFF80, s23;
	v8 =	vadd.f32 v14, v8;
	v5 =	vadd.f32 v9, v5;
	v9 =	vld [tilespmem:s21+$0x8020]  }
0xae: {  	s24 =	sshrl.u32 s31, $0x9;
	v11 =	vld [tilespmem:s20+$0x0];
	v1 =	vadd.f32 v10, v1;
	v49 =	vshll.u32 v40, $0x10;
	v50 =	vshll.u32 v42, $0x10  }
0xaf: {  	v55 =	vld [tilespmem:s21+$0x8040];
	s21 =	sand.u32 $0x7FFF80, s24;
	v17 =	vand.u32 $0xFFFF0000, v40;
	v16 =	vand.u32 $0xFFFF0000, v42;
	v53 =	vshll.u32 v44, $0x10  }
0xb0: {  	v57 =	vld [tilespmem:s21+$0x8000];
	v54 =	vshll.u32 v46, $0x10;
	v56 =	vand.u32 $0xFFFF0000, v44;
	v58 =	vand.u32 $0xFFFF0000, v46  }
0xb1: {  	v62 =	vld [tilespmem:s20+$0x20];
	v59 =	vshll.u32 v47, $0x10;
	v12 =	vmul.f32 v50, v49;
	v16 =	vmul.f32 v16, v17  }
0xb2: {  	v26 =	vld [tilespmem:s20+$0x30];
	v18 =	vand.u32 $0xFFFF0000, v47;
	v10 =	vmul.f32 v54, v53;
	v0 =	vmul.f32 v58, v56  }
0xb3: {  	v61 =	vld [tilespmem:s21+$0x8010];
	v60 =	vshll.u32 v9, $0x10;
	v9 =	vand.u32 $0xFFFF0000, v9;
	v24 =	vshll.u32 v11, $0x10  }
0xb4: {  	v63 =	vld [tilespmem:s21+$0x8020];
	v11 =	vand.u32 $0xFFFF0000, v11;
	v0 =	vadd.f32 v0, v5;
	v5 =	vmul.f32 v9, v18  }
0xb5: {  	v27 =	vld [tilespmem:s21+$0x8030];
	v25 =	vshll.u32 v57, $0x10;
	v7 =	vadd.f32 v12, v7;
	v9 =	vmul.f32 v51, v48  }
0xb6: {  	v8 =	vadd.f32 v10, v8;
	v10 =	vld [tilespmem:s20+$0x10];
	v3 =	vadd.f32 v5, v3;
	v5 =	vmul.f32 v25, v24;
	s25 =	spop (v2sf)  }
0xb7: {  	v28 =	vand.u32 $0xFFFF0000, v57;
	v6 =	vadd.f32 v16, v6;
	v2 =	vadd.f32 v9, v2;
	v9 =	vld [tilespmem:s20+$0x40];
	s26 =	sshll.u32 s25, $0x7  }
0xb8: {  	v12 =	vmul.f32 v60, v59;
	v11 =	vmul.f32 v28, v11;
	v5 =	vadd.f32 v5, v7;
	v7 =	vld [tilespmem:s21+$0x8040];
	s28 =	sshrl.u32 s25, $0x9;
	s20 =	sand.u32 $0x7FFF80, s26  }
0xb9: {  	v14 =	vmul.f32 v55, v52;
	v34 =	vshll.u32 v62, $0x10;
	v32 =	vand.u32 $0xFFFF0000, v61;
	s21 =	sand.u32 $0x7FFF80, s28;
	v31 =	vld [tilespmem:s20+$0x0]  }
0xba: {  	v35 =	vshll.u32 v63, $0x10;
	v4 =	vadd.f32 v12, v4;
	v6 =	vadd.f32 v11, v6;
	v33 =	vld [tilespmem:s21+$0x8000]  }
0xbb: {  	v11 =	vmul.f32 v35, v34;
	v29 =	vshll.u32 v10, $0x10;
	v10 =	vand.u32 $0xFFFF0000, v10;
	v36 =	vld [tilespmem:s20+$0x10]  }
0xbc: {  	v1 =	vadd.f32 v14, v1;
	v30 =	vshll.u32 v61, $0x10;
	v10 =	vmul.f32 v32, v10;
	v37 =	vld [tilespmem:s21+$0x8010]  }
0xbd: {  	v13 =	vand.u32 $0xFFFF0000, v63;
	v4 =	vadd.f32 v11, v4;
	v11 =	vmul.f32 v27, v26;
	v38 =	vld [tilespmem:s20+$0x20]  }
0xbe: {  	s29 =	spop (v2sf);
	v14 =	vmul.f32 v30, v29;
	v39 =	vld [tilespmem:s21+$0x8020];
	v0 =	vadd.f32 v10, v0;
	v10 =	vand.u32 $0xFFFF0000, v62  }
0xbf: {  	s30 =	sshll.u32 s29, $0x7;
	v41 =	vld [tilespmem:s20+$0x30];
	v10 =	vmul.f32 v13, v10;
	v7 =	vmul.f32 v7, v9  }
0xc0: {  	v2 =	vadd.f32 v11, v2;
	v42 =	vld [tilespmem:s20+$0x40];
	s20 =	sand.u32 $0x7FFF80, s30;
	v8 =	vadd.f32 v14, v8  }
0xc1: {  	v45 =	vld [tilespmem:s20+$0x0];
	v3 =	vadd.f32 v10, v3;
	v1 =	vadd.f32 v7, v1;
	v9 =	vshll.u32 v31, $0x10  }
0xc2: {  	v50 =	vld [tilespmem:s20+$0x10];
	v40 =	vshll.u32 v33, $0x10;
	v7 =	vand.u32 $0xFFFF0000, v31;
	v11 =	vand.u32 $0xFFFF0000, v33  }
0xc3: {  	v43 =	vand.u32 $0xFFFF0000, v36;
	v44 =	vshll.u32 v37, $0x10;
	v14 =	vand.u32 $0xFFFF0000, v37  }
0xc4: {  	s31 =	sshrl.u32 s29, $0x9;
	v10 =	vld [tilespmem:s21+$0x8030];
	v46 =	vshll.u32 v38, $0x10;
	v47 =	vshll.u32 v39, $0x10;
	v9 =	vmul.f32 v40, v9  }
0xc5: {  	v12 =	vand.u32 $0xFFFF0000, v39;
	v7 =	vmul.f32 v11, v7;
	v11 =	vld [tilespmem:s21+$0x8040];
	s21 =	sand.u32 $0x7FFF80, s31;
	v49 =	vmul.f32 v47, v46  }
0xc6: {  	v52 =	vshll.u32 v45, $0x10;
	v48 =	vld [tilespmem:s21+$0x8000];
	v5 =	vadd.f32 v9, v5;
	v9 =	vshll.u32 v36, $0x10  }
0xc7: {  	v54 =	vand.u32 $0xFFFF0000, v45;
	v60 =	vand.u32 $0xFFFF0000, v50;
	v51 =	vld [tilespmem:s21+$0x8010];
	v9 =	vmul.f32 v44, v9  }
0xc8: {  	v53 =	vld [tilespmem:s21+$0x8020];
	v6 =	vadd.f32 v7, v6;
	v7 =	vmul.f32 v14, v43;
	v4 =	vadd.f32 v49, v4  }
0xc9: {  	v57 =	vld [tilespmem:s20+$0x30];
	v10 =	vmul.f32 v10, v41;
	v8 =	vadd.f32 v9, v8;
	v9 =	vand.u32 $0xFFFF0000, v38  }
0xca: {  	v0 =	vadd.f32 v7, v0;
	v11 =	vmul.f32 v11, v42;
	v7 =	vmul.f32 v12, v9;
	v9 =	vld [tilespmem:s20+$0x20]  }
0xcb: {  	v2 =	vadd.f32 v10, v2;
	v10 =	vld [tilespmem:s20+$0x40];
	v55 =	vshll.u32 v48, $0x10;
	v56 =	vand.u32 $0xFFFF0000, v48  }
0xcc: {  	v61 =	vshll.u32 v51, $0x10;
	v16 =	vand.u32 $0xFFFF0000, v51;
	v1 =	vadd.f32 v11, v1;
	v11 =	vld [tilespmem:s21+$0x8040]  }
0xcd: {  	v59 =	vld [tilespmem:s21+$0x8030];
	v63 =	vshll.u32 v53, $0x10;
	v3 =	vadd.f32 v7, v3;
	v7 =	vmul.f32 v55, v52  }
0xce: {  	v13 =	vand.u32 $0xFFFF0000, v53;
	v58 =	vmul.f32 v56, v54;
	v12 =	vmul.f32 v16, v60  }
0xcf: {  	p0 =	sne.s32 s19, $0xF0;
	v7 =	vadd.f32 v7, v5;
	v5 =	vshll.u32 v50, $0x10;
	v62 =	vshll.u32 v9, $0x10  }
.Ltmp0:
0xd0: {  	v5 =	vmul.f32 v61, v5;
	v9 =	vand.u32 $0xFFFF0000, v9;
	v15 =	vmul.f32 v63, v62;
	(pc) =	sbr.rel @p0 .LBB2_3-.Ltmp0, $4  }
0xd1: {  	v6 =	vadd.f32 v58, v6;
	v9 =	vmul.f32 v13, v9;
	v10 =	vmul.f32 v11, v10  }
0xd2: {  	v8 =	vadd.f32 v5, v8;
	v5 =	vadd.f32 v12, v0;
	v0 =	vmul.f32 v59, v57  }
0xd3: {  	v4 =	vadd.f32 v15, v4;
	v3 =	vadd.f32 v9, v3  }
0xd4: {  	s18 =	sadd.s32 $0x80, s18;
	s19 =	sadd.s32 $0x10, s19;
	v1 =	vadd.f32 v10, v1;
	v2 =	vadd.f32 v0, v2  }
0xd5: {  	s17 =	sand.u32 $0x3FFFFF80, s17  }
0xd6: {  	[tilespmem:s17+$0x12800] =	vst v7  }
0xd7: {  	s16 =	sadd.s32 $0x1, s16;
	[tilespmem:s17+$0x12810] =	vst v6  }
0xd8: {  	[tilespmem:s17+$0x12820] =	vst v8;
	p0 =	sne.s32 s16, $0x28  }
.Ltmp1:
0xd9: {  	[tilespmem:s17+$0x12830] =	vst v5;
	(pc) =	sbr.rel @p0 .LBB2_2-.Ltmp1, $4  }
0xda: {  	[tilespmem:s17+$0x12840] =	vst v4  }
0xdb: {  	[tilespmem:s17+$0x12850] =	vst v3  }
0xdc: {  	[tilespmem:s17+$0x12860] =	vst v2  }
0xdd: {  	[tilespmem:s17+$0x12870] =	vst v1  }
0xde: {  	s15 =	sadd.s32 $0x1, s15  }
0xdf: {  	p0 =	sne.s32 s15, s7  }
.Ltmp2:
0xe0: {  	_ = 	snop;
	(pc) =	sbr.rel @p0 .LBB2_1-.Ltmp2, $4  }
0xe1: {  	[hbm4b:s6+s11] =	stream.strided.scatter [tilespmem:s13], [sflag:$0x2], $0x1400, s12, s11, $0x38;
	[tilespmem:$0x13C00] =	vst v63  }
0xe2: {  	_ =	swait.ge [sflag:s14], $0x1400  }
0xe3: {  	[sflag:s14] =	ssyncset.done $0x0  }
0xe4: {  	[sflag:s14] =	ssyncadd.s32 $0xFFFFEC00  }
0xe5: {  	_ =	sfence.sel $0x180000  }
0xe6: {  	[bflag:$0x0] =	sbarrier.arrive $0xFFFF  }
0xe7: {  	p0 =	sne.s32 s1, $0x0;
	_ =	strace $0x90000047  }
0xe8: {  	s0 =	sadd.s32 @!p0 $0x100000, s0;
	[bflag:$0x2] =	sbarrier.arrive $0xFFFF  }
0xe9: {  	[sflag:s0] =	ssyncadd.tile.s32 @!p0 $0x1;
	_ =	shalt  }
.Lfunc_end2:
_tile_overlayer_lowered:
.L_overlay_start_2:
0xea: {  	(tag) =	ssettag $0x2  }
0xeb: {  	s0 =	rddreg [dreg:$0x0];
	s2 =	stileid.u32  }
0xec: {  	s1 =	rddreg [dreg:$0x1];
	p0 =	sne.s32 s2, $0x0  }
0xed: {  	s3 =	rddreg [dreg:$0x2];
	[bflag:$0x3] =	sbarrier.arrive $0xFFFF;
	s2 =	simm.s32 @!p0 $0x1C02  }
0xee: {  	[timem:s3], [sflag:s2] =	dma.local @!p0 [hbm:s0], s1  }
0xef: {  	s0 =	simm.s32 @!p0 $0x2  }
0xf0: {  	_ =	swait.ge @!p0 [sflag:s0], s1  }
0xf1: {  	s1 =	ssub.s32 @!p0 $0x0, s1;
	[sflag:s0] =	ssyncset.done @!p0 $0x0  }
0xf2: {  	[sflag:s0] =	ssyncadd.s32 @!p0 s1  }
0xf3: {  	[bflag:$0x3] =	sbarrier.arrive $0xFFFF  }
0xf4: {  	_ =	shalt  }

</sc_bundles>
